<compile_context>
chip_gen: v7x
topology: tpu7x:2x2x1
jax: 0.10.2.dev20260603
libtpu: 0.0.44.dev20260713+nightly
codegen_flags: <defaults>
</compile_context>

<pallas_src>
import functools

import jax
import jax.numpy as jnp
from jax import lax
from jax.experimental import pallas as pl
from jax.experimental.pallas import tpu as pltpu
from jax.experimental.pallas import tpu_sc as plsc

V = 1000
D = 64
DP = D // 2
J = 20
B = 4096
NC, NS = 2, 16
NW = NC * NS
BQ = B // NW
L = 16

_mesh = plsc.VectorSubcoreMesh(core_axis_name="c", subcore_axis_name="s")


@functools.partial(
    pl.kernel,
    mesh=_mesh,
    out_type=jax.ShapeDtypeStruct((J, D, B), jnp.float32),
    compiler_params=pltpu.CompilerParams(needs_layout_passes=False),
    scratch_types=[
        pltpu.VMEM((J, BQ), jnp.int32),
        pltpu.VMEM((V * DP,), jnp.int32),
        pltpu.VMEM((D, BQ), jnp.float32),
        pltpu.VMEM((D, BQ), jnp.float32),
        pltpu.SemaphoreType.DMA,
        pltpu.SemaphoreType.DMA,
    ],
)
def _emb_lookup(tok_hbm, tab_hbm, out_hbm, tok_v, tab_v, buf0, buf1, o0, o1):
    wid = lax.axis_index("s") * NC + lax.axis_index("c")
    b0 = wid * BQ
    bufs = (buf0, buf1)
    osems = (o0, o1)

    tok_cp = pltpu.async_copy(tok_hbm.at[:, wid], tok_v, o0)
    tab_cp = pltpu.async_copy(tab_hbm, tab_v, o1)
    tok_cp.wait()
    tab_cp.wait()

    def wait_write(p):
        pltpu.make_async_copy(
            bufs[p], out_hbm.at[0, :, pl.ds(b0, BQ)], osems[p]
        ).wait()

    def body(jj, _):
        for p in range(2):
            j = 2 * jj + p

            @pl.when(jj > 0)
            def _():
                wait_write(p)

            buf = bufs[p]

            @plsc.parallel_loop(0, BQ // L, unroll=4)
            def fi(i):
                idx = tok_v[j, pl.ds(i * L, L)]
                for k in range(DP):
                    w = plsc.load_gather(tab_v, [idx + k * V])
                    wb = plsc.bitcast(w, jnp.bfloat16)
                    a, b = plsc.unpack(wb, format=plsc.PackFormat.INTERLEAVED)
                    buf[2 * k, pl.ds(i * L, L)] = a
                    buf[2 * k + 1, pl.ds(i * L, L)] = b

            pltpu.async_copy(buf, out_hbm.at[j, :, pl.ds(b0, BQ)], osems[p])
        return 0

    lax.fori_loop(0, J // 2, body, 0)
    wait_write(0)
    wait_write(1)


def kernel(token_ids, embedding):
    tok = token_ids.astype(jnp.int32).T.reshape(J, NW, BQ)
    pairs = embedding.astype(jnp.bfloat16).reshape(V, DP, 2)
    tab = lax.bitcast_convert_type(pairs, jnp.int32).T.reshape(-1)
    out = _emb_lookup(tok, tab)
    return out.transpose(2, 0, 1)

# --- scband reference (transcript-rebuilt; emitter-appended) ---
"""Pipeline reference for scband-embedding-84645215470158 (READ-ONLY COPY).

The authoritative reference and input builder live on the scoring server;
editing this copy changes nothing except your own understanding.
"""

import jax, jax.numpy as jnp
import numpy as np

NUM_EMBEDDINGS = 1000
EMBEDDING_DIM = 64

def setup_inputs(seed: int = 0) -> dict:
    key = jax.random.key(seed)
    k1, k2 = jax.random.split(key)
    token_ids = jax.random.randint(k1, (4096, 20), 0, NUM_EMBEDDINGS, dtype=jnp.int64 if jax.config.jax_enable_x64 else jnp.int32)
    # trunc_normal-initialized embedding table (approximate with clipped normal)
    embedding = jnp.clip(jax.random.normal(k2, (NUM_EMBEDDINGS, EMBEDDING_DIM), dtype=jnp.float32), -2.0, 2.0)
    return {"token_ids": token_ids, "embedding": embedding}

def reference(token_ids, embedding):
    # Faithful translation: one-hot select followed by einsum contraction
    token_select = jax.nn.one_hot(token_ids, NUM_EMBEDDINGS, dtype=jnp.float32)
    out = jnp.einsum('...v,vd->...d', token_select, embedding)
    return out

if __name__ == "__main__":
    import jax
    _d = setup_inputs()
    print(jax.jit(kernel)(*tuple(_d.values())))

</pallas_src>

<mosaic_0001>
#map = affine_map<(d0, d1) -> (0, 0, 0)>
#map1 = affine_map<(d0, d1) -> (0)>
module attributes {stable_mosaic.version = 14 : i64} {
  func.func @_emb_lookup(%arg0: i32, %arg1: i32, %arg2: memref<20x32x128xi32, #tpu.memory_space<hbm>>, %arg3: memref<32000xi32, #tpu.memory_space<hbm>>, %arg4: memref<20x64x4096xf32, #tpu.memory_space<hbm>>, %arg5: memref<20x128xi32, #tpu.memory_space<vmem>>, %arg6: memref<32000xi32, #tpu.memory_space<vmem>>, %arg7: memref<64x128xf32, #tpu.memory_space<vmem>>, %arg8: memref<64x128xf32, #tpu.memory_space<vmem>>, %arg9: memref<!tpu.dma_semaphore, #tpu.memory_space<semaphore_mem>>, %arg10: memref<!tpu.dma_semaphore, #tpu.memory_space<semaphore_mem>>) attributes {dimension_semantics = [#tpu.dimension_semantics<core_parallel>, #tpu.dimension_semantics<subcore_parallel>], iteration_bounds = array<i64: 2, 16>, scalar_prefetch = 0 : i64, scratch_operands = 6 : i64, tpu.core_type = #tpu.core_type<sc_vector_subcore>, window_params = [{transform_indices = #map}, {transform_indices = #map1}, {transform_indices = #map}]} {
    %mul3A = arith.constant 2 : i32
    %mul3A_0 = arith.muli %arg1, %mul3A : i32
    %add3A = arith.addi %mul3A_0, %arg0 : i32
    %mul3A_1 = arith.constant 128 : i32
    %mul3A_2 = arith.muli %add3A, %mul3A_1 : i32
    %dma_start3A = arith.constant 0 : i32
    %dma_start3A_3 = arith.constant 0 : i32
    %dma_start3A_4 = tpu.memref_slice %arg2[%dma_start3A, %add3A, %dma_start3A_3] : memref<20x32x128xi32, #tpu.memory_space<hbm>> -> memref<20x1x128xi32, #tpu.memory_space<hbm>>
    %dma_start3A_5 = tpu.memref_squeeze %dma_start3A_4 : memref<20x1x128xi32, #tpu.memory_space<hbm>> -> memref<20x128xi32, #tpu.memory_space<hbm>>
    %dma_start3A_6 = arith.constant 0 : i32
    %dma_start3A_7 = arith.constant 0 : i32
    %dma_start3A_8 = tpu.memref_slice %arg2[%dma_start3A_6, %add3A, %dma_start3A_7] : memref<20x32x128xi32, #tpu.memory_space<hbm>> -> memref<20x1x128xi32, #tpu.memory_space<hbm>>
    %dma_start3A_9 = tpu.memref_squeeze %dma_start3A_8 : memref<20x1x128xi32, #tpu.memory_space<hbm>> -> memref<20x128xi32, #tpu.memory_space<hbm>>
    tpu.enqueue_dma source(%dma_start3A_9 : memref<20x128xi32, #tpu.memory_space<hbm>>) target(%arg5 : memref<20x128xi32, #tpu.memory_space<vmem>>) target_semaphore(%arg9 : memref<!tpu.dma_semaphore, #tpu.memory_space<semaphore_mem>>)
    tpu.enqueue_dma source(%arg3 : memref<32000xi32, #tpu.memory_space<hbm>>) target(%arg6 : memref<32000xi32, #tpu.memory_space<vmem>>) target_semaphore(%arg10 : memref<!tpu.dma_semaphore, #tpu.memory_space<semaphore_mem>>)
    %dma_wait3A = arith.constant 0 : i32
    %dma_wait3A_10 = arith.constant 0 : i32
    %dma_wait3A_11 = tpu.memref_slice %arg2[%dma_wait3A, %add3A, %dma_wait3A_10] : memref<20x32x128xi32, #tpu.memory_space<hbm>> -> memref<20x1x128xi32, #tpu.memory_space<hbm>>
    %dma_wait3A_12 = tpu.memref_squeeze %dma_wait3A_11 : memref<20x1x128xi32, #tpu.memory_space<hbm>> -> memref<20x128xi32, #tpu.memory_space<hbm>>
    %dma_wait3A_13 = arith.constant 0 : i32
    %dma_wait3A_14 = arith.constant 0 : i32
    %dma_wait3A_15 = tpu.memref_slice %arg2[%dma_wait3A_13, %add3A, %dma_wait3A_14] : memref<20x32x128xi32, #tpu.memory_space<hbm>> -> memref<20x1x128xi32, #tpu.memory_space<hbm>>
    %dma_wait3A_16 = tpu.memref_squeeze %dma_wait3A_15 : memref<20x1x128xi32, #tpu.memory_space<hbm>> -> memref<20x128xi32, #tpu.memory_space<hbm>>
    tpu.wait_dma2 semaphore(%arg9 : memref<!tpu.dma_semaphore, #tpu.memory_space<semaphore_mem>>) src(%dma_wait3A_16 : memref<20x128xi32, #tpu.memory_space<hbm>>) dst(%arg5 : memref<20x128xi32, #tpu.memory_space<vmem>>)
    tpu.wait_dma2 semaphore(%arg10 : memref<!tpu.dma_semaphore, #tpu.memory_space<semaphore_mem>>) src(%arg3 : memref<32000xi32, #tpu.memory_space<hbm>>) dst(%arg6 : memref<32000xi32, #tpu.memory_space<vmem>>)
    %scan3A = arith.constant 0 : i32
    %scan3A_17 = arith.constant 0 : i32
    %scan3A_18 = arith.constant 10 : i32
    %scan3A_19 = arith.addi %scan3A_17, %scan3A_18 : i32
    %scan3A_20 = arith.constant 1 : i32
    %scan3A_21 = scf.for %scan3A_37 = %scan3A_17 to %scan3A_19 step %scan3A_20 iter_args(%scan3A_38 = %scan3A) -> (i32)  : i32 {
      %mul3A_39 = arith.constant 2 : i32
      %mul3A_40 = arith.muli %mul3A_39, %scan3A_37 : i32
      %add3A_41 = arith.constant 0 : i32
      %add3A_42 = arith.addi %mul3A_40, %add3A_41 : i32
      %gt3A = arith.constant 0 : i32
      %gt3A_43 = arith.cmpi sgt, %scan3A_37, %gt3A : i32
      %convert_element_type3A = arith.extui %gt3A_43 : i1 to i32
      %cond3A = arith.constant 0 : i32
      %cond3A_44 = arith.cmpi ne, %convert_element_type3A, %cond3A : i32
      scf.if %cond3A_44 {
        %dma_wait3A_72 = arith.constant 0 : i32
        %dma_wait3A_73 = arith.constant 0 : i32
        %dma_wait3A_74 = tpu.memref_slice %arg4[%dma_wait3A_72, %dma_wait3A_73, %mul3A_2] : memref<20x64x4096xf32, #tpu.memory_space<hbm>> -> memref<1x64x128xf32, #tpu.memory_space<hbm>>
        %dma_wait3A_75 = tpu.memref_squeeze %dma_wait3A_74 : memref<1x64x128xf32, #tpu.memory_space<hbm>> -> memref<64x128xf32, #tpu.memory_space<hbm>>
        %dma_wait3A_76 = arith.constant 0 : i32
        %dma_wait3A_77 = tpu.memref_slice %arg4[%dma_wait3A_72, %dma_wait3A_76, %mul3A_2] : memref<20x64x4096xf32, #tpu.memory_space<hbm>> -> memref<1x64x128xf32, #tpu.memory_space<hbm>>
        %dma_wait3A_78 = tpu.memref_squeeze %dma_wait3A_77 : memref<1x64x128xf32, #tpu.memory_space<hbm>> -> memref<64x128xf32, #tpu.memory_space<hbm>>
        tpu.wait_dma2 semaphore(%arg9 : memref<!tpu.dma_semaphore, #tpu.memory_space<semaphore_mem>>) src(%arg7 : memref<64x128xf32, #tpu.memory_space<vmem>>) dst(%dma_wait3A_78 : memref<64x128xf32, #tpu.memory_space<hbm>>)
      } else {
      }
      %parallel_loop3A = arith.constant 0 : i32
      %parallel_loop3A_45 = arith.constant 8 : i32
      %parallel_loop3A_46 = arith.constant 1 : i32
      scf.for %parallel_loop3A_72 = %parallel_loop3A to %parallel_loop3A_45 step %parallel_loop3A_46  : i32 {
        %parallel_loop3A_73 = arith.constant 16 : i32
        %parallel_loop3A_74 = arith.muli %parallel_loop3A_72, %parallel_loop3A_73 : i32
        %parallel_loop3A_75 = arith.index_cast %add3A_42 : i32 to index
        %parallel_loop3A_76 = arith.index_cast %parallel_loop3A_74 : i32 to index
        %parallel_loop3A_77 = tpu.vector_load %arg5[%parallel_loop3A_75, %parallel_loop3A_76] {strides = array<i32>} : memref<20x128xi32, #tpu.memory_space<vmem>>, vector<16xi32>,
        %parallel_loop3A_78 = arith.constant 0 : i32
        %parallel_loop3A_79 = vector.broadcast %parallel_loop3A_78 : i32 to vector<16xi32>
        %parallel_loop3A_80 = arith.addi %parallel_loop3A_77, %parallel_loop3A_79 : vector<16xi32>
        %parallel_loop3A_81 = tpu.vector_load_idx %arg6[%parallel_loop3A_80] : memref<32000xi32, #tpu.memory_space<vmem>>[vector<16xi32>], vector<16xi32>,
        %parallel_loop3A_82 = vector.bitcast %parallel_loop3A_81 : vector<16xi32> to vector<32xbf16>
        %parallel_loop3A_83 = tpu.unpack_subelements %parallel_loop3A_82, 0 {pack_format = #tpu.pack_format<interleaved>} : vector<32xbf16> -> vector<16xf32>
        %parallel_loop3A_84 = tpu.unpack_subelements %parallel_loop3A_82, 1 {pack_format = #tpu.pack_format<interleaved>} : vector<32xbf16> -> vector<16xf32>
        %parallel_loop3A_85 = arith.constant 16 : i32
        %parallel_loop3A_86 = arith.muli %parallel_loop3A_72, %parallel_loop3A_85 : i32
        %parallel_loop3A_87 = arith.constant 0 : i32
        %parallel_loop3A_88 = arith.index_cast %parallel_loop3A_87 : i32 to index
        %parallel_loop3A_89 = arith.index_cast %parallel_loop3A_86 : i32 to index
        %parallel_loop3A_90 = tpu.vector_load %arg7[%parallel_loop3A_88, %parallel_loop3A_89] {strides = array<i32>} : memref<64x128xf32, #tpu.memory_space<vmem>>, vector<16xf32>,
        tpu.vector_store %arg7[%parallel_loop3A_88, %parallel_loop3A_89], %parallel_loop3A_83 {strides = array<i32>} : memref<64x128xf32, #tpu.memory_space<vmem>>, vector<16xf32>,
        %parallel_loop3A_91 = arith.constant 16 : i32
        %parallel_loop3A_92 = arith.muli %parallel_loop3A_72, %parallel_loop3A_91 : i32
        %parallel_loop3A_93 = arith.constant 1 : i32
        %parallel_loop3A_94 = arith.index_cast %parallel_loop3A_93 : i32 to index
        %parallel_loop3A_95 = arith.index_cast %parallel_loop3A_92 : i32 to index
        %parallel_loop3A_96 = tpu.vector_load %arg7[%parallel_loop3A_94, %parallel_loop3A_95] {strides = array<i32>} : memref<64x128xf32, #tpu.memory_space<vmem>>, vector<16xf32>,
        tpu.vector_store %arg7[%parallel_loop3A_94, %parallel_loop3A_95], %parallel_loop3A_84 {strides = array<i32>} : memref<64x128xf32, #tpu.memory_space<vmem>>, vector<16xf32>,
        %parallel_loop3A_97 = arith.constant 1000 : i32
        %parallel_loop3A_98 = vector.broadcast %parallel_loop3A_97 : i32 to vector<16xi32>
        %parallel_loop3A_99 = arith.addi %parallel_loop3A_77, %parallel_loop3A_98 : vector<16xi32>
        %parallel_loop3A_100 = tpu.vector_load_idx %arg6[%parallel_loop3A_99] : memref<32000xi32, #tpu.memory_space<vmem>>[vector<16xi32>], vector<16xi32>,
        %parallel_loop3A_101 = vector.bitcast %parallel_loop3A_100 : vector<16xi32> to vector<32xbf16>
        %parallel_loop3A_102 = tpu.unpack_subelements %parallel_loop3A_101, 0 {pack_format = #tpu.pack_format<interleaved>} : vector<32xbf16> -> vector<16xf32>
        %parallel_loop3A_103 = tpu.unpack_subelements %parallel_loop3A_101, 1 {pack_format = #tpu.pack_format<interleaved>} : vector<32xbf16> -> vector<16xf32>
        %parallel_loop3A_104 = arith.constant 16 : i32
        %parallel_loop3A_105 = arith.muli %parallel_loop3A_72, %parallel_loop3A_104 : i32
        %parallel_loop3A_106 = arith.constant 2 : i32
        %parallel_loop3A_107 = arith.index_cast %parallel_loop3A_106 : i32 to index
        %parallel_loop3A_108 = arith.index_cast %parallel_loop3A_105 : i32 to index
        %parallel_loop3A_109 = tpu.vector_load %arg7[%parallel_loop3A_107, %parallel_loop3A_108] {strides = array<i32>} : memref<64x128xf32, #tpu.memory_space<vmem>>, vector<16xf32>,
        tpu.vector_store %arg7[%parallel_loop3A_107, %parallel_loop3A_108], %parallel_loop3A_102 {strides = array<i32>} : memref<64x128xf32, #tpu.memory_space<vmem>>, vector<16xf32>,
        %parallel_loop3A_110 = arith.constant 16 : i32
        %parallel_loop3A_111 = arith.muli %parallel_loop3A_72, %parallel_loop3A_110 : i32
        %parallel_loop3A_112 = arith.constant 3 : i32
        %parallel_loop3A_113 = arith.index_cast %parallel_loop3A_112 : i32 to index
        %parallel_loop3A_114 = arith.index_cast %parallel_loop3A_111 : i32 to index
        %parallel_loop3A_115 = tpu.vector_load %arg7[%parallel_loop3A_113, %parallel_loop3A_114] {strides = array<i32>} : memref<64x128xf32, #tpu.memory_space<vmem>>, vector<16xf32>,
        tpu.vector_store %arg7[%parallel_loop3A_113, %parallel_loop3A_114], %parallel_loop3A_103 {strides = array<i32>} : memref<64x128xf32, #tpu.memory_space<vmem>>, vector<16xf32>,
        %parallel_loop3A_116 = arith.constant 2000 : i32
        %parallel_loop3A_117 = vector.broadcast %parallel_loop3A_116 : i32 to vector<16xi32>
        %parallel_loop3A_118 = arith.addi %parallel_loop3A_77, %parallel_loop3A_117 : vector<16xi32>
        %parallel_loop3A_119 = tpu.vector_load_idx %arg6[%parallel_loop3A_118] : memref<32000xi32, #tpu.memory_space<vmem>>[vector<16xi32>], vector<16xi32>,
        %parallel_loop3A_120 = vector.bitcast %parallel_loop3A_119 : vector<16xi32> to vector<32xbf16>
        %parallel_loop3A_121 = tpu.unpack_subelements %parallel_loop3A_120, 0 {pack_format = #tpu.pack_format<interleaved>} : vector<32xbf16> -> vector<16xf32>
        %parallel_loop3A_122 = tpu.unpack_subelements %parallel_loop3A_120, 1 {pack_format = #tpu.pack_format<interleaved>} : vector<32xbf16> -> vector<16xf32>
        %parallel_loop3A_123 = arith.constant 16 : i32
        %parallel_loop3A_124 = arith.muli %parallel_loop3A_72, %parallel_loop3A_123 : i32
        %parallel_loop3A_125 = arith.constant 4 : i32
        %parallel_loop3A_126 = arith.index_cast %parallel_loop3A_125 : i32 to index
        %parallel_loop3A_127 = arith.index_cast %parallel_loop3A_124 : i32 to index
        %parallel_loop3A_128 = tpu.vector_load %arg7[%parallel_loop3A_126, %parallel_loop3A_127] {strides = array<i32>} : memref<64x128xf32, #tpu.memory_space<vmem>>, vector<16xf32>,
        tpu.vector_store %arg7[%parallel_loop3A_126, %parallel_loop3A_127], %parallel_loop3A_121 {strides = array<i32>} : memref<64x128xf32, #tpu.memory_space<vmem>>, vector<16xf32>,
        %parallel_loop3A_129 = arith.constant 16 : i32
        %parallel_loop3A_130 = arith.muli %parallel_loop3A_72, %parallel_loop3A_129 : i32
        %parallel_loop3A_131 = arith.constant 5 : i32
        %parallel_loop3A_132 = arith.index_cast %parallel_loop3A_131 : i32 to index
        %parallel_loop3A_133 = arith.index_cast %parallel_loop3A_130 : i32 to index
        %parallel_loop3A_134 = tpu.vector_load %arg7[%parallel_loop3A_132, %parallel_loop3A_133] {strides = array<i32>} : memref<64x128xf32, #tpu.memory_space<vmem>>, vector<16xf32>,
        tpu.vector_store %arg7[%parallel_loop3A_132, %parallel_loop3A_133], %parallel_loop3A_122 {strides = array<i32>} : memref<64x128xf32, #tpu.memory_space<vmem>>, vector<16xf32>,
        %parallel_loop3A_135 = arith.constant 3000 : i32
        %parallel_loop3A_136 = vector.broadcast %parallel_loop3A_135 : i32 to vector<16xi32>
        %parallel_loop3A_137 = arith.addi %parallel_loop3A_77, %parallel_loop3A_136 : vector<16xi32>
        %parallel_loop3A_138 = tpu.vector_load_idx %arg6[%parallel_loop3A_137] : memref<32000xi32, #tpu.memory_space<vmem>>[vector<16xi32>], vector<16xi32>,
        %parallel_loop3A_139 = vector.bitcast %parallel_loop3A_138 : vector<16xi32> to vector<32xbf16>
        %parallel_loop3A_140 = tpu.unpack_subelements %parallel_loop3A_139, 0 {pack_format = #tpu.pack_format<interleaved>} : vector<32xbf16> -> vector<16xf32>
        %parallel_loop3A_141 = tpu.unpack_subelements %parallel_loop3A_139, 1 {pack_format = #tpu.pack_format<interleaved>} : vector<32xbf16> -> vector<16xf32>
        %parallel_loop3A_142 = arith.constant 16 : i32
        %parallel_loop3A_143 = arith.muli %parallel_loop3A_72, %parallel_loop3A_142 : i32
        %parallel_loop3A_144 = arith.constant 6 : i32
        %parallel_loop3A_145 = arith.index_cast %parallel_loop3A_144 : i32 to index
        %parallel_loop3A_146 = arith.index_cast %parallel_loop3A_143 : i32 to index
        %parallel_loop3A_147 = tpu.vector_load %arg7[%parallel_loop3A_145, %parallel_loop3A_146] {strides = array<i32>} : memref<64x128xf32, #tpu.memory_space<vmem>>, vector<16xf32>,
        tpu.vector_store %arg7[%parallel_loop3A_145, %parallel_loop3A_146], %parallel_loop3A_140 {strides = array<i32>} : memref<64x128xf32, #tpu.memory_space<vmem>>, vector<16xf32>,
        %parallel_loop3A_148 = arith.constant 16 : i32
        %parallel_loop3A_149 = arith.muli %parallel_loop3A_72, %parallel_loop3A_148 : i32
        %parallel_loop3A_150 = arith.constant 7 : i32
        %parallel_loop3A_151 = arith.index_cast %parallel_loop3A_150 : i32 to index
        %parallel_loop3A_152 = arith.index_cast %parallel_loop3A_149 : i32 to index
        %parallel_loop3A_153 = tpu.vector_load %arg7[%parallel_loop3A_151, %parallel_loop3A_152] {strides = array<i32>} : memref<64x128xf32, #tpu.memory_space<vmem>>, vector<16xf32>,
        tpu.vector_store %arg7[%parallel_loop3A_151, %parallel_loop3A_152], %parallel_loop3A_141 {strides = array<i32>} : memref<64x128xf32, #tpu.memory_space<vmem>>, vector<16xf32>,
        %parallel_loop3A_154 = arith.constant 4000 : i32
        %parallel_loop3A_155 = vector.broadcast %parallel_loop3A_154 : i32 to vector<16xi32>
        %parallel_loop3A_156 = arith.addi %parallel_loop3A_77, %parallel_loop3A_155 : vector<16xi32>
        %parallel_loop3A_157 = tpu.vector_load_idx %arg6[%parallel_loop3A_156] : memref<32000xi32, #tpu.memory_space<vmem>>[vector<16xi32>], vector<16xi32>,
        %parallel_loop3A_158 = vector.bitcast %parallel_loop3A_157 : vector<16xi32> to vector<32xbf16>
        %parallel_loop3A_159 = tpu.unpack_subelements %parallel_loop3A_158, 0 {pack_format = #tpu.pack_format<interleaved>} : vector<32xbf16> -> vector<16xf32>
        %parallel_loop3A_160 = tpu.unpack_subelements %parallel_loop3A_158, 1 {pack_format = #tpu.pack_format<interleaved>} : vector<32xbf16> -> vector<16xf32>
        %parallel_loop3A_161 = arith.constant 16 : i32
        %parallel_loop3A_162 = arith.muli %parallel_loop3A_72, %parallel_loop3A_161 : i32
        %parallel_loop3A_163 = arith.constant 8 : i32
        %parallel_loop3A_164 = arith.index_cast %parallel_loop3A_163 : i32 to index
        %parallel_loop3A_165 = arith.index_cast %parallel_loop3A_162 : i32 to index
        %parallel_loop3A_166 = tpu.vector_load %arg7[%parallel_loop3A_164, %parallel_loop3A_165] {strides = array<i32>} : memref<64x128xf32, #tpu.memory_space<vmem>>, vector<16xf32>,
        tpu.vector_store %arg7[%parallel_loop3A_164, %parallel_loop3A_165], %parallel_loop3A_159 {strides = array<i32>} : memref<64x128xf32, #tpu.memory_space<vmem>>, vector<16xf32>,
        %parallel_loop3A_167 = arith.constant 16 : i32
        %parallel_loop3A_168 = arith.muli %parallel_loop3A_72, %parallel_loop3A_167 : i32
        %parallel_loop3A_169 = arith.constant 9 : i32
        %parallel_loop3A_170 = arith.index_cast %parallel_loop3A_169 : i32 to index
        %parallel_loop3A_171 = arith.index_cast %parallel_loop3A_168 : i32 to index
        %parallel_loop3A_172 = tpu.vector_load %arg7[%parallel_loop3A_170, %parallel_loop3A_171] {strides = array<i32>} : memref<64x128xf32, #tpu.memory_space<vmem>>, vector<16xf32>,
        tpu.vector_store %arg7[%parallel_loop3A_170, %parallel_loop3A_171], %parallel_loop3A_160 {strides = array<i32>} : memref<64x128xf32, #tpu.memory_space<vmem>>, vector<16xf32>,
        %parallel_loop3A_173 = arith.constant 5000 : i32
        %parallel_loop3A_174 = vector.broadcast %parallel_loop3A_173 : i32 to vector<16xi32>
        %parallel_loop3A_175 = arith.addi %parallel_loop3A_77, %parallel_loop3A_174 : vector<16xi32>
        %parallel_loop3A_176 = tpu.vector_load_idx %arg6[%parallel_loop3A_175] : memref<32000xi32, #tpu.memory_space<vmem>>[vector<16xi32>], vector<16xi32>,
        %parallel_loop3A_177 = vector.bitcast %parallel_loop3A_176 : vector<16xi32> to vector<32xbf16>
        %parallel_loop3A_178 = tpu.unpack_subelements %parallel_loop3A_177, 0 {pack_format = #tpu.pack_format<interleaved>} : vector<32xbf16> -> vector<16xf32>
        %parallel_loop3A_179 = tpu.unpack_subelements %parallel_loop3A_177, 1 {pack_format = #tpu.pack_format<interleaved>} : vector<32xbf16> -> vector<16xf32>
        %parallel_loop3A_180 = arith.constant 16 : i32
        %parallel_loop3A_181 = arith.muli %parallel_loop3A_72, %parallel_loop3A_180 : i32
        %parallel_loop3A_182 = arith.constant 10 : i32
        %parallel_loop3A_183 = arith.index_cast %parallel_loop3A_182 : i32 to index
        %parallel_loop3A_184 = arith.index_cast %parallel_loop3A_181 : i32 to index
        %parallel_loop3A_185 = tpu.vector_load %arg7[%parallel_loop3A_183, %parallel_loop3A_184] {strides = array<i32>} : memref<64x128xf32, #tpu.memory_space<vmem>>, vector<16xf32>,
        tpu.vector_store %arg7[%parallel_loop3A_183, %parallel_loop3A_184], %parallel_loop3A_178 {strides = array<i32>} : memref<64x128xf32, #tpu.memory_space<vmem>>, vector<16xf32>,
        %parallel_loop3A_186 = arith.constant 16 : i32
        %parallel_loop3A_187 = arith.muli %parallel_loop3A_72, %parallel_loop3A_186 : i32
        %parallel_loop3A_188 = arith.constant 11 : i32
        %parallel_loop3A_189 = arith.index_cast %parallel_loop3A_188 : i32 to index
        %parallel_loop3A_190 = arith.index_cast %parallel_loop3A_187 : i32 to index
        %parallel_loop3A_191 = tpu.vector_load %arg7[%parallel_loop3A_189, %parallel_loop3A_190] {strides = array<i32>} : memref<64x128xf32, #tpu.memory_space<vmem>>, vector<16xf32>,
        tpu.vector_store %arg7[%parallel_loop3A_189, %parallel_loop3A_190], %parallel_loop3A_179 {strides = array<i32>} : memref<64x128xf32, #tpu.memory_space<vmem>>, vector<16xf32>,
        %parallel_loop3A_192 = arith.constant 6000 : i32
        %parallel_loop3A_193 = vector.broadcast %parallel_loop3A_192 : i32 to vector<16xi32>
        %parallel_loop3A_194 = arith.addi %parallel_loop3A_77, %parallel_loop3A_193 : vector<16xi32>
        %parallel_loop3A_195 = tpu.vector_load_idx %arg6[%parallel_loop3A_194] : memref<32000xi32, #tpu.memory_space<vmem>>[vector<16xi32>], vector<16xi32>,
        %parallel_loop3A_196 = vector.bitcast %parallel_loop3A_195 : vector<16xi32> to vector<32xbf16>
        %parallel_loop3A_197 = tpu.unpack_subelements %parallel_loop3A_196, 0 {pack_format = #tpu.pack_format<interleaved>} : vector<32xbf16> -> vector<16xf32>
        %parallel_loop3A_198 = tpu.unpack_subelements %parallel_loop3A_196, 1 {pack_format = #tpu.pack_format<interleaved>} : vector<32xbf16> -> vector<16xf32>
        %parallel_loop3A_199 = arith.constant 16 : i32
        %parallel_loop3A_200 = arith.muli %parallel_loop3A_72, %parallel_loop3A_199 : i32
        %parallel_loop3A_201 = arith.constant 12 : i32
        %parallel_loop3A_202 = arith.index_cast %parallel_loop3A_201 : i32 to index
        %parallel_loop3A_203 = arith.index_cast %parallel_loop3A_200 : i32 to index
        %parallel_loop3A_204 = tpu.vector_load %arg7[%parallel_loop3A_202, %parallel_loop3A_203] {strides = array<i32>} : memref<64x128xf32, #tpu.memory_space<vmem>>, vector<16xf32>,
        tpu.vector_store %arg7[%parallel_loop3A_202, %parallel_loop3A_203], %parallel_loop3A_197 {strides = array<i32>} : memref<64x128xf32, #tpu.memory_space<vmem>>, vector<16xf32>,
        %parallel_loop3A_205 = arith.constant 16 : i32
        %parallel_loop3A_206 = arith.muli %parallel_loop3A_72, %parallel_loop3A_205 : i32
        %parallel_loop3A_207 = arith.constant 13 : i32
        %parallel_loop3A_208 = arith.index_cast %parallel_loop3A_207 : i32 to index
        %parallel_loop3A_209 = arith.index_cast %parallel_loop3A_206 : i32 to index
        %parallel_loop3A_210 = tpu.vector_load %arg7[%parallel_loop3A_208, %parallel_loop3A_209] {strides = array<i32>} : memref<64x128xf32, #tpu.memory_space<vmem>>, vector<16xf32>,
        tpu.vector_store %arg7[%parallel_loop3A_208, %parallel_loop3A_209], %parallel_loop3A_198 {strides = array<i32>} : memref<64x128xf32, #tpu.memory_space<vmem>>, vector<16xf32>,
        %parallel_loop3A_211 = arith.constant 7000 : i32
        %parallel_loop3A_212 = vector.broadcast %parallel_loop3A_211 : i32 to vector<16xi32>
        %parallel_loop3A_213 = arith.addi %parallel_loop3A_77, %parallel_loop3A_212 : vector<16xi32>
        %parallel_loop3A_214 = tpu.vector_load_idx %arg6[%parallel_loop3A_213] : memref<32000xi32, #tpu.memory_space<vmem>>[vector<16xi32>], vector<16xi32>,
        %parallel_loop3A_215 = vector.bitcast %parallel_loop3A_214 : vector<16xi32> to vector<32xbf16>
        %parallel_loop3A_216 = tpu.unpack_subelements %parallel_loop3A_215, 0 {pack_format = #tpu.pack_format<interleaved>} : vector<32xbf16> -> vector<16xf32>
        %parallel_loop3A_217 = tpu.unpack_subelements %parallel_loop3A_215, 1 {pack_format = #tpu.pack_format<interleaved>} : vector<32xbf16> -> vector<16xf32>
        %parallel_loop3A_218 = arith.constant 16 : i32
        %parallel_loop3A_219 = arith.muli %parallel_loop3A_72, %parallel_loop3A_218 : i32
        %parallel_loop3A_220 = arith.constant 14 : i32
        %parallel_loop3A_221 = arith.index_cast %parallel_loop3A_220 : i32 to index
        %parallel_loop3A_222 = arith.index_cast %parallel_loop3A_219 : i32 to index
        %parallel_loop3A_223 = tpu.vector_load %arg7[%parallel_loop3A_221, %parallel_loop3A_222] {strides = array<i32>} : memref<64x128xf32, #tpu.memory_space<vmem>>, vector<16xf32>,
        tpu.vector_store %arg7[%parallel_loop3A_221, %parallel_loop3A_222], %parallel_loop3A_216 {strides = array<i32>} : memref<64x128xf32, #tpu.memory_space<vmem>>, vector<16xf32>,
        %parallel_loop3A_224 = arith.constant 16 : i32
        %parallel_loop3A_225 = arith.muli %parallel_loop3A_72, %parallel_loop3A_224 : i32
        %parallel_loop3A_226 = arith.constant 15 : i32
        %parallel_loop3A_227 = arith.index_cast %parallel_loop3A_226 : i32 to index
        %parallel_loop3A_228 = arith.index_cast %parallel_loop3A_225 : i32 to index
        %parallel_loop3A_229 = tpu.vector_load %arg7[%parallel_loop3A_227, %parallel_loop3A_228] {strides = array<i32>} : memref<64x128xf32, #tpu.memory_space<vmem>>, vector<16xf32>,
        tpu.vector_store %arg7[%parallel_loop3A_227, %parallel_loop3A_228], %parallel_loop3A_217 {strides = array<i32>} : memref<64x128xf32, #tpu.memory_space<vmem>>, vector<16xf32>,
        %parallel_loop3A_230 = arith.constant 8000 : i32
        %parallel_loop3A_231 = vector.broadcast %parallel_loop3A_230 : i32 to vector<16xi32>
        %parallel_loop3A_232 = arith.addi %parallel_loop3A_77, %parallel_loop3A_231 : vector<16xi32>
        %parallel_loop3A_233 = tpu.vector_load_idx %arg6[%parallel_loop3A_232] : memref<32000xi32, #tpu.memory_space<vmem>>[vector<16xi32>], vector<16xi32>,
        %parallel_loop3A_234 = vector.bitcast %parallel_loop3A_233 : vector<16xi32> to vector<32xbf16>
        %parallel_loop3A_235 = tpu.unpack_subelements %parallel_loop3A_234, 0 {pack_format = #tpu.pack_format<interleaved>} : vector<32xbf16> -> vector<16xf32>
        %parallel_loop3A_236 = tpu.unpack_subelements %parallel_loop3A_234, 1 {pack_format = #tpu.pack_format<interleaved>} : vector<32xbf16> -> vector<16xf32>
        %parallel_loop3A_237 = arith.constant 16 : i32
        %parallel_loop3A_238 = arith.muli %parallel_loop3A_72, %parallel_loop3A_237 : i32
        %parallel_loop3A_239 = arith.constant 16 : i32
        %parallel_loop3A_240 = arith.index_cast %parallel_loop3A_239 : i32 to index
        %parallel_loop3A_241 = arith.index_cast %parallel_loop3A_238 : i32 to index
        %parallel_loop3A_242 = tpu.vector_load %arg7[%parallel_loop3A_240, %parallel_loop3A_241] {strides = array<i32>} : memref<64x128xf32, #tpu.memory_space<vmem>>, vector<16xf32>,
        tpu.vector_store %arg7[%parallel_loop3A_240, %parallel_loop3A_241], %parallel_loop3A_235 {strides = array<i32>} : memref<64x128xf32, #tpu.memory_space<vmem>>, vector<16xf32>,
        %parallel_loop3A_243 = arith.constant 16 : i32
        %parallel_loop3A_244 = arith.muli %parallel_loop3A_72, %parallel_loop3A_243 : i32
        %parallel_loop3A_245 = arith.constant 17 : i32
        %parallel_loop3A_246 = arith.index_cast %parallel_loop3A_245 : i32 to index
        %parallel_loop3A_247 = arith.index_cast %parallel_loop3A_244 : i32 to index
        %parallel_loop3A_248 = tpu.vector_load %arg7[%parallel_loop3A_246, %parallel_loop3A_247] {strides = array<i32>} : memref<64x128xf32, #tpu.memory_space<vmem>>, vector<16xf32>,
        tpu.vector_store %arg7[%parallel_loop3A_246, %parallel_loop3A_247], %parallel_loop3A_236 {strides = array<i32>} : memref<64x128xf32, #tpu.memory_space<vmem>>, vector<16xf32>,
        %parallel_loop3A_249 = arith.constant 9000 : i32
        %parallel_loop3A_250 = vector.broadcast %parallel_loop3A_249 : i32 to vector<16xi32>
        %parallel_loop3A_251 = arith.addi %parallel_loop3A_77, %parallel_loop3A_250 : vector<16xi32>
        %parallel_loop3A_252 = tpu.vector_load_idx %arg6[%parallel_loop3A_251] : memref<32000xi32, #tpu.memory_space<vmem>>[vector<16xi32>], vector<16xi32>,
        %parallel_loop3A_253 = vector.bitcast %parallel_loop3A_252 : vector<16xi32> to vector<32xbf16>
        %parallel_loop3A_254 = tpu.unpack_subelements %parallel_loop3A_253, 0 {pack_format = #tpu.pack_format<interleaved>} : vector<32xbf16> -> vector<16xf32>
        %parallel_loop3A_255 = tpu.unpack_subelements %parallel_loop3A_253, 1 {pack_format = #tpu.pack_format<interleaved>} : vector<32xbf16> -> vector<16xf32>
        %parallel_loop3A_256 = arith.constant 16 : i32
        %parallel_loop3A_257 = arith.muli %parallel_loop3A_72, %parallel_loop3A_256 : i32
        %parallel_loop3A_258 = arith.constant 18 : i32
        %parallel_loop3A_259 = arith.index_cast %parallel_loop3A_258 : i32 to index
        %parallel_loop3A_260 = arith.index_cast %parallel_loop3A_257 : i32 to index
        %parallel_loop3A_261 = tpu.vector_load %arg7[%parallel_loop3A_259, %parallel_loop3A_260] {strides = array<i32>} : memref<64x128xf32, #tpu.memory_space<vmem>>, vector<16xf32>,
        tpu.vector_store %arg7[%parallel_loop3A_259, %parallel_loop3A_260], %parallel_loop3A_254 {strides = array<i32>} : memref<64x128xf32, #tpu.memory_space<vmem>>, vector<16xf32>,
        %parallel_loop3A_262 = arith.constant 16 : i32
        %parallel_loop3A_263 = arith.muli %parallel_loop3A_72, %parallel_loop3A_262 : i32
        %parallel_loop3A_264 = arith.constant 19 : i32
        %parallel_loop3A_265 = arith.index_cast %parallel_loop3A_264 : i32 to index
        %parallel_loop3A_266 = arith.index_cast %parallel_loop3A_263 : i32 to index
        %parallel_loop3A_267 = tpu.vector_load %arg7[%parallel_loop3A_265, %parallel_loop3A_266] {strides = array<i32>} : memref<64x128xf32, #tpu.memory_space<vmem>>, vector<16xf32>,
        tpu.vector_store %arg7[%parallel_loop3A_265, %parallel_loop3A_266], %parallel_loop3A_255 {strides = array<i32>} : memref<64x128xf32, #tpu.memory_space<vmem>>, vector<16xf32>,
        %parallel_loop3A_268 = arith.constant 10000 : i32
        %parallel_loop3A_269 = vector.broadcast %parallel_loop3A_268 : i32 to vector<16xi32>
        %parallel_loop3A_270 = arith.addi %parallel_loop3A_77, %parallel_loop3A_269 : vector<16xi32>
        %parallel_loop3A_271 = tpu.vector_load_idx %arg6[%parallel_loop3A_270] : memref<32000xi32, #tpu.memory_space<vmem>>[vector<16xi32>], vector<16xi32>,
        %parallel_loop3A_272 = vector.bitcast %parallel_loop3A_271 : vector<16xi32> to vector<32xbf16>
        %parallel_loop3A_273 = tpu.unpack_subelements %parallel_loop3A_272, 0 {pack_format = #tpu.pack_format<interleaved>} : vector<32xbf16> -> vector<16xf32>
        %parallel_loop3A_274 = tpu.unpack_subelements %parallel_loop3A_272, 1 {pack_format = #tpu.pack_format<interleaved>} : vector<32xbf16> -> vector<16xf32>
        %parallel_loop3A_275 = arith.constant 16 : i32
        %parallel_loop3A_276 = arith.muli %parallel_loop3A_72, %parallel_loop3A_275 : i32
        %parallel_loop3A_277 = arith.constant 20 : i32
        %parallel_loop3A_278 = arith.index_cast %parallel_loop3A_277 : i32 to index
        %parallel_loop3A_279 = arith.index_cast %parallel_loop3A_276 : i32 to index
        %parallel_loop3A_280 = tpu.vector_load %arg7[%parallel_loop3A_278, %parallel_loop3A_279] {strides = array<i32>} : memref<64x128xf32, #tpu.memory_space<vmem>>, vector<16xf32>,
        tpu.vector_store %arg7[%parallel_loop3A_278, %parallel_loop3A_279], %parallel_loop3A_273 {strides = array<i32>} : memref<64x128xf32, #tpu.memory_space<vmem>>, vector<16xf32>,
        %parallel_loop3A_281 = arith.constant 16 : i32
        %parallel_loop3A_282 = arith.muli %parallel_loop3A_72, %parallel_loop3A_281 : i32
        %parallel_loop3A_283 = arith.constant 21 : i32
        %parallel_loop3A_284 = arith.index_cast %parallel_loop3A_283 : i32 to index
        %parallel_loop3A_285 = arith.index_cast %parallel_loop3A_282 : i32 to index
        %parallel_loop3A_286 = tpu.vector_load %arg7[%parallel_loop3A_284, %parallel_loop3A_285] {strides = array<i32>} : memref<64x128xf32, #tpu.memory_space<vmem>>, vector<16xf32>,
        tpu.vector_store %arg7[%parallel_loop3A_284, %parallel_loop3A_285], %parallel_loop3A_274 {strides = array<i32>} : memref<64x128xf32, #tpu.memory_space<vmem>>, vector<16xf32>,
        %parallel_loop3A_287 = arith.constant 11000 : i32
        %parallel_loop3A_288 = vector.broadcast %parallel_loop3A_287 : i32 to vector<16xi32>
        %parallel_loop3A_289 = arith.addi %parallel_loop3A_77, %parallel_loop3A_288 : vector<16xi32>
        %parallel_loop3A_290 = tpu.vector_load_idx %arg6[%parallel_loop3A_289] : memref<32000xi32, #tpu.memory_space<vmem>>[vector<16xi32>], vector<16xi32>,
        %parallel_loop3A_291 = vector.bitcast %parallel_loop3A_290 : vector<16xi32> to vector<32xbf16>
        %parallel_loop3A_292 = tpu.unpack_subelements %parallel_loop3A_291, 0 {pack_format = #tpu.pack_format<interleaved>} : vector<32xbf16> -> vector<16xf32>
        %parallel_loop3A_293 = tpu.unpack_subelements %parallel_loop3A_291, 1 {pack_format = #tpu.pack_format<interleaved>} : vector<32xbf16> -> vector<16xf32>
        %parallel_loop3A_294 = arith.constant 16 : i32
        %parallel_loop3A_295 = arith.muli %parallel_loop3A_72, %parallel_loop3A_294 : i32
        %parallel_loop3A_296 = arith.constant 22 : i32
        %parallel_loop3A_297 = arith.index_cast %parallel_loop3A_296 : i32 to index
        %parallel_loop3A_298 = arith.index_cast %parallel_loop3A_295 : i32 to index
        %parallel_loop3A_299 = tpu.vector_load %arg7[%parallel_loop3A_297, %parallel_loop3A_298] {strides = array<i32>} : memref<64x128xf32, #tpu.memory_space<vmem>>, vector<16xf32>,
        tpu.vector_store %arg7[%parallel_loop3A_297, %parallel_loop3A_298], %parallel_loop3A_292 {strides = array<i32>} : memref<64x128xf32, #tpu.memory_space<vmem>>, vector<16xf32>,
        %parallel_loop3A_300 = arith.constant 16 : i32
        %parallel_loop3A_301 = arith.muli %parallel_loop3A_72, %parallel_loop3A_300 : i32
        %parallel_loop3A_302 = arith.constant 23 : i32
        %parallel_loop3A_303 = arith.index_cast %parallel_loop3A_302 : i32 to index
        %parallel_loop3A_304 = arith.index_cast %parallel_loop3A_301 : i32 to index
        %parallel_loop3A_305 = tpu.vector_load %arg7[%parallel_loop3A_303, %parallel_loop3A_304] {strides = array<i32>} : memref<64x128xf32, #tpu.memory_space<vmem>>, vector<16xf32>,
        tpu.vector_store %arg7[%parallel_loop3A_303, %parallel_loop3A_304], %parallel_loop3A_293 {strides = array<i32>} : memref<64x128xf32, #tpu.memory_space<vmem>>, vector<16xf32>,
        %parallel_loop3A_306 = arith.constant 12000 : i32
        %parallel_loop3A_307 = vector.broadcast %parallel_loop3A_306 : i32 to vector<16xi32>
        %parallel_loop3A_308 = arith.addi %parallel_loop3A_77, %parallel_loop3A_307 : vector<16xi32>
        %parallel_loop3A_309 = tpu.vector_load_idx %arg6[%parallel_loop3A_308] : memref<32000xi32, #tpu.memory_space<vmem>>[vector<16xi32>], vector<16xi32>,
        %parallel_loop3A_310 = vector.bitcast %parallel_loop3A_309 : vector<16xi32> to vector<32xbf16>
        %parallel_loop3A_311 = tpu.unpack_subelements %parallel_loop3A_310, 0 {pack_format = #tpu.pack_format<interleaved>} : vector<32xbf16> -> vector<16xf32>
        %parallel_loop3A_312 = tpu.unpack_subelements %parallel_loop3A_310, 1 {pack_format = #tpu.pack_format<interleaved>} : vector<32xbf16> -> vector<16xf32>
        %parallel_loop3A_313 = arith.constant 16 : i32
        %parallel_loop3A_314 = arith.muli %parallel_loop3A_72, %parallel_loop3A_313 : i32
        %parallel_loop3A_315 = arith.constant 24 : i32
        %parallel_loop3A_316 = arith.index_cast %parallel_loop3A_315 : i32 to index
        %parallel_loop3A_317 = arith.index_cast %parallel_loop3A_314 : i32 to index
        %parallel_loop3A_318 = tpu.vector_load %arg7[%parallel_loop3A_316, %parallel_loop3A_317] {strides = array<i32>} : memref<64x128xf32, #tpu.memory_space<vmem>>, vector<16xf32>,
        tpu.vector_store %arg7[%parallel_loop3A_316, %parallel_loop3A_317], %parallel_loop3A_311 {strides = array<i32>} : memref<64x128xf32, #tpu.memory_space<vmem>>, vector<16xf32>,
        %parallel_loop3A_319 = arith.constant 16 : i32
        %parallel_loop3A_320 = arith.muli %parallel_loop3A_72, %parallel_loop3A_319 : i32
        %parallel_loop3A_321 = arith.constant 25 : i32
        %parallel_loop3A_322 = arith.index_cast %parallel_loop3A_321 : i32 to index
        %parallel_loop3A_323 = arith.index_cast %parallel_loop3A_320 : i32 to index
        %parallel_loop3A_324 = tpu.vector_load %arg7[%parallel_loop3A_322, %parallel_loop3A_323] {strides = array<i32>} : memref<64x128xf32, #tpu.memory_space<vmem>>, vector<16xf32>,
        tpu.vector_store %arg7[%parallel_loop3A_322, %parallel_loop3A_323], %parallel_loop3A_312 {strides = array<i32>} : memref<64x128xf32, #tpu.memory_space<vmem>>, vector<16xf32>,
        %parallel_loop3A_325 = arith.constant 13000 : i32
        %parallel_loop3A_326 = vector.broadcast %parallel_loop3A_325 : i32 to vector<16xi32>
        %parallel_loop3A_327 = arith.addi %parallel_loop3A_77, %parallel_loop3A_326 : vector<16xi32>
        %parallel_loop3A_328 = tpu.vector_load_idx %arg6[%parallel_loop3A_327] : memref<32000xi32, #tpu.memory_space<vmem>>[vector<16xi32>], vector<16xi32>,
        %parallel_loop3A_329 = vector.bitcast %parallel_loop3A_328 : vector<16xi32> to vector<32xbf16>
        %parallel_loop3A_330 = tpu.unpack_subelements %parallel_loop3A_329, 0 {pack_format = #tpu.pack_format<interleaved>} : vector<32xbf16> -> vector<16xf32>
        %parallel_loop3A_331 = tpu.unpack_subelements %parallel_loop3A_329, 1 {pack_format = #tpu.pack_format<interleaved>} : vector<32xbf16> -> vector<16xf32>
        %parallel_loop3A_332 = arith.constant 16 : i32
        %parallel_loop3A_333 = arith.muli %parallel_loop3A_72, %parallel_loop3A_332 : i32
        %parallel_loop3A_334 = arith.constant 26 : i32
        %parallel_loop3A_335 = arith.index_cast %parallel_loop3A_334 : i32 to index
        %parallel_loop3A_336 = arith.index_cast %parallel_loop3A_333 : i32 to index
        %parallel_loop3A_337 = tpu.vector_load %arg7[%parallel_loop3A_335, %parallel_loop3A_336] {strides = array<i32>} : memref<64x128xf32, #tpu.memory_space<vmem>>, vector<16xf32>,
        tpu.vector_store %arg7[%parallel_loop3A_335, %parallel_loop3A_336], %parallel_loop3A_330 {strides = array<i32>} : memref<64x128xf32, #tpu.memory_space<vmem>>, vector<16xf32>,
        %parallel_loop3A_338 = arith.constant 16 : i32
        %parallel_loop3A_339 = arith.muli %parallel_loop3A_72, %parallel_loop3A_338 : i32
        %parallel_loop3A_340 = arith.constant 27 : i32
        %parallel_loop3A_341 = arith.index_cast %parallel_loop3A_340 : i32 to index
        %parallel_loop3A_342 = arith.index_cast %parallel_loop3A_339 : i32 to index
        %parallel_loop3A_343 = tpu.vector_load %arg7[%parallel_loop3A_341, %parallel_loop3A_342] {strides = array<i32>} : memref<64x128xf32, #tpu.memory_space<vmem>>, vector<16xf32>,
        tpu.vector_store %arg7[%parallel_loop3A_341, %parallel_loop3A_342], %parallel_loop3A_331 {strides = array<i32>} : memref<64x128xf32, #tpu.memory_space<vmem>>, vector<16xf32>,
        %parallel_loop3A_344 = arith.constant 14000 : i32
        %parallel_loop3A_345 = vector.broadcast %parallel_loop3A_344 : i32 to vector<16xi32>
        %parallel_loop3A_346 = arith.addi %parallel_loop3A_77, %parallel_loop3A_345 : vector<16xi32>
        %parallel_loop3A_347 = tpu.vector_load_idx %arg6[%parallel_loop3A_346] : memref<32000xi32, #tpu.memory_space<vmem>>[vector<16xi32>], vector<16xi32>,
        %parallel_loop3A_348 = vector.bitcast %parallel_loop3A_347 : vector<16xi32> to vector<32xbf16>
        %parallel_loop3A_349 = tpu.unpack_subelements %parallel_loop3A_348, 0 {pack_format = #tpu.pack_format<interleaved>} : vector<32xbf16> -> vector<16xf32>
        %parallel_loop3A_350 = tpu.unpack_subelements %parallel_loop3A_348, 1 {pack_format = #tpu.pack_format<interleaved>} : vector<32xbf16> -> vector<16xf32>
        %parallel_loop3A_351 = arith.constant 16 : i32
        %parallel_loop3A_352 = arith.muli %parallel_loop3A_72, %parallel_loop3A_351 : i32
        %parallel_loop3A_353 = arith.constant 28 : i32
        %parallel_loop3A_354 = arith.index_cast %parallel_loop3A_353 : i32 to index
        %parallel_loop3A_355 = arith.index_cast %parallel_loop3A_352 : i32 to index
        %parallel_loop3A_356 = tpu.vector_load %arg7[%parallel_loop3A_354, %parallel_loop3A_355] {strides = array<i32>} : memref<64x128xf32, #tpu.memory_space<vmem>>, vector<16xf32>,
        tpu.vector_store %arg7[%parallel_loop3A_354, %parallel_loop3A_355], %parallel_loop3A_349 {strides = array<i32>} : memref<64x128xf32, #tpu.memory_space<vmem>>, vector<16xf32>,
        %parallel_loop3A_357 = arith.constant 16 : i32
        %parallel_loop3A_358 = arith.muli %parallel_loop3A_72, %parallel_loop3A_357 : i32
        %parallel_loop3A_359 = arith.constant 29 : i32
        %parallel_loop3A_360 = arith.index_cast %parallel_loop3A_359 : i32 to index
        %parallel_loop3A_361 = arith.index_cast %parallel_loop3A_358 : i32 to index
        %parallel_loop3A_362 = tpu.vector_load %arg7[%parallel_loop3A_360, %parallel_loop3A_361] {strides = array<i32>} : memref<64x128xf32, #tpu.memory_space<vmem>>, vector<16xf32>,
        tpu.vector_store %arg7[%parallel_loop3A_360, %parallel_loop3A_361], %parallel_loop3A_350 {strides = array<i32>} : memref<64x128xf32, #tpu.memory_space<vmem>>, vector<16xf32>,
        %parallel_loop3A_363 = arith.constant 15000 : i32
        %parallel_loop3A_364 = vector.broadcast %parallel_loop3A_363 : i32 to vector<16xi32>
        %parallel_loop3A_365 = arith.addi %parallel_loop3A_77, %parallel_loop3A_364 : vector<16xi32>
        %parallel_loop3A_366 = tpu.vector_load_idx %arg6[%parallel_loop3A_365] : memref<32000xi32, #tpu.memory_space<vmem>>[vector<16xi32>], vector<16xi32>,
        %parallel_loop3A_367 = vector.bitcast %parallel_loop3A_366 : vector<16xi32> to vector<32xbf16>
        %parallel_loop3A_368 = tpu.unpack_subelements %parallel_loop3A_367, 0 {pack_format = #tpu.pack_format<interleaved>} : vector<32xbf16> -> vector<16xf32>
        %parallel_loop3A_369 = tpu.unpack_subelements %parallel_loop3A_367, 1 {pack_format = #tpu.pack_format<interleaved>} : vector<32xbf16> -> vector<16xf32>
        %parallel_loop3A_370 = arith.constant 16 : i32
        %parallel_loop3A_371 = arith.muli %parallel_loop3A_72, %parallel_loop3A_370 : i32
        %parallel_loop3A_372 = arith.constant 30 : i32
        %parallel_loop3A_373 = arith.index_cast %parallel_loop3A_372 : i32 to index
        %parallel_loop3A_374 = arith.index_cast %parallel_loop3A_371 : i32 to index
        %parallel_loop3A_375 = tpu.vector_load %arg7[%parallel_loop3A_373, %parallel_loop3A_374] {strides = array<i32>} : memref<64x128xf32, #tpu.memory_space<vmem>>, vector<16xf32>,
        tpu.vector_store %arg7[%parallel_loop3A_373, %parallel_loop3A_374], %parallel_loop3A_368 {strides = array<i32>} : memref<64x128xf32, #tpu.memory_space<vmem>>, vector<16xf32>,
        %parallel_loop3A_376 = arith.constant 16 : i32
        %parallel_loop3A_377 = arith.muli %parallel_loop3A_72, %parallel_loop3A_376 : i32
        %parallel_loop3A_378 = arith.constant 31 : i32
        %parallel_loop3A_379 = arith.index_cast %parallel_loop3A_378 : i32 to index
        %parallel_loop3A_380 = arith.index_cast %parallel_loop3A_377 : i32 to index
        %parallel_loop3A_381 = tpu.vector_load %arg7[%parallel_loop3A_379, %parallel_loop3A_380] {strides = array<i32>} : memref<64x128xf32, #tpu.memory_space<vmem>>, vector<16xf32>,
        tpu.vector_store %arg7[%parallel_loop3A_379, %parallel_loop3A_380], %parallel_loop3A_369 {strides = array<i32>} : memref<64x128xf32, #tpu.memory_space<vmem>>, vector<16xf32>,
        %parallel_loop3A_382 = arith.constant 16000 : i32
        %parallel_loop3A_383 = vector.broadcast %parallel_loop3A_382 : i32 to vector<16xi32>
        %parallel_loop3A_384 = arith.addi %parallel_loop3A_77, %parallel_loop3A_383 : vector<16xi32>
        %parallel_loop3A_385 = tpu.vector_load_idx %arg6[%parallel_loop3A_384] : memref<32000xi32, #tpu.memory_space<vmem>>[vector<16xi32>], vector<16xi32>,
        %parallel_loop3A_386 = vector.bitcast %parallel_loop3A_385 : vector<16xi32> to vector<32xbf16>
        %parallel_loop3A_387 = tpu.unpack_subelements %parallel_loop3A_386, 0 {pack_format = #tpu.pack_format<interleaved>} : vector<32xbf16> -> vector<16xf32>
        %parallel_loop3A_388 = tpu.unpack_subelements %parallel_loop3A_386, 1 {pack_format = #tpu.pack_format<interleaved>} : vector<32xbf16> -> vector<16xf32>
        %parallel_loop3A_389 = arith.constant 16 : i32
        %parallel_loop3A_390 = arith.muli %parallel_loop3A_72, %parallel_loop3A_389 : i32
        %parallel_loop3A_391 = arith.constant 32 : i32
        %parallel_loop3A_392 = arith.index_cast %parallel_loop3A_391 : i32 to index
        %parallel_loop3A_393 = arith.index_cast %parallel_loop3A_390 : i32 to index
        %parallel_loop3A_394 = tpu.vector_load %arg7[%parallel_loop3A_392, %parallel_loop3A_393] {strides = array<i32>} : memref<64x128xf32, #tpu.memory_space<vmem>>, vector<16xf32>,
        tpu.vector_store %arg7[%parallel_loop3A_392, %parallel_loop3A_393], %parallel_loop3A_387 {strides = array<i32>} : memref<64x128xf32, #tpu.memory_space<vmem>>, vector<16xf32>,
        %parallel_loop3A_395 = arith.constant 16 : i32
        %parallel_loop3A_396 = arith.muli %parallel_loop3A_72, %parallel_loop3A_395 : i32
        %parallel_loop3A_397 = arith.constant 33 : i32
        %parallel_loop3A_398 = arith.index_cast %parallel_loop3A_397 : i32 to index
        %parallel_loop3A_399 = arith.index_cast %parallel_loop3A_396 : i32 to index
        %parallel_loop3A_400 = tpu.vector_load %arg7[%parallel_loop3A_398, %parallel_loop3A_399] {strides = array<i32>} : memref<64x128xf32, #tpu.memory_space<vmem>>, vector<16xf32>,
        tpu.vector_store %arg7[%parallel_loop3A_398, %parallel_loop3A_399], %parallel_loop3A_388 {strides = array<i32>} : memref<64x128xf32, #tpu.memory_space<vmem>>, vector<16xf32>,
        %parallel_loop3A_401 = arith.constant 17000 : i32
        %parallel_loop3A_402 = vector.broadcast %parallel_loop3A_401 : i32 to vector<16xi32>
        %parallel_loop3A_403 = arith.addi %parallel_loop3A_77, %parallel_loop3A_402 : vector<16xi32>
        %parallel_loop3A_404 = tpu.vector_load_idx %arg6[%parallel_loop3A_403] : memref<32000xi32, #tpu.memory_space<vmem>>[vector<16xi32>], vector<16xi32>,
        %parallel_loop3A_405 = vector.bitcast %parallel_loop3A_404 : vector<16xi32> to vector<32xbf16>
        %parallel_loop3A_406 = tpu.unpack_subelements %parallel_loop3A_405, 0 {pack_format = #tpu.pack_format<interleaved>} : vector<32xbf16> -> vector<16xf32>
        %parallel_loop3A_407 = tpu.unpack_subelements %parallel_loop3A_405, 1 {pack_format = #tpu.pack_format<interleaved>} : vector<32xbf16> -> vector<16xf32>
        %parallel_loop3A_408 = arith.constant 16 : i32
        %parallel_loop3A_409 = arith.muli %parallel_loop3A_72, %parallel_loop3A_408 : i32
        %parallel_loop3A_410 = arith.constant 34 : i32
        %parallel_loop3A_411 = arith.index_cast %parallel_loop3A_410 : i32 to index
        %parallel_loop3A_412 = arith.index_cast %parallel_loop3A_409 : i32 to index
        %parallel_loop3A_413 = tpu.vector_load %arg7[%parallel_loop3A_411, %parallel_loop3A_412] {strides = array<i32>} : memref<64x128xf32, #tpu.memory_space<vmem>>, vector<16xf32>,
        tpu.vector_store %arg7[%parallel_loop3A_411, %parallel_loop3A_412], %parallel_loop3A_406 {strides = array<i32>} : memref<64x128xf32, #tpu.memory_space<vmem>>, vector<16xf32>,
        %parallel_loop3A_414 = arith.constant 16 : i32
        %parallel_loop3A_415 = arith.muli %parallel_loop3A_72, %parallel_loop3A_414 : i32
        %parallel_loop3A_416 = arith.constant 35 : i32
        %parallel_loop3A_417 = arith.index_cast %parallel_loop3A_416 : i32 to index
        %parallel_loop3A_418 = arith.index_cast %parallel_loop3A_415 : i32 to index
        %parallel_loop3A_419 = tpu.vector_load %arg7[%parallel_loop3A_417, %parallel_loop3A_418] {strides = array<i32>} : memref<64x128xf32, #tpu.memory_space<vmem>>, vector<16xf32>,
        tpu.vector_store %arg7[%parallel_loop3A_417, %parallel_loop3A_418], %parallel_loop3A_407 {strides = array<i32>} : memref<64x128xf32, #tpu.memory_space<vmem>>, vector<16xf32>,
        %parallel_loop3A_420 = arith.constant 18000 : i32
        %parallel_loop3A_421 = vector.broadcast %parallel_loop3A_420 : i32 to vector<16xi32>
        %parallel_loop3A_422 = arith.addi %parallel_loop3A_77, %parallel_loop3A_421 : vector<16xi32>
        %parallel_loop3A_423 = tpu.vector_load_idx %arg6[%parallel_loop3A_422] : memref<32000xi32, #tpu.memory_space<vmem>>[vector<16xi32>], vector<16xi32>,
        %parallel_loop3A_424 = vector.bitcast %parallel_loop3A_423 : vector<16xi32> to vector<32xbf16>
        %parallel_loop3A_425 = tpu.unpack_subelements %parallel_loop3A_424, 0 {pack_format = #tpu.pack_format<interleaved>} : vector<32xbf16> -> vector<16xf32>
        %parallel_loop3A_426 = tpu.unpack_subelements %parallel_loop3A_424, 1 {pack_format = #tpu.pack_format<interleaved>} : vector<32xbf16> -> vector<16xf32>
        %parallel_loop3A_427 = arith.constant 16 : i32
        %parallel_loop3A_428 = arith.muli %parallel_loop3A_72, %parallel_loop3A_427 : i32
        %parallel_loop3A_429 = arith.constant 36 : i32
        %parallel_loop3A_430 = arith.index_cast %parallel_loop3A_429 : i32 to index
        %parallel_loop3A_431 = arith.index_cast %parallel_loop3A_428 : i32 to index
        %parallel_loop3A_432 = tpu.vector_load %arg7[%parallel_loop3A_430, %parallel_loop3A_431] {strides = array<i32>} : memref<64x128xf32, #tpu.memory_space<vmem>>, vector<16xf32>,
        tpu.vector_store %arg7[%parallel_loop3A_430, %parallel_loop3A_431], %parallel_loop3A_425 {strides = array<i32>} : memref<64x128xf32, #tpu.memory_space<vmem>>, vector<16xf32>,
        %parallel_loop3A_433 = arith.constant 16 : i32
        %parallel_loop3A_434 = arith.muli %parallel_loop3A_72, %parallel_loop3A_433 : i32
        %parallel_loop3A_435 = arith.constant 37 : i32
        %parallel_loop3A_436 = arith.index_cast %parallel_loop3A_435 : i32 to index
        %parallel_loop3A_437 = arith.index_cast %parallel_loop3A_434 : i32 to index
        %parallel_loop3A_438 = tpu.vector_load %arg7[%parallel_loop3A_436, %parallel_loop3A_437] {strides = array<i32>} : memref<64x128xf32, #tpu.memory_space<vmem>>, vector<16xf32>,
        tpu.vector_store %arg7[%parallel_loop3A_436, %parallel_loop3A_437], %parallel_loop3A_426 {strides = array<i32>} : memref<64x128xf32, #tpu.memory_space<vmem>>, vector<16xf32>,
        %parallel_loop3A_439 = arith.constant 19000 : i32
        %parallel_loop3A_440 = vector.broadcast %parallel_loop3A_439 : i32 to vector<16xi32>
        %parallel_loop3A_441 = arith.addi %parallel_loop3A_77, %parallel_loop3A_440 : vector<16xi32>
        %parallel_loop3A_442 = tpu.vector_load_idx %arg6[%parallel_loop3A_441] : memref<32000xi32, #tpu.memory_space<vmem>>[vector<16xi32>], vector<16xi32>,
        %parallel_loop3A_443 = vector.bitcast %parallel_loop3A_442 : vector<16xi32> to vector<32xbf16>
        %parallel_loop3A_444 = tpu.unpack_subelements %parallel_loop3A_443, 0 {pack_format = #tpu.pack_format<interleaved>} : vector<32xbf16> -> vector<16xf32>
        %parallel_loop3A_445 = tpu.unpack_subelements %parallel_loop3A_443, 1 {pack_format = #tpu.pack_format<interleaved>} : vector<32xbf16> -> vector<16xf32>
        %parallel_loop3A_446 = arith.constant 16 : i32
        %parallel_loop3A_447 = arith.muli %parallel_loop3A_72, %parallel_loop3A_446 : i32
        %parallel_loop3A_448 = arith.constant 38 : i32
        %parallel_loop3A_449 = arith.index_cast %parallel_loop3A_448 : i32 to index
        %parallel_loop3A_450 = arith.index_cast %parallel_loop3A_447 : i32 to index
        %parallel_loop3A_451 = tpu.vector_load %arg7[%parallel_loop3A_449, %parallel_loop3A_450] {strides = array<i32>} : memref<64x128xf32, #tpu.memory_space<vmem>>, vector<16xf32>,
        tpu.vector_store %arg7[%parallel_loop3A_449, %parallel_loop3A_450], %parallel_loop3A_444 {strides = array<i32>} : memref<64x128xf32, #tpu.memory_space<vmem>>, vector<16xf32>,
        %parallel_loop3A_452 = arith.constant 16 : i32
        %parallel_loop3A_453 = arith.muli %parallel_loop3A_72, %parallel_loop3A_452 : i32
        %parallel_loop3A_454 = arith.constant 39 : i32
        %parallel_loop3A_455 = arith.index_cast %parallel_loop3A_454 : i32 to index
        %parallel_loop3A_456 = arith.index_cast %parallel_loop3A_453 : i32 to index
        %parallel_loop3A_457 = tpu.vector_load %arg7[%parallel_loop3A_455, %parallel_loop3A_456] {strides = array<i32>} : memref<64x128xf32, #tpu.memory_space<vmem>>, vector<16xf32>,
        tpu.vector_store %arg7[%parallel_loop3A_455, %parallel_loop3A_456], %parallel_loop3A_445 {strides = array<i32>} : memref<64x128xf32, #tpu.memory_space<vmem>>, vector<16xf32>,
        %parallel_loop3A_458 = arith.constant 20000 : i32
        %parallel_loop3A_459 = vector.broadcast %parallel_loop3A_458 : i32 to vector<16xi32>
        %parallel_loop3A_460 = arith.addi %parallel_loop3A_77, %parallel_loop3A_459 : vector<16xi32>
        %parallel_loop3A_461 = tpu.vector_load_idx %arg6[%parallel_loop3A_460] : memref<32000xi32, #tpu.memory_space<vmem>>[vector<16xi32>], vector<16xi32>,
        %parallel_loop3A_462 = vector.bitcast %parallel_loop3A_461 : vector<16xi32> to vector<32xbf16>
        %parallel_loop3A_463 = tpu.unpack_subelements %parallel_loop3A_462, 0 {pack_format = #tpu.pack_format<interleaved>} : vector<32xbf16> -> vector<16xf32>
        %parallel_loop3A_464 = tpu.unpack_subelements %parallel_loop3A_462, 1 {pack_format = #tpu.pack_format<interleaved>} : vector<32xbf16> -> vector<16xf32>
        %parallel_loop3A_465 = arith.constant 16 : i32
        %parallel_loop3A_466 = arith.muli %parallel_loop3A_72, %parallel_loop3A_465 : i32
        %parallel_loop3A_467 = arith.constant 40 : i32
        %parallel_loop3A_468 = arith.index_cast %parallel_loop3A_467 : i32 to index
        %parallel_loop3A_469 = arith.index_cast %parallel_loop3A_466 : i32 to index
        %parallel_loop3A_470 = tpu.vector_load %arg7[%parallel_loop3A_468, %parallel_loop3A_469] {strides = array<i32>} : memref<64x128xf32, #tpu.memory_space<vmem>>, vector<16xf32>,
        tpu.vector_store %arg7[%parallel_loop3A_468, %parallel_loop3A_469], %parallel_loop3A_463 {strides = array<i32>} : memref<64x128xf32, #tpu.memory_space<vmem>>, vector<16xf32>,
        %parallel_loop3A_471 = arith.constant 16 : i32
        %parallel_loop3A_472 = arith.muli %parallel_loop3A_72, %parallel_loop3A_471 : i32
        %parallel_loop3A_473 = arith.constant 41 : i32
        %parallel_loop3A_474 = arith.index_cast %parallel_loop3A_473 : i32 to index
        %parallel_loop3A_475 = arith.index_cast %parallel_loop3A_472 : i32 to index
        %parallel_loop3A_476 = tpu.vector_load %arg7[%parallel_loop3A_474, %parallel_loop3A_475] {strides = array<i32>} : memref<64x128xf32, #tpu.memory_space<vmem>>, vector<16xf32>,
        tpu.vector_store %arg7[%parallel_loop3A_474, %parallel_loop3A_475], %parallel_loop3A_464 {strides = array<i32>} : memref<64x128xf32, #tpu.memory_space<vmem>>, vector<16xf32>,
        %parallel_loop3A_477 = arith.constant 21000 : i32
        %parallel_loop3A_478 = vector.broadcast %parallel_loop3A_477 : i32 to vector<16xi32>
        %parallel_loop3A_479 = arith.addi %parallel_loop3A_77, %parallel_loop3A_478 : vector<16xi32>
        %parallel_loop3A_480 = tpu.vector_load_idx %arg6[%parallel_loop3A_479] : memref<32000xi32, #tpu.memory_space<vmem>>[vector<16xi32>], vector<16xi32>,
        %parallel_loop3A_481 = vector.bitcast %parallel_loop3A_480 : vector<16xi32> to vector<32xbf16>
        %parallel_loop3A_482 = tpu.unpack_subelements %parallel_loop3A_481, 0 {pack_format = #tpu.pack_format<interleaved>} : vector<32xbf16> -> vector<16xf32>
        %parallel_loop3A_483 = tpu.unpack_subelements %parallel_loop3A_481, 1 {pack_format = #tpu.pack_format<interleaved>} : vector<32xbf16> -> vector<16xf32>
        %parallel_loop3A_484 = arith.constant 16 : i32
        %parallel_loop3A_485 = arith.muli %parallel_loop3A_72, %parallel_loop3A_484 : i32
        %parallel_loop3A_486 = arith.constant 42 : i32
        %parallel_loop3A_487 = arith.index_cast %parallel_loop3A_486 : i32 to index
        %parallel_loop3A_488 = arith.index_cast %parallel_loop3A_485 : i32 to index
        %parallel_loop3A_489 = tpu.vector_load %arg7[%parallel_loop3A_487, %parallel_loop3A_488] {strides = array<i32>} : memref<64x128xf32, #tpu.memory_space<vmem>>, vector<16xf32>,
        tpu.vector_store %arg7[%parallel_loop3A_487, %parallel_loop3A_488], %parallel_loop3A_482 {strides = array<i32>} : memref<64x128xf32, #tpu.memory_space<vmem>>, vector<16xf32>,
        %parallel_loop3A_490 = arith.constant 16 : i32
        %parallel_loop3A_491 = arith.muli %parallel_loop3A_72, %parallel_loop3A_490 : i32
        %parallel_loop3A_492 = arith.constant 43 : i32
        %parallel_loop3A_493 = arith.index_cast %parallel_loop3A_492 : i32 to index
        %parallel_loop3A_494 = arith.index_cast %parallel_loop3A_491 : i32 to index
        %parallel_loop3A_495 = tpu.vector_load %arg7[%parallel_loop3A_493, %parallel_loop3A_494] {strides = array<i32>} : memref<64x128xf32, #tpu.memory_space<vmem>>, vector<16xf32>,
        tpu.vector_store %arg7[%parallel_loop3A_493, %parallel_loop3A_494], %parallel_loop3A_483 {strides = array<i32>} : memref<64x128xf32, #tpu.memory_space<vmem>>, vector<16xf32>,
        %parallel_loop3A_496 = arith.constant 22000 : i32
        %parallel_loop3A_497 = vector.broadcast %parallel_loop3A_496 : i32 to vector<16xi32>
        %parallel_loop3A_498 = arith.addi %parallel_loop3A_77, %parallel_loop3A_497 : vector<16xi32>
        %parallel_loop3A_499 = tpu.vector_load_idx %arg6[%parallel_loop3A_498] : memref<32000xi32, #tpu.memory_space<vmem>>[vector<16xi32>], vector<16xi32>,
        %parallel_loop3A_500 = vector.bitcast %parallel_loop3A_499 : vector<16xi32> to vector<32xbf16>
        %parallel_loop3A_501 = tpu.unpack_subelements %parallel_loop3A_500, 0 {pack_format = #tpu.pack_format<interleaved>} : vector<32xbf16> -> vector<16xf32>
        %parallel_loop3A_502 = tpu.unpack_subelements %parallel_loop3A_500, 1 {pack_format = #tpu.pack_format<interleaved>} : vector<32xbf16> -> vector<16xf32>
        %parallel_loop3A_503 = arith.constant 16 : i32
        %parallel_loop3A_504 = arith.muli %parallel_loop3A_72, %parallel_loop3A_503 : i32
        %parallel_loop3A_505 = arith.constant 44 : i32
        %parallel_loop3A_506 = arith.index_cast %parallel_loop3A_505 : i32 to index
        %parallel_loop3A_507 = arith.index_cast %parallel_loop3A_504 : i32 to index
        %parallel_loop3A_508 = tpu.vector_load %arg7[%parallel_loop3A_506, %parallel_loop3A_507] {strides = array<i32>} : memref<64x128xf32, #tpu.memory_space<vmem>>, vector<16xf32>,
        tpu.vector_store %arg7[%parallel_loop3A_506, %parallel_loop3A_507], %parallel_loop3A_501 {strides = array<i32>} : memref<64x128xf32, #tpu.memory_space<vmem>>, vector<16xf32>,
        %parallel_loop3A_509 = arith.constant 16 : i32
        %parallel_loop3A_510 = arith.muli %parallel_loop3A_72, %parallel_loop3A_509 : i32
        %parallel_loop3A_511 = arith.constant 45 : i32
        %parallel_loop3A_512 = arith.index_cast %parallel_loop3A_511 : i32 to index
        %parallel_loop3A_513 = arith.index_cast %parallel_loop3A_510 : i32 to index
        %parallel_loop3A_514 = tpu.vector_load %arg7[%parallel_loop3A_512, %parallel_loop3A_513] {strides = array<i32>} : memref<64x128xf32, #tpu.memory_space<vmem>>, vector<16xf32>,
        tpu.vector_store %arg7[%parallel_loop3A_512, %parallel_loop3A_513], %parallel_loop3A_502 {strides = array<i32>} : memref<64x128xf32, #tpu.memory_space<vmem>>, vector<16xf32>,
        %parallel_loop3A_515 = arith.constant 23000 : i32
        %parallel_loop3A_516 = vector.broadcast %parallel_loop3A_515 : i32 to vector<16xi32>
        %parallel_loop3A_517 = arith.addi %parallel_loop3A_77, %parallel_loop3A_516 : vector<16xi32>
        %parallel_loop3A_518 = tpu.vector_load_idx %arg6[%parallel_loop3A_517] : memref<32000xi32, #tpu.memory_space<vmem>>[vector<16xi32>], vector<16xi32>,
        %parallel_loop3A_519 = vector.bitcast %parallel_loop3A_518 : vector<16xi32> to vector<32xbf16>
        %parallel_loop3A_520 = tpu.unpack_subelements %parallel_loop3A_519, 0 {pack_format = #tpu.pack_format<interleaved>} : vector<32xbf16> -> vector<16xf32>
        %parallel_loop3A_521 = tpu.unpack_subelements %parallel_loop3A_519, 1 {pack_format = #tpu.pack_format<interleaved>} : vector<32xbf16> -> vector<16xf32>
        %parallel_loop3A_522 = arith.constant 16 : i32
        %parallel_loop3A_523 = arith.muli %parallel_loop3A_72, %parallel_loop3A_522 : i32
        %parallel_loop3A_524 = arith.constant 46 : i32
        %parallel_loop3A_525 = arith.index_cast %parallel_loop3A_524 : i32 to index
        %parallel_loop3A_526 = arith.index_cast %parallel_loop3A_523 : i32 to index
        %parallel_loop3A_527 = tpu.vector_load %arg7[%parallel_loop3A_525, %parallel_loop3A_526] {strides = array<i32>} : memref<64x128xf32, #tpu.memory_space<vmem>>, vector<16xf32>,
        tpu.vector_store %arg7[%parallel_loop3A_525, %parallel_loop3A_526], %parallel_loop3A_520 {strides = array<i32>} : memref<64x128xf32, #tpu.memory_space<vmem>>, vector<16xf32>,
        %parallel_loop3A_528 = arith.constant 16 : i32
        %parallel_loop3A_529 = arith.muli %parallel_loop3A_72, %parallel_loop3A_528 : i32
        %parallel_loop3A_530 = arith.constant 47 : i32
        %parallel_loop3A_531 = arith.index_cast %parallel_loop3A_530 : i32 to index
        %parallel_loop3A_532 = arith.index_cast %parallel_loop3A_529 : i32 to index
        %parallel_loop3A_533 = tpu.vector_load %arg7[%parallel_loop3A_531, %parallel_loop3A_532] {strides = array<i32>} : memref<64x128xf32, #tpu.memory_space<vmem>>, vector<16xf32>,
        tpu.vector_store %arg7[%parallel_loop3A_531, %parallel_loop3A_532], %parallel_loop3A_521 {strides = array<i32>} : memref<64x128xf32, #tpu.memory_space<vmem>>, vector<16xf32>,
        %parallel_loop3A_534 = arith.constant 24000 : i32
        %parallel_loop3A_535 = vector.broadcast %parallel_loop3A_534 : i32 to vector<16xi32>
        %parallel_loop3A_536 = arith.addi %parallel_loop3A_77, %parallel_loop3A_535 : vector<16xi32>
        %parallel_loop3A_537 = tpu.vector_load_idx %arg6[%parallel_loop3A_536] : memref<32000xi32, #tpu.memory_space<vmem>>[vector<16xi32>], vector<16xi32>,
        %parallel_loop3A_538 = vector.bitcast %parallel_loop3A_537 : vector<16xi32> to vector<32xbf16>
        %parallel_loop3A_539 = tpu.unpack_subelements %parallel_loop3A_538, 0 {pack_format = #tpu.pack_format<interleaved>} : vector<32xbf16> -> vector<16xf32>
        %parallel_loop3A_540 = tpu.unpack_subelements %parallel_loop3A_538, 1 {pack_format = #tpu.pack_format<interleaved>} : vector<32xbf16> -> vector<16xf32>
        %parallel_loop3A_541 = arith.constant 16 : i32
        %parallel_loop3A_542 = arith.muli %parallel_loop3A_72, %parallel_loop3A_541 : i32
        %parallel_loop3A_543 = arith.constant 48 : i32
        %parallel_loop3A_544 = arith.index_cast %parallel_loop3A_543 : i32 to index
        %parallel_loop3A_545 = arith.index_cast %parallel_loop3A_542 : i32 to index
        %parallel_loop3A_546 = tpu.vector_load %arg7[%parallel_loop3A_544, %parallel_loop3A_545] {strides = array<i32>} : memref<64x128xf32, #tpu.memory_space<vmem>>, vector<16xf32>,
        tpu.vector_store %arg7[%parallel_loop3A_544, %parallel_loop3A_545], %parallel_loop3A_539 {strides = array<i32>} : memref<64x128xf32, #tpu.memory_space<vmem>>, vector<16xf32>,
        %parallel_loop3A_547 = arith.constant 16 : i32
        %parallel_loop3A_548 = arith.muli %parallel_loop3A_72, %parallel_loop3A_547 : i32
        %parallel_loop3A_549 = arith.constant 49 : i32
        %parallel_loop3A_550 = arith.index_cast %parallel_loop3A_549 : i32 to index
        %parallel_loop3A_551 = arith.index_cast %parallel_loop3A_548 : i32 to index
        %parallel_loop3A_552 = tpu.vector_load %arg7[%parallel_loop3A_550, %parallel_loop3A_551] {strides = array<i32>} : memref<64x128xf32, #tpu.memory_space<vmem>>, vector<16xf32>,
        tpu.vector_store %arg7[%parallel_loop3A_550, %parallel_loop3A_551], %parallel_loop3A_540 {strides = array<i32>} : memref<64x128xf32, #tpu.memory_space<vmem>>, vector<16xf32>,
        %parallel_loop3A_553 = arith.constant 25000 : i32
        %parallel_loop3A_554 = vector.broadcast %parallel_loop3A_553 : i32 to vector<16xi32>
        %parallel_loop3A_555 = arith.addi %parallel_loop3A_77, %parallel_loop3A_554 : vector<16xi32>
        %parallel_loop3A_556 = tpu.vector_load_idx %arg6[%parallel_loop3A_555] : memref<32000xi32, #tpu.memory_space<vmem>>[vector<16xi32>], vector<16xi32>,
        %parallel_loop3A_557 = vector.bitcast %parallel_loop3A_556 : vector<16xi32> to vector<32xbf16>
        %parallel_loop3A_558 = tpu.unpack_subelements %parallel_loop3A_557, 0 {pack_format = #tpu.pack_format<interleaved>} : vector<32xbf16> -> vector<16xf32>
        %parallel_loop3A_559 = tpu.unpack_subelements %parallel_loop3A_557, 1 {pack_format = #tpu.pack_format<interleaved>} : vector<32xbf16> -> vector<16xf32>
        %parallel_loop3A_560 = arith.constant 16 : i32
        %parallel_loop3A_561 = arith.muli %parallel_loop3A_72, %parallel_loop3A_560 : i32
        %parallel_loop3A_562 = arith.constant 50 : i32
        %parallel_loop3A_563 = arith.index_cast %parallel_loop3A_562 : i32 to index
        %parallel_loop3A_564 = arith.index_cast %parallel_loop3A_561 : i32 to index
        %parallel_loop3A_565 = tpu.vector_load %arg7[%parallel_loop3A_563, %parallel_loop3A_564] {strides = array<i32>} : memref<64x128xf32, #tpu.memory_space<vmem>>, vector<16xf32>,
        tpu.vector_store %arg7[%parallel_loop3A_563, %parallel_loop3A_564], %parallel_loop3A_558 {strides = array<i32>} : memref<64x128xf32, #tpu.memory_space<vmem>>, vector<16xf32>,
        %parallel_loop3A_566 = arith.constant 16 : i32
        %parallel_loop3A_567 = arith.muli %parallel_loop3A_72, %parallel_loop3A_566 : i32
        %parallel_loop3A_568 = arith.constant 51 : i32
        %parallel_loop3A_569 = arith.index_cast %parallel_loop3A_568 : i32 to index
        %parallel_loop3A_570 = arith.index_cast %parallel_loop3A_567 : i32 to index
        %parallel_loop3A_571 = tpu.vector_load %arg7[%parallel_loop3A_569, %parallel_loop3A_570] {strides = array<i32>} : memref<64x128xf32, #tpu.memory_space<vmem>>, vector<16xf32>,
        tpu.vector_store %arg7[%parallel_loop3A_569, %parallel_loop3A_570], %parallel_loop3A_559 {strides = array<i32>} : memref<64x128xf32, #tpu.memory_space<vmem>>, vector<16xf32>,
        %parallel_loop3A_572 = arith.constant 26000 : i32
        %parallel_loop3A_573 = vector.broadcast %parallel_loop3A_572 : i32 to vector<16xi32>
        %parallel_loop3A_574 = arith.addi %parallel_loop3A_77, %parallel_loop3A_573 : vector<16xi32>
        %parallel_loop3A_575 = tpu.vector_load_idx %arg6[%parallel_loop3A_574] : memref<32000xi32, #tpu.memory_space<vmem>>[vector<16xi32>], vector<16xi32>,
        %parallel_loop3A_576 = vector.bitcast %parallel_loop3A_575 : vector<16xi32> to vector<32xbf16>
        %parallel_loop3A_577 = tpu.unpack_subelements %parallel_loop3A_576, 0 {pack_format = #tpu.pack_format<interleaved>} : vector<32xbf16> -> vector<16xf32>
        %parallel_loop3A_578 = tpu.unpack_subelements %parallel_loop3A_576, 1 {pack_format = #tpu.pack_format<interleaved>} : vector<32xbf16> -> vector<16xf32>
        %parallel_loop3A_579 = arith.constant 16 : i32
        %parallel_loop3A_580 = arith.muli %parallel_loop3A_72, %parallel_loop3A_579 : i32
        %parallel_loop3A_581 = arith.constant 52 : i32
        %parallel_loop3A_582 = arith.index_cast %parallel_loop3A_581 : i32 to index
        %parallel_loop3A_583 = arith.index_cast %parallel_loop3A_580 : i32 to index
        %parallel_loop3A_584 = tpu.vector_load %arg7[%parallel_loop3A_582, %parallel_loop3A_583] {strides = array<i32>} : memref<64x128xf32, #tpu.memory_space<vmem>>, vector<16xf32>,
        tpu.vector_store %arg7[%parallel_loop3A_582, %parallel_loop3A_583], %parallel_loop3A_577 {strides = array<i32>} : memref<64x128xf32, #tpu.memory_space<vmem>>, vector<16xf32>,
        %parallel_loop3A_585 = arith.constant 16 : i32
        %parallel_loop3A_586 = arith.muli %parallel_loop3A_72, %parallel_loop3A_585 : i32
        %parallel_loop3A_587 = arith.constant 53 : i32
        %parallel_loop3A_588 = arith.index_cast %parallel_loop3A_587 : i32 to index
        %parallel_loop3A_589 = arith.index_cast %parallel_loop3A_586 : i32 to index
        %parallel_loop3A_590 = tpu.vector_load %arg7[%parallel_loop3A_588, %parallel_loop3A_589] {strides = array<i32>} : memref<64x128xf32, #tpu.memory_space<vmem>>, vector<16xf32>,
        tpu.vector_store %arg7[%parallel_loop3A_588, %parallel_loop3A_589], %parallel_loop3A_578 {strides = array<i32>} : memref<64x128xf32, #tpu.memory_space<vmem>>, vector<16xf32>,
        %parallel_loop3A_591 = arith.constant 27000 : i32
        %parallel_loop3A_592 = vector.broadcast %parallel_loop3A_591 : i32 to vector<16xi32>
        %parallel_loop3A_593 = arith.addi %parallel_loop3A_77, %parallel_loop3A_592 : vector<16xi32>
        %parallel_loop3A_594 = tpu.vector_load_idx %arg6[%parallel_loop3A_593] : memref<32000xi32, #tpu.memory_space<vmem>>[vector<16xi32>], vector<16xi32>,
        %parallel_loop3A_595 = vector.bitcast %parallel_loop3A_594 : vector<16xi32> to vector<32xbf16>
        %parallel_loop3A_596 = tpu.unpack_subelements %parallel_loop3A_595, 0 {pack_format = #tpu.pack_format<interleaved>} : vector<32xbf16> -> vector<16xf32>
        %parallel_loop3A_597 = tpu.unpack_subelements %parallel_loop3A_595, 1 {pack_format = #tpu.pack_format<interleaved>} : vector<32xbf16> -> vector<16xf32>
        %parallel_loop3A_598 = arith.constant 16 : i32
        %parallel_loop3A_599 = arith.muli %parallel_loop3A_72, %parallel_loop3A_598 : i32
        %parallel_loop3A_600 = arith.constant 54 : i32
        %parallel_loop3A_601 = arith.index_cast %parallel_loop3A_600 : i32 to index
        %parallel_loop3A_602 = arith.index_cast %parallel_loop3A_599 : i32 to index
        %parallel_loop3A_603 = tpu.vector_load %arg7[%parallel_loop3A_601, %parallel_loop3A_602] {strides = array<i32>} : memref<64x128xf32, #tpu.memory_space<vmem>>, vector<16xf32>,
        tpu.vector_store %arg7[%parallel_loop3A_601, %parallel_loop3A_602], %parallel_loop3A_596 {strides = array<i32>} : memref<64x128xf32, #tpu.memory_space<vmem>>, vector<16xf32>,
        %parallel_loop3A_604 = arith.constant 16 : i32
        %parallel_loop3A_605 = arith.muli %parallel_loop3A_72, %parallel_loop3A_604 : i32
        %parallel_loop3A_606 = arith.constant 55 : i32
        %parallel_loop3A_607 = arith.index_cast %parallel_loop3A_606 : i32 to index
        %parallel_loop3A_608 = arith.index_cast %parallel_loop3A_605 : i32 to index
        %parallel_loop3A_609 = tpu.vector_load %arg7[%parallel_loop3A_607, %parallel_loop3A_608] {strides = array<i32>} : memref<64x128xf32, #tpu.memory_space<vmem>>, vector<16xf32>,
        tpu.vector_store %arg7[%parallel_loop3A_607, %parallel_loop3A_608], %parallel_loop3A_597 {strides = array<i32>} : memref<64x128xf32, #tpu.memory_space<vmem>>, vector<16xf32>,
        %parallel_loop3A_610 = arith.constant 28000 : i32
        %parallel_loop3A_611 = vector.broadcast %parallel_loop3A_610 : i32 to vector<16xi32>
        %parallel_loop3A_612 = arith.addi %parallel_loop3A_77, %parallel_loop3A_611 : vector<16xi32>
        %parallel_loop3A_613 = tpu.vector_load_idx %arg6[%parallel_loop3A_612] : memref<32000xi32, #tpu.memory_space<vmem>>[vector<16xi32>], vector<16xi32>,
        %parallel_loop3A_614 = vector.bitcast %parallel_loop3A_613 : vector<16xi32> to vector<32xbf16>
        %parallel_loop3A_615 = tpu.unpack_subelements %parallel_loop3A_614, 0 {pack_format = #tpu.pack_format<interleaved>} : vector<32xbf16> -> vector<16xf32>
        %parallel_loop3A_616 = tpu.unpack_subelements %parallel_loop3A_614, 1 {pack_format = #tpu.pack_format<interleaved>} : vector<32xbf16> -> vector<16xf32>
        %parallel_loop3A_617 = arith.constant 16 : i32
        %parallel_loop3A_618 = arith.muli %parallel_loop3A_72, %parallel_loop3A_617 : i32
        %parallel_loop3A_619 = arith.constant 56 : i32
        %parallel_loop3A_620 = arith.index_cast %parallel_loop3A_619 : i32 to index
        %parallel_loop3A_621 = arith.index_cast %parallel_loop3A_618 : i32 to index
        %parallel_loop3A_622 = tpu.vector_load %arg7[%parallel_loop3A_620, %parallel_loop3A_621] {strides = array<i32>} : memref<64x128xf32, #tpu.memory_space<vmem>>, vector<16xf32>,
        tpu.vector_store %arg7[%parallel_loop3A_620, %parallel_loop3A_621], %parallel_loop3A_615 {strides = array<i32>} : memref<64x128xf32, #tpu.memory_space<vmem>>, vector<16xf32>,
        %parallel_loop3A_623 = arith.constant 16 : i32
        %parallel_loop3A_624 = arith.muli %parallel_loop3A_72, %parallel_loop3A_623 : i32
        %parallel_loop3A_625 = arith.constant 57 : i32
        %parallel_loop3A_626 = arith.index_cast %parallel_loop3A_625 : i32 to index
        %parallel_loop3A_627 = arith.index_cast %parallel_loop3A_624 : i32 to index
        %parallel_loop3A_628 = tpu.vector_load %arg7[%parallel_loop3A_626, %parallel_loop3A_627] {strides = array<i32>} : memref<64x128xf32, #tpu.memory_space<vmem>>, vector<16xf32>,
        tpu.vector_store %arg7[%parallel_loop3A_626, %parallel_loop3A_627], %parallel_loop3A_616 {strides = array<i32>} : memref<64x128xf32, #tpu.memory_space<vmem>>, vector<16xf32>,
        %parallel_loop3A_629 = arith.constant 29000 : i32
        %parallel_loop3A_630 = vector.broadcast %parallel_loop3A_629 : i32 to vector<16xi32>
        %parallel_loop3A_631 = arith.addi %parallel_loop3A_77, %parallel_loop3A_630 : vector<16xi32>
        %parallel_loop3A_632 = tpu.vector_load_idx %arg6[%parallel_loop3A_631] : memref<32000xi32, #tpu.memory_space<vmem>>[vector<16xi32>], vector<16xi32>,
        %parallel_loop3A_633 = vector.bitcast %parallel_loop3A_632 : vector<16xi32> to vector<32xbf16>
        %parallel_loop3A_634 = tpu.unpack_subelements %parallel_loop3A_633, 0 {pack_format = #tpu.pack_format<interleaved>} : vector<32xbf16> -> vector<16xf32>
        %parallel_loop3A_635 = tpu.unpack_subelements %parallel_loop3A_633, 1 {pack_format = #tpu.pack_format<interleaved>} : vector<32xbf16> -> vector<16xf32>
        %parallel_loop3A_636 = arith.constant 16 : i32
        %parallel_loop3A_637 = arith.muli %parallel_loop3A_72, %parallel_loop3A_636 : i32
        %parallel_loop3A_638 = arith.constant 58 : i32
        %parallel_loop3A_639 = arith.index_cast %parallel_loop3A_638 : i32 to index
        %parallel_loop3A_640 = arith.index_cast %parallel_loop3A_637 : i32 to index
        %parallel_loop3A_641 = tpu.vector_load %arg7[%parallel_loop3A_639, %parallel_loop3A_640] {strides = array<i32>} : memref<64x128xf32, #tpu.memory_space<vmem>>, vector<16xf32>,
        tpu.vector_store %arg7[%parallel_loop3A_639, %parallel_loop3A_640], %parallel_loop3A_634 {strides = array<i32>} : memref<64x128xf32, #tpu.memory_space<vmem>>, vector<16xf32>,
        %parallel_loop3A_642 = arith.constant 16 : i32
        %parallel_loop3A_643 = arith.muli %parallel_loop3A_72, %parallel_loop3A_642 : i32
        %parallel_loop3A_644 = arith.constant 59 : i32
        %parallel_loop3A_645 = arith.index_cast %parallel_loop3A_644 : i32 to index
        %parallel_loop3A_646 = arith.index_cast %parallel_loop3A_643 : i32 to index
        %parallel_loop3A_647 = tpu.vector_load %arg7[%parallel_loop3A_645, %parallel_loop3A_646] {strides = array<i32>} : memref<64x128xf32, #tpu.memory_space<vmem>>, vector<16xf32>,
        tpu.vector_store %arg7[%parallel_loop3A_645, %parallel_loop3A_646], %parallel_loop3A_635 {strides = array<i32>} : memref<64x128xf32, #tpu.memory_space<vmem>>, vector<16xf32>,
        %parallel_loop3A_648 = arith.constant 30000 : i32
        %parallel_loop3A_649 = vector.broadcast %parallel_loop3A_648 : i32 to vector<16xi32>
        %parallel_loop3A_650 = arith.addi %parallel_loop3A_77, %parallel_loop3A_649 : vector<16xi32>
        %parallel_loop3A_651 = tpu.vector_load_idx %arg6[%parallel_loop3A_650] : memref<32000xi32, #tpu.memory_space<vmem>>[vector<16xi32>], vector<16xi32>,
        %parallel_loop3A_652 = vector.bitcast %parallel_loop3A_651 : vector<16xi32> to vector<32xbf16>
        %parallel_loop3A_653 = tpu.unpack_subelements %parallel_loop3A_652, 0 {pack_format = #tpu.pack_format<interleaved>} : vector<32xbf16> -> vector<16xf32>
        %parallel_loop3A_654 = tpu.unpack_subelements %parallel_loop3A_652, 1 {pack_format = #tpu.pack_format<interleaved>} : vector<32xbf16> -> vector<16xf32>
        %parallel_loop3A_655 = arith.constant 16 : i32
        %parallel_loop3A_656 = arith.muli %parallel_loop3A_72, %parallel_loop3A_655 : i32
        %parallel_loop3A_657 = arith.constant 60 : i32
        %parallel_loop3A_658 = arith.index_cast %parallel_loop3A_657 : i32 to index
        %parallel_loop3A_659 = arith.index_cast %parallel_loop3A_656 : i32 to index
        %parallel_loop3A_660 = tpu.vector_load %arg7[%parallel_loop3A_658, %parallel_loop3A_659] {strides = array<i32>} : memref<64x128xf32, #tpu.memory_space<vmem>>, vector<16xf32>,
        tpu.vector_store %arg7[%parallel_loop3A_658, %parallel_loop3A_659], %parallel_loop3A_653 {strides = array<i32>} : memref<64x128xf32, #tpu.memory_space<vmem>>, vector<16xf32>,
        %parallel_loop3A_661 = arith.constant 16 : i32
        %parallel_loop3A_662 = arith.muli %parallel_loop3A_72, %parallel_loop3A_661 : i32
        %parallel_loop3A_663 = arith.constant 61 : i32
        %parallel_loop3A_664 = arith.index_cast %parallel_loop3A_663 : i32 to index
        %parallel_loop3A_665 = arith.index_cast %parallel_loop3A_662 : i32 to index
        %parallel_loop3A_666 = tpu.vector_load %arg7[%parallel_loop3A_664, %parallel_loop3A_665] {strides = array<i32>} : memref<64x128xf32, #tpu.memory_space<vmem>>, vector<16xf32>,
        tpu.vector_store %arg7[%parallel_loop3A_664, %parallel_loop3A_665], %parallel_loop3A_654 {strides = array<i32>} : memref<64x128xf32, #tpu.memory_space<vmem>>, vector<16xf32>,
        %parallel_loop3A_667 = arith.constant 31000 : i32
        %parallel_loop3A_668 = vector.broadcast %parallel_loop3A_667 : i32 to vector<16xi32>
        %parallel_loop3A_669 = arith.addi %parallel_loop3A_77, %parallel_loop3A_668 : vector<16xi32>
        %parallel_loop3A_670 = tpu.vector_load_idx %arg6[%parallel_loop3A_669] : memref<32000xi32, #tpu.memory_space<vmem>>[vector<16xi32>], vector<16xi32>,
        %parallel_loop3A_671 = vector.bitcast %parallel_loop3A_670 : vector<16xi32> to vector<32xbf16>
        %parallel_loop3A_672 = tpu.unpack_subelements %parallel_loop3A_671, 0 {pack_format = #tpu.pack_format<interleaved>} : vector<32xbf16> -> vector<16xf32>
        %parallel_loop3A_673 = tpu.unpack_subelements %parallel_loop3A_671, 1 {pack_format = #tpu.pack_format<interleaved>} : vector<32xbf16> -> vector<16xf32>
        %parallel_loop3A_674 = arith.constant 16 : i32
        %parallel_loop3A_675 = arith.muli %parallel_loop3A_72, %parallel_loop3A_674 : i32
        %parallel_loop3A_676 = arith.constant 62 : i32
        %parallel_loop3A_677 = arith.index_cast %parallel_loop3A_676 : i32 to index
        %parallel_loop3A_678 = arith.index_cast %parallel_loop3A_675 : i32 to index
        %parallel_loop3A_679 = tpu.vector_load %arg7[%parallel_loop3A_677, %parallel_loop3A_678] {strides = array<i32>} : memref<64x128xf32, #tpu.memory_space<vmem>>, vector<16xf32>,
        tpu.vector_store %arg7[%parallel_loop3A_677, %parallel_loop3A_678], %parallel_loop3A_672 {strides = array<i32>} : memref<64x128xf32, #tpu.memory_space<vmem>>, vector<16xf32>,
        %parallel_loop3A_680 = arith.constant 16 : i32
        %parallel_loop3A_681 = arith.muli %parallel_loop3A_72, %parallel_loop3A_680 : i32
        %parallel_loop3A_682 = arith.constant 63 : i32
        %parallel_loop3A_683 = arith.index_cast %parallel_loop3A_682 : i32 to index
        %parallel_loop3A_684 = arith.index_cast %parallel_loop3A_681 : i32 to index
        %parallel_loop3A_685 = tpu.vector_load %arg7[%parallel_loop3A_683, %parallel_loop3A_684] {strides = array<i32>} : memref<64x128xf32, #tpu.memory_space<vmem>>, vector<16xf32>,
        tpu.vector_store %arg7[%parallel_loop3A_683, %parallel_loop3A_684], %parallel_loop3A_673 {strides = array<i32>} : memref<64x128xf32, #tpu.memory_space<vmem>>, vector<16xf32>,
      } {sc.loop_unroll_factor = 4 : i64, sc.parallel_access}
      %dma_start3A_47 = arith.constant 0 : i32
      %dma_start3A_48 = tpu.memref_slice %arg4[%add3A_42, %dma_start3A_47, %mul3A_2] : memref<20x64x4096xf32, #tpu.memory_space<hbm>> -> memref<1x64x128xf32, #tpu.memory_space<hbm>>
      %dma_start3A_49 = tpu.memref_squeeze %dma_start3A_48 : memref<1x64x128xf32, #tpu.memory_space<hbm>> -> memref<64x128xf32, #tpu.memory_space<hbm>>
      %dma_start3A_50 = arith.constant 0 : i32
      %dma_start3A_51 = tpu.memref_slice %arg4[%add3A_42, %dma_start3A_50, %mul3A_2] : memref<20x64x4096xf32, #tpu.memory_space<hbm>> -> memref<1x64x128xf32, #tpu.memory_space<hbm>>
      %dma_start3A_52 = tpu.memref_squeeze %dma_start3A_51 : memref<1x64x128xf32, #tpu.memory_space<hbm>> -> memref<64x128xf32, #tpu.memory_space<hbm>>
      tpu.enqueue_dma source(%arg7 : memref<64x128xf32, #tpu.memory_space<vmem>>) target(%dma_start3A_52 : memref<64x128xf32, #tpu.memory_space<hbm>>) target_semaphore(%arg9 : memref<!tpu.dma_semaphore, #tpu.memory_space<semaphore_mem>>)
      %mul3A_53 = arith.constant 2 : i32
      %mul3A_54 = arith.muli %mul3A_53, %scan3A_37 : i32
      %add3A_55 = arith.constant 1 : i32
      %add3A_56 = arith.addi %mul3A_54, %add3A_55 : i32
      %gt3A_57 = arith.constant 0 : i32
      %gt3A_58 = arith.cmpi sgt, %scan3A_37, %gt3A_57 : i32
      %convert_element_type3A_59 = arith.extui %gt3A_58 : i1 to i32
      %cond3A_60 = arith.constant 0 : i32
      %cond3A_61 = arith.cmpi ne, %convert_element_type3A_59, %cond3A_60 : i32
      scf.if %cond3A_61 {
        %dma_wait3A_72 = arith.constant 0 : i32
        %dma_wait3A_73 = arith.constant 0 : i32
        %dma_wait3A_74 = tpu.memref_slice %arg4[%dma_wait3A_72, %dma_wait3A_73, %mul3A_2] : memref<20x64x4096xf32, #tpu.memory_space<hbm>> -> memref<1x64x128xf32, #tpu.memory_space<hbm>>
        %dma_wait3A_75 = tpu.memref_squeeze %dma_wait3A_74 : memref<1x64x128xf32, #tpu.memory_space<hbm>> -> memref<64x128xf32, #tpu.memory_space<hbm>>
        %dma_wait3A_76 = arith.constant 0 : i32
        %dma_wait3A_77 = tpu.memref_slice %arg4[%dma_wait3A_72, %dma_wait3A_76, %mul3A_2] : memref<20x64x4096xf32, #tpu.memory_space<hbm>> -> memref<1x64x128xf32, #tpu.memory_space<hbm>>
        %dma_wait3A_78 = tpu.memref_squeeze %dma_wait3A_77 : memref<1x64x128xf32, #tpu.memory_space<hbm>> -> memref<64x128xf32, #tpu.memory_space<hbm>>
        tpu.wait_dma2 semaphore(%arg10 : memref<!tpu.dma_semaphore, #tpu.memory_space<semaphore_mem>>) src(%arg8 : memref<64x128xf32, #tpu.memory_space<vmem>>) dst(%dma_wait3A_78 : memref<64x128xf32, #tpu.memory_space<hbm>>)
      } else {
      }
      %parallel_loop3A_62 = arith.constant 0 : i32
      %parallel_loop3A_63 = arith.constant 8 : i32
      %parallel_loop3A_64 = arith.constant 1 : i32
      scf.for %parallel_loop3A_72 = %parallel_loop3A_62 to %parallel_loop3A_63 step %parallel_loop3A_64  : i32 {
        %parallel_loop3A_73 = arith.constant 16 : i32
        %parallel_loop3A_74 = arith.muli %parallel_loop3A_72, %parallel_loop3A_73 : i32
        %parallel_loop3A_75 = arith.index_cast %add3A_56 : i32 to index
        %parallel_loop3A_76 = arith.index_cast %parallel_loop3A_74 : i32 to index
        %parallel_loop3A_77 = tpu.vector_load %arg5[%parallel_loop3A_75, %parallel_loop3A_76] {strides = array<i32>} : memref<20x128xi32, #tpu.memory_space<vmem>>, vector<16xi32>,
        %parallel_loop3A_78 = arith.constant 0 : i32
        %parallel_loop3A_79 = vector.broadcast %parallel_loop3A_78 : i32 to vector<16xi32>
        %parallel_loop3A_80 = arith.addi %parallel_loop3A_77, %parallel_loop3A_79 : vector<16xi32>
        %parallel_loop3A_81 = tpu.vector_load_idx %arg6[%parallel_loop3A_80] : memref<32000xi32, #tpu.memory_space<vmem>>[vector<16xi32>], vector<16xi32>,
        %parallel_loop3A_82 = vector.bitcast %parallel_loop3A_81 : vector<16xi32> to vector<32xbf16>
        %parallel_loop3A_83 = tpu.unpack_subelements %parallel_loop3A_82, 0 {pack_format = #tpu.pack_format<interleaved>} : vector<32xbf16> -> vector<16xf32>
        %parallel_loop3A_84 = tpu.unpack_subelements %parallel_loop3A_82, 1 {pack_format = #tpu.pack_format<interleaved>} : vector<32xbf16> -> vector<16xf32>
        %parallel_loop3A_85 = arith.constant 16 : i32
        %parallel_loop3A_86 = arith.muli %parallel_loop3A_72, %parallel_loop3A_85 : i32
        %parallel_loop3A_87 = arith.constant 0 : i32
        %parallel_loop3A_88 = arith.index_cast %parallel_loop3A_87 : i32 to index
        %parallel_loop3A_89 = arith.index_cast %parallel_loop3A_86 : i32 to index
        %parallel_loop3A_90 = tpu.vector_load %arg8[%parallel_loop3A_88, %parallel_loop3A_89] {strides = array<i32>} : memref<64x128xf32, #tpu.memory_space<vmem>>, vector<16xf32>,
        tpu.vector_store %arg8[%parallel_loop3A_88, %parallel_loop3A_89], %parallel_loop3A_83 {strides = array<i32>} : memref<64x128xf32, #tpu.memory_space<vmem>>, vector<16xf32>,
        %parallel_loop3A_91 = arith.constant 16 : i32
        %parallel_loop3A_92 = arith.muli %parallel_loop3A_72, %parallel_loop3A_91 : i32
        %parallel_loop3A_93 = arith.constant 1 : i32
        %parallel_loop3A_94 = arith.index_cast %parallel_loop3A_93 : i32 to index
        %parallel_loop3A_95 = arith.index_cast %parallel_loop3A_92 : i32 to index
        %parallel_loop3A_96 = tpu.vector_load %arg8[%parallel_loop3A_94, %parallel_loop3A_95] {strides = array<i32>} : memref<64x128xf32, #tpu.memory_space<vmem>>, vector<16xf32>,
        tpu.vector_store %arg8[%parallel_loop3A_94, %parallel_loop3A_95], %parallel_loop3A_84 {strides = array<i32>} : memref<64x128xf32, #tpu.memory_space<vmem>>, vector<16xf32>,
        %parallel_loop3A_97 = arith.constant 1000 : i32
        %parallel_loop3A_98 = vector.broadcast %parallel_loop3A_97 : i32 to vector<16xi32>
        %parallel_loop3A_99 = arith.addi %parallel_loop3A_77, %parallel_loop3A_98 : vector<16xi32>
        %parallel_loop3A_100 = tpu.vector_load_idx %arg6[%parallel_loop3A_99] : memref<32000xi32, #tpu.memory_space<vmem>>[vector<16xi32>], vector<16xi32>,
        %parallel_loop3A_101 = vector.bitcast %parallel_loop3A_100 : vector<16xi32> to vector<32xbf16>
        %parallel_loop3A_102 = tpu.unpack_subelements %parallel_loop3A_101, 0 {pack_format = #tpu.pack_format<interleaved>} : vector<32xbf16> -> vector<16xf32>
        %parallel_loop3A_103 = tpu.unpack_subelements %parallel_loop3A_101, 1 {pack_format = #tpu.pack_format<interleaved>} : vector<32xbf16> -> vector<16xf32>
        %parallel_loop3A_104 = arith.constant 16 : i32
        %parallel_loop3A_105 = arith.muli %parallel_loop3A_72, %parallel_loop3A_104 : i32
        %parallel_loop3A_106 = arith.constant 2 : i32
        %parallel_loop3A_107 = arith.index_cast %parallel_loop3A_106 : i32 to index
        %parallel_loop3A_108 = arith.index_cast %parallel_loop3A_105 : i32 to index
        %parallel_loop3A_109 = tpu.vector_load %arg8[%parallel_loop3A_107, %parallel_loop3A_108] {strides = array<i32>} : memref<64x128xf32, #tpu.memory_space<vmem>>, vector<16xf32>,
        tpu.vector_store %arg8[%parallel_loop3A_107, %parallel_loop3A_108], %parallel_loop3A_102 {strides = array<i32>} : memref<64x128xf32, #tpu.memory_space<vmem>>, vector<16xf32>,
        %parallel_loop3A_110 = arith.constant 16 : i32
        %parallel_loop3A_111 = arith.muli %parallel_loop3A_72, %parallel_loop3A_110 : i32
        %parallel_loop3A_112 = arith.constant 3 : i32
        %parallel_loop3A_113 = arith.index_cast %parallel_loop3A_112 : i32 to index
        %parallel_loop3A_114 = arith.index_cast %parallel_loop3A_111 : i32 to index
        %parallel_loop3A_115 = tpu.vector_load %arg8[%parallel_loop3A_113, %parallel_loop3A_114] {strides = array<i32>} : memref<64x128xf32, #tpu.memory_space<vmem>>, vector<16xf32>,
        tpu.vector_store %arg8[%parallel_loop3A_113, %parallel_loop3A_114], %parallel_loop3A_103 {strides = array<i32>} : memref<64x128xf32, #tpu.memory_space<vmem>>, vector<16xf32>,
        %parallel_loop3A_116 = arith.constant 2000 : i32
        %parallel_loop3A_117 = vector.broadcast %parallel_loop3A_116 : i32 to vector<16xi32>
        %parallel_loop3A_118 = arith.addi %parallel_loop3A_77, %parallel_loop3A_117 : vector<16xi32>
        %parallel_loop3A_119 = tpu.vector_load_idx %arg6[%parallel_loop3A_118] : memref<32000xi32, #tpu.memory_space<vmem>>[vector<16xi32>], vector<16xi32>,
        %parallel_loop3A_120 = vector.bitcast %parallel_loop3A_119 : vector<16xi32> to vector<32xbf16>
        %parallel_loop3A_121 = tpu.unpack_subelements %parallel_loop3A_120, 0 {pack_format = #tpu.pack_format<interleaved>} : vector<32xbf16> -> vector<16xf32>
        %parallel_loop3A_122 = tpu.unpack_subelements %parallel_loop3A_120, 1 {pack_format = #tpu.pack_format<interleaved>} : vector<32xbf16> -> vector<16xf32>
        %parallel_loop3A_123 = arith.constant 16 : i32
        %parallel_loop3A_124 = arith.muli %parallel_loop3A_72, %parallel_loop3A_123 : i32
        %parallel_loop3A_125 = arith.constant 4 : i32
        %parallel_loop3A_126 = arith.index_cast %parallel_loop3A_125 : i32 to index
        %parallel_loop3A_127 = arith.index_cast %parallel_loop3A_124 : i32 to index
        %parallel_loop3A_128 = tpu.vector_load %arg8[%parallel_loop3A_126, %parallel_loop3A_127] {strides = array<i32>} : memref<64x128xf32, #tpu.memory_space<vmem>>, vector<16xf32>,
        tpu.vector_store %arg8[%parallel_loop3A_126, %parallel_loop3A_127], %parallel_loop3A_121 {strides = array<i32>} : memref<64x128xf32, #tpu.memory_space<vmem>>, vector<16xf32>,
        %parallel_loop3A_129 = arith.constant 16 : i32
        %parallel_loop3A_130 = arith.muli %parallel_loop3A_72, %parallel_loop3A_129 : i32
        %parallel_loop3A_131 = arith.constant 5 : i32
        %parallel_loop3A_132 = arith.index_cast %parallel_loop3A_131 : i32 to index
        %parallel_loop3A_133 = arith.index_cast %parallel_loop3A_130 : i32 to index
        %parallel_loop3A_134 = tpu.vector_load %arg8[%parallel_loop3A_132, %parallel_loop3A_133] {strides = array<i32>} : memref<64x128xf32, #tpu.memory_space<vmem>>, vector<16xf32>,
        tpu.vector_store %arg8[%parallel_loop3A_132, %parallel_loop3A_133], %parallel_loop3A_122 {strides = array<i32>} : memref<64x128xf32, #tpu.memory_space<vmem>>, vector<16xf32>,
        %parallel_loop3A_135 = arith.constant 3000 : i32
        %parallel_loop3A_136 = vector.broadcast %parallel_loop3A_135 : i32 to vector<16xi32>
        %parallel_loop3A_137 = arith.addi %parallel_loop3A_77, %parallel_loop3A_136 : vector<16xi32>
        %parallel_loop3A_138 = tpu.vector_load_idx %arg6[%parallel_loop3A_137] : memref<32000xi32, #tpu.memory_space<vmem>>[vector<16xi32>], vector<16xi32>,
        %parallel_loop3A_139 = vector.bitcast %parallel_loop3A_138 : vector<16xi32> to vector<32xbf16>
        %parallel_loop3A_140 = tpu.unpack_subelements %parallel_loop3A_139, 0 {pack_format = #tpu.pack_format<interleaved>} : vector<32xbf16> -> vector<16xf32>
        %parallel_loop3A_141 = tpu.unpack_subelements %parallel_loop3A_139, 1 {pack_format = #tpu.pack_format<interleaved>} : vector<32xbf16> -> vector<16xf32>
        %parallel_loop3A_142 = arith.constant 16 : i32
        %parallel_loop3A_143 = arith.muli %parallel_loop3A_72, %parallel_loop3A_142 : i32
        %parallel_loop3A_144 = arith.constant 6 : i32
        %parallel_loop3A_145 = arith.index_cast %parallel_loop3A_144 : i32 to index
        %parallel_loop3A_146 = arith.index_cast %parallel_loop3A_143 : i32 to index
        %parallel_loop3A_147 = tpu.vector_load %arg8[%parallel_loop3A_145, %parallel_loop3A_146] {strides = array<i32>} : memref<64x128xf32, #tpu.memory_space<vmem>>, vector<16xf32>,
        tpu.vector_store %arg8[%parallel_loop3A_145, %parallel_loop3A_146], %parallel_loop3A_140 {strides = array<i32>} : memref<64x128xf32, #tpu.memory_space<vmem>>, vector<16xf32>,
        %parallel_loop3A_148 = arith.constant 16 : i32
        %parallel_loop3A_149 = arith.muli %parallel_loop3A_72, %parallel_loop3A_148 : i32
        %parallel_loop3A_150 = arith.constant 7 : i32
        %parallel_loop3A_151 = arith.index_cast %parallel_loop3A_150 : i32 to index
        %parallel_loop3A_152 = arith.index_cast %parallel_loop3A_149 : i32 to index
        %parallel_loop3A_153 = tpu.vector_load %arg8[%parallel_loop3A_151, %parallel_loop3A_152] {strides = array<i32>} : memref<64x128xf32, #tpu.memory_space<vmem>>, vector<16xf32>,
        tpu.vector_store %arg8[%parallel_loop3A_151, %parallel_loop3A_152], %parallel_loop3A_141 {strides = array<i32>} : memref<64x128xf32, #tpu.memory_space<vmem>>, vector<16xf32>,
        %parallel_loop3A_154 = arith.constant 4000 : i32
        %parallel_loop3A_155 = vector.broadcast %parallel_loop3A_154 : i32 to vector<16xi32>
        %parallel_loop3A_156 = arith.addi %parallel_loop3A_77, %parallel_loop3A_155 : vector<16xi32>
        %parallel_loop3A_157 = tpu.vector_load_idx %arg6[%parallel_loop3A_156] : memref<32000xi32, #tpu.memory_space<vmem>>[vector<16xi32>], vector<16xi32>,
        %parallel_loop3A_158 = vector.bitcast %parallel_loop3A_157 : vector<16xi32> to vector<32xbf16>
        %parallel_loop3A_159 = tpu.unpack_subelements %parallel_loop3A_158, 0 {pack_format = #tpu.pack_format<interleaved>} : vector<32xbf16> -> vector<16xf32>
        %parallel_loop3A_160 = tpu.unpack_subelements %parallel_loop3A_158, 1 {pack_format = #tpu.pack_format<interleaved>} : vector<32xbf16> -> vector<16xf32>
        %parallel_loop3A_161 = arith.constant 16 : i32
        %parallel_loop3A_162 = arith.muli %parallel_loop3A_72, %parallel_loop3A_161 : i32
        %parallel_loop3A_163 = arith.constant 8 : i32
        %parallel_loop3A_164 = arith.index_cast %parallel_loop3A_163 : i32 to index
        %parallel_loop3A_165 = arith.index_cast %parallel_loop3A_162 : i32 to index
        %parallel_loop3A_166 = tpu.vector_load %arg8[%parallel_loop3A_164, %parallel_loop3A_165] {strides = array<i32>} : memref<64x128xf32, #tpu.memory_space<vmem>>, vector<16xf32>,
        tpu.vector_store %arg8[%parallel_loop3A_164, %parallel_loop3A_165], %parallel_loop3A_159 {strides = array<i32>} : memref<64x128xf32, #tpu.memory_space<vmem>>, vector<16xf32>,
        %parallel_loop3A_167 = arith.constant 16 : i32
        %parallel_loop3A_168 = arith.muli %parallel_loop3A_72, %parallel_loop3A_167 : i32
        %parallel_loop3A_169 = arith.constant 9 : i32
        %parallel_loop3A_170 = arith.index_cast %parallel_loop3A_169 : i32 to index
        %parallel_loop3A_171 = arith.index_cast %parallel_loop3A_168 : i32 to index
        %parallel_loop3A_172 = tpu.vector_load %arg8[%parallel_loop3A_170, %parallel_loop3A_171] {strides = array<i32>} : memref<64x128xf32, #tpu.memory_space<vmem>>, vector<16xf32>,
        tpu.vector_store %arg8[%parallel_loop3A_170, %parallel_loop3A_171], %parallel_loop3A_160 {strides = array<i32>} : memref<64x128xf32, #tpu.memory_space<vmem>>, vector<16xf32>,
        %parallel_loop3A_173 = arith.constant 5000 : i32
        %parallel_loop3A_174 = vector.broadcast %parallel_loop3A_173 : i32 to vector<16xi32>
        %parallel_loop3A_175 = arith.addi %parallel_loop3A_77, %parallel_loop3A_174 : vector<16xi32>
        %parallel_loop3A_176 = tpu.vector_load_idx %arg6[%parallel_loop3A_175] : memref<32000xi32, #tpu.memory_space<vmem>>[vector<16xi32>], vector<16xi32>,
        %parallel_loop3A_177 = vector.bitcast %parallel_loop3A_176 : vector<16xi32> to vector<32xbf16>
        %parallel_loop3A_178 = tpu.unpack_subelements %parallel_loop3A_177, 0 {pack_format = #tpu.pack_format<interleaved>} : vector<32xbf16> -> vector<16xf32>
        %parallel_loop3A_179 = tpu.unpack_subelements %parallel_loop3A_177, 1 {pack_format = #tpu.pack_format<interleaved>} : vector<32xbf16> -> vector<16xf32>
        %parallel_loop3A_180 = arith.constant 16 : i32
        %parallel_loop3A_181 = arith.muli %parallel_loop3A_72, %parallel_loop3A_180 : i32
        %parallel_loop3A_182 = arith.constant 10 : i32
        %parallel_loop3A_183 = arith.index_cast %parallel_loop3A_182 : i32 to index
        %parallel_loop3A_184 = arith.index_cast %parallel_loop3A_181 : i32 to index
        %parallel_loop3A_185 = tpu.vector_load %arg8[%parallel_loop3A_183, %parallel_loop3A_184] {strides = array<i32>} : memref<64x128xf32, #tpu.memory_space<vmem>>, vector<16xf32>,
        tpu.vector_store %arg8[%parallel_loop3A_183, %parallel_loop3A_184], %parallel_loop3A_178 {strides = array<i32>} : memref<64x128xf32, #tpu.memory_space<vmem>>, vector<16xf32>,
        %parallel_loop3A_186 = arith.constant 16 : i32
        %parallel_loop3A_187 = arith.muli %parallel_loop3A_72, %parallel_loop3A_186 : i32
        %parallel_loop3A_188 = arith.constant 11 : i32
        %parallel_loop3A_189 = arith.index_cast %parallel_loop3A_188 : i32 to index
        %parallel_loop3A_190 = arith.index_cast %parallel_loop3A_187 : i32 to index
        %parallel_loop3A_191 = tpu.vector_load %arg8[%parallel_loop3A_189, %parallel_loop3A_190] {strides = array<i32>} : memref<64x128xf32, #tpu.memory_space<vmem>>, vector<16xf32>,
        tpu.vector_store %arg8[%parallel_loop3A_189, %parallel_loop3A_190], %parallel_loop3A_179 {strides = array<i32>} : memref<64x128xf32, #tpu.memory_space<vmem>>, vector<16xf32>,
        %parallel_loop3A_192 = arith.constant 6000 : i32
        %parallel_loop3A_193 = vector.broadcast %parallel_loop3A_192 : i32 to vector<16xi32>
        %parallel_loop3A_194 = arith.addi %parallel_loop3A_77, %parallel_loop3A_193 : vector<16xi32>
        %parallel_loop3A_195 = tpu.vector_load_idx %arg6[%parallel_loop3A_194] : memref<32000xi32, #tpu.memory_space<vmem>>[vector<16xi32>], vector<16xi32>,
        %parallel_loop3A_196 = vector.bitcast %parallel_loop3A_195 : vector<16xi32> to vector<32xbf16>
        %parallel_loop3A_197 = tpu.unpack_subelements %parallel_loop3A_196, 0 {pack_format = #tpu.pack_format<interleaved>} : vector<32xbf16> -> vector<16xf32>
        %parallel_loop3A_198 = tpu.unpack_subelements %parallel_loop3A_196, 1 {pack_format = #tpu.pack_format<interleaved>} : vector<32xbf16> -> vector<16xf32>
        %parallel_loop3A_199 = arith.constant 16 : i32
        %parallel_loop3A_200 = arith.muli %parallel_loop3A_72, %parallel_loop3A_199 : i32
        %parallel_loop3A_201 = arith.constant 12 : i32
        %parallel_loop3A_202 = arith.index_cast %parallel_loop3A_201 : i32 to index
        %parallel_loop3A_203 = arith.index_cast %parallel_loop3A_200 : i32 to index
        %parallel_loop3A_204 = tpu.vector_load %arg8[%parallel_loop3A_202, %parallel_loop3A_203] {strides = array<i32>} : memref<64x128xf32, #tpu.memory_space<vmem>>, vector<16xf32>,
        tpu.vector_store %arg8[%parallel_loop3A_202, %parallel_loop3A_203], %parallel_loop3A_197 {strides = array<i32>} : memref<64x128xf32, #tpu.memory_space<vmem>>, vector<16xf32>,
        %parallel_loop3A_205 = arith.constant 16 : i32
        %parallel_loop3A_206 = arith.muli %parallel_loop3A_72, %parallel_loop3A_205 : i32
        %parallel_loop3A_207 = arith.constant 13 : i32
        %parallel_loop3A_208 = arith.index_cast %parallel_loop3A_207 : i32 to index
        %parallel_loop3A_209 = arith.index_cast %parallel_loop3A_206 : i32 to index
        %parallel_loop3A_210 = tpu.vector_load %arg8[%parallel_loop3A_208, %parallel_loop3A_209] {strides = array<i32>} : memref<64x128xf32, #tpu.memory_space<vmem>>, vector<16xf32>,
        tpu.vector_store %arg8[%parallel_loop3A_208, %parallel_loop3A_209], %parallel_loop3A_198 {strides = array<i32>} : memref<64x128xf32, #tpu.memory_space<vmem>>, vector<16xf32>,
        %parallel_loop3A_211 = arith.constant 7000 : i32
        %parallel_loop3A_212 = vector.broadcast %parallel_loop3A_211 : i32 to vector<16xi32>
        %parallel_loop3A_213 = arith.addi %parallel_loop3A_77, %parallel_loop3A_212 : vector<16xi32>
        %parallel_loop3A_214 = tpu.vector_load_idx %arg6[%parallel_loop3A_213] : memref<32000xi32, #tpu.memory_space<vmem>>[vector<16xi32>], vector<16xi32>,
        %parallel_loop3A_215 = vector.bitcast %parallel_loop3A_214 : vector<16xi32> to vector<32xbf16>
        %parallel_loop3A_216 = tpu.unpack_subelements %parallel_loop3A_215, 0 {pack_format = #tpu.pack_format<interleaved>} : vector<32xbf16> -> vector<16xf32>
        %parallel_loop3A_217 = tpu.unpack_subelements %parallel_loop3A_215, 1 {pack_format = #tpu.pack_format<interleaved>} : vector<32xbf16> -> vector<16xf32>
        %parallel_loop3A_218 = arith.constant 16 : i32
        %parallel_loop3A_219 = arith.muli %parallel_loop3A_72, %parallel_loop3A_218 : i32
        %parallel_loop3A_220 = arith.constant 14 : i32
        %parallel_loop3A_221 = arith.index_cast %parallel_loop3A_220 : i32 to index
        %parallel_loop3A_222 = arith.index_cast %parallel_loop3A_219 : i32 to index
        %parallel_loop3A_223 = tpu.vector_load %arg8[%parallel_loop3A_221, %parallel_loop3A_222] {strides = array<i32>} : memref<64x128xf32, #tpu.memory_space<vmem>>, vector<16xf32>,
        tpu.vector_store %arg8[%parallel_loop3A_221, %parallel_loop3A_222], %parallel_loop3A_216 {strides = array<i32>} : memref<64x128xf32, #tpu.memory_space<vmem>>, vector<16xf32>,
        %parallel_loop3A_224 = arith.constant 16 : i32
        %parallel_loop3A_225 = arith.muli %parallel_loop3A_72, %parallel_loop3A_224 : i32
        %parallel_loop3A_226 = arith.constant 15 : i32
        %parallel_loop3A_227 = arith.index_cast %parallel_loop3A_226 : i32 to index
        %parallel_loop3A_228 = arith.index_cast %parallel_loop3A_225 : i32 to index
        %parallel_loop3A_229 = tpu.vector_load %arg8[%parallel_loop3A_227, %parallel_loop3A_228] {strides = array<i32>} : memref<64x128xf32, #tpu.memory_space<vmem>>, vector<16xf32>,
        tpu.vector_store %arg8[%parallel_loop3A_227, %parallel_loop3A_228], %parallel_loop3A_217 {strides = array<i32>} : memref<64x128xf32, #tpu.memory_space<vmem>>, vector<16xf32>,
        %parallel_loop3A_230 = arith.constant 8000 : i32
        %parallel_loop3A_231 = vector.broadcast %parallel_loop3A_230 : i32 to vector<16xi32>
        %parallel_loop3A_232 = arith.addi %parallel_loop3A_77, %parallel_loop3A_231 : vector<16xi32>
        %parallel_loop3A_233 = tpu.vector_load_idx %arg6[%parallel_loop3A_232] : memref<32000xi32, #tpu.memory_space<vmem>>[vector<16xi32>], vector<16xi32>,
        %parallel_loop3A_234 = vector.bitcast %parallel_loop3A_233 : vector<16xi32> to vector<32xbf16>
        %parallel_loop3A_235 = tpu.unpack_subelements %parallel_loop3A_234, 0 {pack_format = #tpu.pack_format<interleaved>} : vector<32xbf16> -> vector<16xf32>
        %parallel_loop3A_236 = tpu.unpack_subelements %parallel_loop3A_234, 1 {pack_format = #tpu.pack_format<interleaved>} : vector<32xbf16> -> vector<16xf32>
        %parallel_loop3A_237 = arith.constant 16 : i32
        %parallel_loop3A_238 = arith.muli %parallel_loop3A_72, %parallel_loop3A_237 : i32
        %parallel_loop3A_239 = arith.constant 16 : i32
        %parallel_loop3A_240 = arith.index_cast %parallel_loop3A_239 : i32 to index
        %parallel_loop3A_241 = arith.index_cast %parallel_loop3A_238 : i32 to index
        %parallel_loop3A_242 = tpu.vector_load %arg8[%parallel_loop3A_240, %parallel_loop3A_241] {strides = array<i32>} : memref<64x128xf32, #tpu.memory_space<vmem>>, vector<16xf32>,
        tpu.vector_store %arg8[%parallel_loop3A_240, %parallel_loop3A_241], %parallel_loop3A_235 {strides = array<i32>} : memref<64x128xf32, #tpu.memory_space<vmem>>, vector<16xf32>,
        %parallel_loop3A_243 = arith.constant 16 : i32
        %parallel_loop3A_244 = arith.muli %parallel_loop3A_72, %parallel_loop3A_243 : i32
        %parallel_loop3A_245 = arith.constant 17 : i32
        %parallel_loop3A_246 = arith.index_cast %parallel_loop3A_245 : i32 to index
        %parallel_loop3A_247 = arith.index_cast %parallel_loop3A_244 : i32 to index
        %parallel_loop3A_248 = tpu.vector_load %arg8[%parallel_loop3A_246, %parallel_loop3A_247] {strides = array<i32>} : memref<64x128xf32, #tpu.memory_space<vmem>>, vector<16xf32>,
        tpu.vector_store %arg8[%parallel_loop3A_246, %parallel_loop3A_247], %parallel_loop3A_236 {strides = array<i32>} : memref<64x128xf32, #tpu.memory_space<vmem>>, vector<16xf32>,
        %parallel_loop3A_249 = arith.constant 9000 : i32
        %parallel_loop3A_250 = vector.broadcast %parallel_loop3A_249 : i32 to vector<16xi32>
        %parallel_loop3A_251 = arith.addi %parallel_loop3A_77, %parallel_loop3A_250 : vector<16xi32>
        %parallel_loop3A_252 = tpu.vector_load_idx %arg6[%parallel_loop3A_251] : memref<32000xi32, #tpu.memory_space<vmem>>[vector<16xi32>], vector<16xi32>,
        %parallel_loop3A_253 = vector.bitcast %parallel_loop3A_252 : vector<16xi32> to vector<32xbf16>
        %parallel_loop3A_254 = tpu.unpack_subelements %parallel_loop3A_253, 0 {pack_format = #tpu.pack_format<interleaved>} : vector<32xbf16> -> vector<16xf32>
        %parallel_loop3A_255 = tpu.unpack_subelements %parallel_loop3A_253, 1 {pack_format = #tpu.pack_format<interleaved>} : vector<32xbf16> -> vector<16xf32>
        %parallel_loop3A_256 = arith.constant 16 : i32
        %parallel_loop3A_257 = arith.muli %parallel_loop3A_72, %parallel_loop3A_256 : i32
        %parallel_loop3A_258 = arith.constant 18 : i32
        %parallel_loop3A_259 = arith.index_cast %parallel_loop3A_258 : i32 to index
        %parallel_loop3A_260 = arith.index_cast %parallel_loop3A_257 : i32 to index
        %parallel_loop3A_261 = tpu.vector_load %arg8[%parallel_loop3A_259, %parallel_loop3A_260] {strides = array<i32>} : memref<64x128xf32, #tpu.memory_space<vmem>>, vector<16xf32>,
        tpu.vector_store %arg8[%parallel_loop3A_259, %parallel_loop3A_260], %parallel_loop3A_254 {strides = array<i32>} : memref<64x128xf32, #tpu.memory_space<vmem>>, vector<16xf32>,
        %parallel_loop3A_262 = arith.constant 16 : i32
        %parallel_loop3A_263 = arith.muli %parallel_loop3A_72, %parallel_loop3A_262 : i32
        %parallel_loop3A_264 = arith.constant 19 : i32
        %parallel_loop3A_265 = arith.index_cast %parallel_loop3A_264 : i32 to index
        %parallel_loop3A_266 = arith.index_cast %parallel_loop3A_263 : i32 to index
        %parallel_loop3A_267 = tpu.vector_load %arg8[%parallel_loop3A_265, %parallel_loop3A_266] {strides = array<i32>} : memref<64x128xf32, #tpu.memory_space<vmem>>, vector<16xf32>,
        tpu.vector_store %arg8[%parallel_loop3A_265, %parallel_loop3A_266], %parallel_loop3A_255 {strides = array<i32>} : memref<64x128xf32, #tpu.memory_space<vmem>>, vector<16xf32>,
        %parallel_loop3A_268 = arith.constant 10000 : i32
        %parallel_loop3A_269 = vector.broadcast %parallel_loop3A_268 : i32 to vector<16xi32>
        %parallel_loop3A_270 = arith.addi %parallel_loop3A_77, %parallel_loop3A_269 : vector<16xi32>
        %parallel_loop3A_271 = tpu.vector_load_idx %arg6[%parallel_loop3A_270] : memref<32000xi32, #tpu.memory_space<vmem>>[vector<16xi32>], vector<16xi32>,
        %parallel_loop3A_272 = vector.bitcast %parallel_loop3A_271 : vector<16xi32> to vector<32xbf16>
        %parallel_loop3A_273 = tpu.unpack_subelements %parallel_loop3A_272, 0 {pack_format = #tpu.pack_format<interleaved>} : vector<32xbf16> -> vector<16xf32>
        %parallel_loop3A_274 = tpu.unpack_subelements %parallel_loop3A_272, 1 {pack_format = #tpu.pack_format<interleaved>} : vector<32xbf16> -> vector<16xf32>
        %parallel_loop3A_275 = arith.constant 16 : i32
        %parallel_loop3A_276 = arith.muli %parallel_loop3A_72, %parallel_loop3A_275 : i32
        %parallel_loop3A_277 = arith.constant 20 : i32
        %parallel_loop3A_278 = arith.index_cast %parallel_loop3A_277 : i32 to index
        %parallel_loop3A_279 = arith.index_cast %parallel_loop3A_276 : i32 to index
        %parallel_loop3A_280 = tpu.vector_load %arg8[%parallel_loop3A_278, %parallel_loop3A_279] {strides = array<i32>} : memref<64x128xf32, #tpu.memory_space<vmem>>, vector<16xf32>,
        tpu.vector_store %arg8[%parallel_loop3A_278, %parallel_loop3A_279], %parallel_loop3A_273 {strides = array<i32>} : memref<64x128xf32, #tpu.memory_space<vmem>>, vector<16xf32>,
        %parallel_loop3A_281 = arith.constant 16 : i32
        %parallel_loop3A_282 = arith.muli %parallel_loop3A_72, %parallel_loop3A_281 : i32
        %parallel_loop3A_283 = arith.constant 21 : i32
        %parallel_loop3A_284 = arith.index_cast %parallel_loop3A_283 : i32 to index
        %parallel_loop3A_285 = arith.index_cast %parallel_loop3A_282 : i32 to index
        %parallel_loop3A_286 = tpu.vector_load %arg8[%parallel_loop3A_284, %parallel_loop3A_285] {strides = array<i32>} : memref<64x128xf32, #tpu.memory_space<vmem>>, vector<16xf32>,
        tpu.vector_store %arg8[%parallel_loop3A_284, %parallel_loop3A_285], %parallel_loop3A_274 {strides = array<i32>} : memref<64x128xf32, #tpu.memory_space<vmem>>, vector<16xf32>,
        %parallel_loop3A_287 = arith.constant 11000 : i32
        %parallel_loop3A_288 = vector.broadcast %parallel_loop3A_287 : i32 to vector<16xi32>
        %parallel_loop3A_289 = arith.addi %parallel_loop3A_77, %parallel_loop3A_288 : vector<16xi32>
        %parallel_loop3A_290 = tpu.vector_load_idx %arg6[%parallel_loop3A_289] : memref<32000xi32, #tpu.memory_space<vmem>>[vector<16xi32>], vector<16xi32>,
        %parallel_loop3A_291 = vector.bitcast %parallel_loop3A_290 : vector<16xi32> to vector<32xbf16>
        %parallel_loop3A_292 = tpu.unpack_subelements %parallel_loop3A_291, 0 {pack_format = #tpu.pack_format<interleaved>} : vector<32xbf16> -> vector<16xf32>
        %parallel_loop3A_293 = tpu.unpack_subelements %parallel_loop3A_291, 1 {pack_format = #tpu.pack_format<interleaved>} : vector<32xbf16> -> vector<16xf32>
        %parallel_loop3A_294 = arith.constant 16 : i32
        %parallel_loop3A_295 = arith.muli %parallel_loop3A_72, %parallel_loop3A_294 : i32
        %parallel_loop3A_296 = arith.constant 22 : i32
        %parallel_loop3A_297 = arith.index_cast %parallel_loop3A_296 : i32 to index
        %parallel_loop3A_298 = arith.index_cast %parallel_loop3A_295 : i32 to index
        %parallel_loop3A_299 = tpu.vector_load %arg8[%parallel_loop3A_297, %parallel_loop3A_298] {strides = array<i32>} : memref<64x128xf32, #tpu.memory_space<vmem>>, vector<16xf32>,
        tpu.vector_store %arg8[%parallel_loop3A_297, %parallel_loop3A_298], %parallel_loop3A_292 {strides = array<i32>} : memref<64x128xf32, #tpu.memory_space<vmem>>, vector<16xf32>,
        %parallel_loop3A_300 = arith.constant 16 : i32
        %parallel_loop3A_301 = arith.muli %parallel_loop3A_72, %parallel_loop3A_300 : i32
        %parallel_loop3A_302 = arith.constant 23 : i32
        %parallel_loop3A_303 = arith.index_cast %parallel_loop3A_302 : i32 to index
        %parallel_loop3A_304 = arith.index_cast %parallel_loop3A_301 : i32 to index
        %parallel_loop3A_305 = tpu.vector_load %arg8[%parallel_loop3A_303, %parallel_loop3A_304] {strides = array<i32>} : memref<64x128xf32, #tpu.memory_space<vmem>>, vector<16xf32>,
        tpu.vector_store %arg8[%parallel_loop3A_303, %parallel_loop3A_304], %parallel_loop3A_293 {strides = array<i32>} : memref<64x128xf32, #tpu.memory_space<vmem>>, vector<16xf32>,
        %parallel_loop3A_306 = arith.constant 12000 : i32
        %parallel_loop3A_307 = vector.broadcast %parallel_loop3A_306 : i32 to vector<16xi32>
        %parallel_loop3A_308 = arith.addi %parallel_loop3A_77, %parallel_loop3A_307 : vector<16xi32>
        %parallel_loop3A_309 = tpu.vector_load_idx %arg6[%parallel_loop3A_308] : memref<32000xi32, #tpu.memory_space<vmem>>[vector<16xi32>], vector<16xi32>,
        %parallel_loop3A_310 = vector.bitcast %parallel_loop3A_309 : vector<16xi32> to vector<32xbf16>
        %parallel_loop3A_311 = tpu.unpack_subelements %parallel_loop3A_310, 0 {pack_format = #tpu.pack_format<interleaved>} : vector<32xbf16> -> vector<16xf32>
        %parallel_loop3A_312 = tpu.unpack_subelements %parallel_loop3A_310, 1 {pack_format = #tpu.pack_format<interleaved>} : vector<32xbf16> -> vector<16xf32>
        %parallel_loop3A_313 = arith.constant 16 : i32
        %parallel_loop3A_314 = arith.muli %parallel_loop3A_72, %parallel_loop3A_313 : i32
        %parallel_loop3A_315 = arith.constant 24 : i32
        %parallel_loop3A_316 = arith.index_cast %parallel_loop3A_315 : i32 to index
        %parallel_loop3A_317 = arith.index_cast %parallel_loop3A_314 : i32 to index
        %parallel_loop3A_318 = tpu.vector_load %arg8[%parallel_loop3A_316, %parallel_loop3A_317] {strides = array<i32>} : memref<64x128xf32, #tpu.memory_space<vmem>>, vector<16xf32>,
        tpu.vector_store %arg8[%parallel_loop3A_316, %parallel_loop3A_317], %parallel_loop3A_311 {strides = array<i32>} : memref<64x128xf32, #tpu.memory_space<vmem>>, vector<16xf32>,
        %parallel_loop3A_319 = arith.constant 16 : i32
        %parallel_loop3A_320 = arith.muli %parallel_loop3A_72, %parallel_loop3A_319 : i32
        %parallel_loop3A_321 = arith.constant 25 : i32
        %parallel_loop3A_322 = arith.index_cast %parallel_loop3A_321 : i32 to index
        %parallel_loop3A_323 = arith.index_cast %parallel_loop3A_320 : i32 to index
        %parallel_loop3A_324 = tpu.vector_load %arg8[%parallel_loop3A_322, %parallel_loop3A_323] {strides = array<i32>} : memref<64x128xf32, #tpu.memory_space<vmem>>, vector<16xf32>,
        tpu.vector_store %arg8[%parallel_loop3A_322, %parallel_loop3A_323], %parallel_loop3A_312 {strides = array<i32>} : memref<64x128xf32, #tpu.memory_space<vmem>>, vector<16xf32>,
        %parallel_loop3A_325 = arith.constant 13000 : i32
        %parallel_loop3A_326 = vector.broadcast %parallel_loop3A_325 : i32 to vector<16xi32>
        %parallel_loop3A_327 = arith.addi %parallel_loop3A_77, %parallel_loop3A_326 : vector<16xi32>
        %parallel_loop3A_328 = tpu.vector_load_idx %arg6[%parallel_loop3A_327] : memref<32000xi32, #tpu.memory_space<vmem>>[vector<16xi32>], vector<16xi32>,
        %parallel_loop3A_329 = vector.bitcast %parallel_loop3A_328 : vector<16xi32> to vector<32xbf16>
        %parallel_loop3A_330 = tpu.unpack_subelements %parallel_loop3A_329, 0 {pack_format = #tpu.pack_format<interleaved>} : vector<32xbf16> -> vector<16xf32>
        %parallel_loop3A_331 = tpu.unpack_subelements %parallel_loop3A_329, 1 {pack_format = #tpu.pack_format<interleaved>} : vector<32xbf16> -> vector<16xf32>
        %parallel_loop3A_332 = arith.constant 16 : i32
        %parallel_loop3A_333 = arith.muli %parallel_loop3A_72, %parallel_loop3A_332 : i32
        %parallel_loop3A_334 = arith.constant 26 : i32
        %parallel_loop3A_335 = arith.index_cast %parallel_loop3A_334 : i32 to index
        %parallel_loop3A_336 = arith.index_cast %parallel_loop3A_333 : i32 to index
        %parallel_loop3A_337 = tpu.vector_load %arg8[%parallel_loop3A_335, %parallel_loop3A_336] {strides = array<i32>} : memref<64x128xf32, #tpu.memory_space<vmem>>, vector<16xf32>,
        tpu.vector_store %arg8[%parallel_loop3A_335, %parallel_loop3A_336], %parallel_loop3A_330 {strides = array<i32>} : memref<64x128xf32, #tpu.memory_space<vmem>>, vector<16xf32>,
        %parallel_loop3A_338 = arith.constant 16 : i32
        %parallel_loop3A_339 = arith.muli %parallel_loop3A_72, %parallel_loop3A_338 : i32
        %parallel_loop3A_340 = arith.constant 27 : i32
        %parallel_loop3A_341 = arith.index_cast %parallel_loop3A_340 : i32 to index
        %parallel_loop3A_342 = arith.index_cast %parallel_loop3A_339 : i32 to index
        %parallel_loop3A_343 = tpu.vector_load %arg8[%parallel_loop3A_341, %parallel_loop3A_342] {strides = array<i32>} : memref<64x128xf32, #tpu.memory_space<vmem>>, vector<16xf32>,
        tpu.vector_store %arg8[%parallel_loop3A_341, %parallel_loop3A_342], %parallel_loop3A_331 {strides = array<i32>} : memref<64x128xf32, #tpu.memory_space<vmem>>, vector<16xf32>,
        %parallel_loop3A_344 = arith.constant 14000 : i32
        %parallel_loop3A_345 = vector.broadcast %parallel_loop3A_344 : i32 to vector<16xi32>
        %parallel_loop3A_346 = arith.addi %parallel_loop3A_77, %parallel_loop3A_345 : vector<16xi32>
        %parallel_loop3A_347 = tpu.vector_load_idx %arg6[%parallel_loop3A_346] : memref<32000xi32, #tpu.memory_space<vmem>>[vector<16xi32>], vector<16xi32>,
        %parallel_loop3A_348 = vector.bitcast %parallel_loop3A_347 : vector<16xi32> to vector<32xbf16>
        %parallel_loop3A_349 = tpu.unpack_subelements %parallel_loop3A_348, 0 {pack_format = #tpu.pack_format<interleaved>} : vector<32xbf16> -> vector<16xf32>
        %parallel_loop3A_350 = tpu.unpack_subelements %parallel_loop3A_348, 1 {pack_format = #tpu.pack_format<interleaved>} : vector<32xbf16> -> vector<16xf32>
        %parallel_loop3A_351 = arith.constant 16 : i32
        %parallel_loop3A_352 = arith.muli %parallel_loop3A_72, %parallel_loop3A_351 : i32
        %parallel_loop3A_353 = arith.constant 28 : i32
        %parallel_loop3A_354 = arith.index_cast %parallel_loop3A_353 : i32 to index
        %parallel_loop3A_355 = arith.index_cast %parallel_loop3A_352 : i32 to index
        %parallel_loop3A_356 = tpu.vector_load %arg8[%parallel_loop3A_354, %parallel_loop3A_355] {strides = array<i32>} : memref<64x128xf32, #tpu.memory_space<vmem>>, vector<16xf32>,
        tpu.vector_store %arg8[%parallel_loop3A_354, %parallel_loop3A_355], %parallel_loop3A_349 {strides = array<i32>} : memref<64x128xf32, #tpu.memory_space<vmem>>, vector<16xf32>,
        %parallel_loop3A_357 = arith.constant 16 : i32
        %parallel_loop3A_358 = arith.muli %parallel_loop3A_72, %parallel_loop3A_357 : i32
        %parallel_loop3A_359 = arith.constant 29 : i32
        %parallel_loop3A_360 = arith.index_cast %parallel_loop3A_359 : i32 to index
        %parallel_loop3A_361 = arith.index_cast %parallel_loop3A_358 : i32 to index
        %parallel_loop3A_362 = tpu.vector_load %arg8[%parallel_loop3A_360, %parallel_loop3A_361] {strides = array<i32>} : memref<64x128xf32, #tpu.memory_space<vmem>>, vector<16xf32>,
        tpu.vector_store %arg8[%parallel_loop3A_360, %parallel_loop3A_361], %parallel_loop3A_350 {strides = array<i32>} : memref<64x128xf32, #tpu.memory_space<vmem>>, vector<16xf32>,
        %parallel_loop3A_363 = arith.constant 15000 : i32
        %parallel_loop3A_364 = vector.broadcast %parallel_loop3A_363 : i32 to vector<16xi32>
        %parallel_loop3A_365 = arith.addi %parallel_loop3A_77, %parallel_loop3A_364 : vector<16xi32>
        %parallel_loop3A_366 = tpu.vector_load_idx %arg6[%parallel_loop3A_365] : memref<32000xi32, #tpu.memory_space<vmem>>[vector<16xi32>], vector<16xi32>,
        %parallel_loop3A_367 = vector.bitcast %parallel_loop3A_366 : vector<16xi32> to vector<32xbf16>
        %parallel_loop3A_368 = tpu.unpack_subelements %parallel_loop3A_367, 0 {pack_format = #tpu.pack_format<interleaved>} : vector<32xbf16> -> vector<16xf32>
        %parallel_loop3A_369 = tpu.unpack_subelements %parallel_loop3A_367, 1 {pack_format = #tpu.pack_format<interleaved>} : vector<32xbf16> -> vector<16xf32>
        %parallel_loop3A_370 = arith.constant 16 : i32
        %parallel_loop3A_371 = arith.muli %parallel_loop3A_72, %parallel_loop3A_370 : i32
        %parallel_loop3A_372 = arith.constant 30 : i32
        %parallel_loop3A_373 = arith.index_cast %parallel_loop3A_372 : i32 to index
        %parallel_loop3A_374 = arith.index_cast %parallel_loop3A_371 : i32 to index
        %parallel_loop3A_375 = tpu.vector_load %arg8[%parallel_loop3A_373, %parallel_loop3A_374] {strides = array<i32>} : memref<64x128xf32, #tpu.memory_space<vmem>>, vector<16xf32>,
        tpu.vector_store %arg8[%parallel_loop3A_373, %parallel_loop3A_374], %parallel_loop3A_368 {strides = array<i32>} : memref<64x128xf32, #tpu.memory_space<vmem>>, vector<16xf32>,
        %parallel_loop3A_376 = arith.constant 16 : i32
        %parallel_loop3A_377 = arith.muli %parallel_loop3A_72, %parallel_loop3A_376 : i32
        %parallel_loop3A_378 = arith.constant 31 : i32
        %parallel_loop3A_379 = arith.index_cast %parallel_loop3A_378 : i32 to index
        %parallel_loop3A_380 = arith.index_cast %parallel_loop3A_377 : i32 to index
        %parallel_loop3A_381 = tpu.vector_load %arg8[%parallel_loop3A_379, %parallel_loop3A_380] {strides = array<i32>} : memref<64x128xf32, #tpu.memory_space<vmem>>, vector<16xf32>,
        tpu.vector_store %arg8[%parallel_loop3A_379, %parallel_loop3A_380], %parallel_loop3A_369 {strides = array<i32>} : memref<64x128xf32, #tpu.memory_space<vmem>>, vector<16xf32>,
        %parallel_loop3A_382 = arith.constant 16000 : i32
        %parallel_loop3A_383 = vector.broadcast %parallel_loop3A_382 : i32 to vector<16xi32>
        %parallel_loop3A_384 = arith.addi %parallel_loop3A_77, %parallel_loop3A_383 : vector<16xi32>
        %parallel_loop3A_385 = tpu.vector_load_idx %arg6[%parallel_loop3A_384] : memref<32000xi32, #tpu.memory_space<vmem>>[vector<16xi32>], vector<16xi32>,
        %parallel_loop3A_386 = vector.bitcast %parallel_loop3A_385 : vector<16xi32> to vector<32xbf16>
        %parallel_loop3A_387 = tpu.unpack_subelements %parallel_loop3A_386, 0 {pack_format = #tpu.pack_format<interleaved>} : vector<32xbf16> -> vector<16xf32>
        %parallel_loop3A_388 = tpu.unpack_subelements %parallel_loop3A_386, 1 {pack_format = #tpu.pack_format<interleaved>} : vector<32xbf16> -> vector<16xf32>
        %parallel_loop3A_389 = arith.constant 16 : i32
        %parallel_loop3A_390 = arith.muli %parallel_loop3A_72, %parallel_loop3A_389 : i32
        %parallel_loop3A_391 = arith.constant 32 : i32
        %parallel_loop3A_392 = arith.index_cast %parallel_loop3A_391 : i32 to index
        %parallel_loop3A_393 = arith.index_cast %parallel_loop3A_390 : i32 to index
        %parallel_loop3A_394 = tpu.vector_load %arg8[%parallel_loop3A_392, %parallel_loop3A_393] {strides = array<i32>} : memref<64x128xf32, #tpu.memory_space<vmem>>, vector<16xf32>,
        tpu.vector_store %arg8[%parallel_loop3A_392, %parallel_loop3A_393], %parallel_loop3A_387 {strides = array<i32>} : memref<64x128xf32, #tpu.memory_space<vmem>>, vector<16xf32>,
        %parallel_loop3A_395 = arith.constant 16 : i32
        %parallel_loop3A_396 = arith.muli %parallel_loop3A_72, %parallel_loop3A_395 : i32
        %parallel_loop3A_397 = arith.constant 33 : i32
        %parallel_loop3A_398 = arith.index_cast %parallel_loop3A_397 : i32 to index
        %parallel_loop3A_399 = arith.index_cast %parallel_loop3A_396 : i32 to index
        %parallel_loop3A_400 = tpu.vector_load %arg8[%parallel_loop3A_398, %parallel_loop3A_399] {strides = array<i32>} : memref<64x128xf32, #tpu.memory_space<vmem>>, vector<16xf32>,
        tpu.vector_store %arg8[%parallel_loop3A_398, %parallel_loop3A_399], %parallel_loop3A_388 {strides = array<i32>} : memref<64x128xf32, #tpu.memory_space<vmem>>, vector<16xf32>,
        %parallel_loop3A_401 = arith.constant 17000 : i32
        %parallel_loop3A_402 = vector.broadcast %parallel_loop3A_401 : i32 to vector<16xi32>
        %parallel_loop3A_403 = arith.addi %parallel_loop3A_77, %parallel_loop3A_402 : vector<16xi32>
        %parallel_loop3A_404 = tpu.vector_load_idx %arg6[%parallel_loop3A_403] : memref<32000xi32, #tpu.memory_space<vmem>>[vector<16xi32>], vector<16xi32>,
        %parallel_loop3A_405 = vector.bitcast %parallel_loop3A_404 : vector<16xi32> to vector<32xbf16>
        %parallel_loop3A_406 = tpu.unpack_subelements %parallel_loop3A_405, 0 {pack_format = #tpu.pack_format<interleaved>} : vector<32xbf16> -> vector<16xf32>
        %parallel_loop3A_407 = tpu.unpack_subelements %parallel_loop3A_405, 1 {pack_format = #tpu.pack_format<interleaved>} : vector<32xbf16> -> vector<16xf32>
        %parallel_loop3A_408 = arith.constant 16 : i32
        %parallel_loop3A_409 = arith.muli %parallel_loop3A_72, %parallel_loop3A_408 : i32
        %parallel_loop3A_410 = arith.constant 34 : i32
        %parallel_loop3A_411 = arith.index_cast %parallel_loop3A_410 : i32 to index
        %parallel_loop3A_412 = arith.index_cast %parallel_loop3A_409 : i32 to index
        %parallel_loop3A_413 = tpu.vector_load %arg8[%parallel_loop3A_411, %parallel_loop3A_412] {strides = array<i32>} : memref<64x128xf32, #tpu.memory_space<vmem>>, vector<16xf32>,
        tpu.vector_store %arg8[%parallel_loop3A_411, %parallel_loop3A_412], %parallel_loop3A_406 {strides = array<i32>} : memref<64x128xf32, #tpu.memory_space<vmem>>, vector<16xf32>,
        %parallel_loop3A_414 = arith.constant 16 : i32
        %parallel_loop3A_415 = arith.muli %parallel_loop3A_72, %parallel_loop3A_414 : i32
        %parallel_loop3A_416 = arith.constant 35 : i32
        %parallel_loop3A_417 = arith.index_cast %parallel_loop3A_416 : i32 to index
        %parallel_loop3A_418 = arith.index_cast %parallel_loop3A_415 : i32 to index
        %parallel_loop3A_419 = tpu.vector_load %arg8[%parallel_loop3A_417, %parallel_loop3A_418] {strides = array<i32>} : memref<64x128xf32, #tpu.memory_space<vmem>>, vector<16xf32>,
        tpu.vector_store %arg8[%parallel_loop3A_417, %parallel_loop3A_418], %parallel_loop3A_407 {strides = array<i32>} : memref<64x128xf32, #tpu.memory_space<vmem>>, vector<16xf32>,
        %parallel_loop3A_420 = arith.constant 18000 : i32
        %parallel_loop3A_421 = vector.broadcast %parallel_loop3A_420 : i32 to vector<16xi32>
        %parallel_loop3A_422 = arith.addi %parallel_loop3A_77, %parallel_loop3A_421 : vector<16xi32>
        %parallel_loop3A_423 = tpu.vector_load_idx %arg6[%parallel_loop3A_422] : memref<32000xi32, #tpu.memory_space<vmem>>[vector<16xi32>], vector<16xi32>,
        %parallel_loop3A_424 = vector.bitcast %parallel_loop3A_423 : vector<16xi32> to vector<32xbf16>
        %parallel_loop3A_425 = tpu.unpack_subelements %parallel_loop3A_424, 0 {pack_format = #tpu.pack_format<interleaved>} : vector<32xbf16> -> vector<16xf32>
        %parallel_loop3A_426 = tpu.unpack_subelements %parallel_loop3A_424, 1 {pack_format = #tpu.pack_format<interleaved>} : vector<32xbf16> -> vector<16xf32>
        %parallel_loop3A_427 = arith.constant 16 : i32
        %parallel_loop3A_428 = arith.muli %parallel_loop3A_72, %parallel_loop3A_427 : i32
        %parallel_loop3A_429 = arith.constant 36 : i32
        %parallel_loop3A_430 = arith.index_cast %parallel_loop3A_429 : i32 to index
        %parallel_loop3A_431 = arith.index_cast %parallel_loop3A_428 : i32 to index
        %parallel_loop3A_432 = tpu.vector_load %arg8[%parallel_loop3A_430, %parallel_loop3A_431] {strides = array<i32>} : memref<64x128xf32, #tpu.memory_space<vmem>>, vector<16xf32>,
        tpu.vector_store %arg8[%parallel_loop3A_430, %parallel_loop3A_431], %parallel_loop3A_425 {strides = array<i32>} : memref<64x128xf32, #tpu.memory_space<vmem>>, vector<16xf32>,
        %parallel_loop3A_433 = arith.constant 16 : i32
        %parallel_loop3A_434 = arith.muli %parallel_loop3A_72, %parallel_loop3A_433 : i32
        %parallel_loop3A_435 = arith.constant 37 : i32
        %parallel_loop3A_436 = arith.index_cast %parallel_loop3A_435 : i32 to index
        %parallel_loop3A_437 = arith.index_cast %parallel_loop3A_434 : i32 to index
        %parallel_loop3A_438 = tpu.vector_load %arg8[%parallel_loop3A_436, %parallel_loop3A_437] {strides = array<i32>} : memref<64x128xf32, #tpu.memory_space<vmem>>, vector<16xf32>,
        tpu.vector_store %arg8[%parallel_loop3A_436, %parallel_loop3A_437], %parallel_loop3A_426 {strides = array<i32>} : memref<64x128xf32, #tpu.memory_space<vmem>>, vector<16xf32>,
        %parallel_loop3A_439 = arith.constant 19000 : i32
        %parallel_loop3A_440 = vector.broadcast %parallel_loop3A_439 : i32 to vector<16xi32>
        %parallel_loop3A_441 = arith.addi %parallel_loop3A_77, %parallel_loop3A_440 : vector<16xi32>
        %parallel_loop3A_442 = tpu.vector_load_idx %arg6[%parallel_loop3A_441] : memref<32000xi32, #tpu.memory_space<vmem>>[vector<16xi32>], vector<16xi32>,
        %parallel_loop3A_443 = vector.bitcast %parallel_loop3A_442 : vector<16xi32> to vector<32xbf16>
        %parallel_loop3A_444 = tpu.unpack_subelements %parallel_loop3A_443, 0 {pack_format = #tpu.pack_format<interleaved>} : vector<32xbf16> -> vector<16xf32>
        %parallel_loop3A_445 = tpu.unpack_subelements %parallel_loop3A_443, 1 {pack_format = #tpu.pack_format<interleaved>} : vector<32xbf16> -> vector<16xf32>
        %parallel_loop3A_446 = arith.constant 16 : i32
        %parallel_loop3A_447 = arith.muli %parallel_loop3A_72, %parallel_loop3A_446 : i32
        %parallel_loop3A_448 = arith.constant 38 : i32
        %parallel_loop3A_449 = arith.index_cast %parallel_loop3A_448 : i32 to index
        %parallel_loop3A_450 = arith.index_cast %parallel_loop3A_447 : i32 to index
        %parallel_loop3A_451 = tpu.vector_load %arg8[%parallel_loop3A_449, %parallel_loop3A_450] {strides = array<i32>} : memref<64x128xf32, #tpu.memory_space<vmem>>, vector<16xf32>,
        tpu.vector_store %arg8[%parallel_loop3A_449, %parallel_loop3A_450], %parallel_loop3A_444 {strides = array<i32>} : memref<64x128xf32, #tpu.memory_space<vmem>>, vector<16xf32>,
        %parallel_loop3A_452 = arith.constant 16 : i32
        %parallel_loop3A_453 = arith.muli %parallel_loop3A_72, %parallel_loop3A_452 : i32
        %parallel_loop3A_454 = arith.constant 39 : i32
        %parallel_loop3A_455 = arith.index_cast %parallel_loop3A_454 : i32 to index
        %parallel_loop3A_456 = arith.index_cast %parallel_loop3A_453 : i32 to index
        %parallel_loop3A_457 = tpu.vector_load %arg8[%parallel_loop3A_455, %parallel_loop3A_456] {strides = array<i32>} : memref<64x128xf32, #tpu.memory_space<vmem>>, vector<16xf32>,
        tpu.vector_store %arg8[%parallel_loop3A_455, %parallel_loop3A_456], %parallel_loop3A_445 {strides = array<i32>} : memref<64x128xf32, #tpu.memory_space<vmem>>, vector<16xf32>,
        %parallel_loop3A_458 = arith.constant 20000 : i32
        %parallel_loop3A_459 = vector.broadcast %parallel_loop3A_458 : i32 to vector<16xi32>
        %parallel_loop3A_460 = arith.addi %parallel_loop3A_77, %parallel_loop3A_459 : vector<16xi32>
        %parallel_loop3A_461 = tpu.vector_load_idx %arg6[%parallel_loop3A_460] : memref<32000xi32, #tpu.memory_space<vmem>>[vector<16xi32>], vector<16xi32>,
        %parallel_loop3A_462 = vector.bitcast %parallel_loop3A_461 : vector<16xi32> to vector<32xbf16>
        %parallel_loop3A_463 = tpu.unpack_subelements %parallel_loop3A_462, 0 {pack_format = #tpu.pack_format<interleaved>} : vector<32xbf16> -> vector<16xf32>
        %parallel_loop3A_464 = tpu.unpack_subelements %parallel_loop3A_462, 1 {pack_format = #tpu.pack_format<interleaved>} : vector<32xbf16> -> vector<16xf32>
        %parallel_loop3A_465 = arith.constant 16 : i32
        %parallel_loop3A_466 = arith.muli %parallel_loop3A_72, %parallel_loop3A_465 : i32
        %parallel_loop3A_467 = arith.constant 40 : i32
        %parallel_loop3A_468 = arith.index_cast %parallel_loop3A_467 : i32 to index
        %parallel_loop3A_469 = arith.index_cast %parallel_loop3A_466 : i32 to index
        %parallel_loop3A_470 = tpu.vector_load %arg8[%parallel_loop3A_468, %parallel_loop3A_469] {strides = array<i32>} : memref<64x128xf32, #tpu.memory_space<vmem>>, vector<16xf32>,
        tpu.vector_store %arg8[%parallel_loop3A_468, %parallel_loop3A_469], %parallel_loop3A_463 {strides = array<i32>} : memref<64x128xf32, #tpu.memory_space<vmem>>, vector<16xf32>,
        %parallel_loop3A_471 = arith.constant 16 : i32
        %parallel_loop3A_472 = arith.muli %parallel_loop3A_72, %parallel_loop3A_471 : i32
        %parallel_loop3A_473 = arith.constant 41 : i32
        %parallel_loop3A_474 = arith.index_cast %parallel_loop3A_473 : i32 to index
        %parallel_loop3A_475 = arith.index_cast %parallel_loop3A_472 : i32 to index
        %parallel_loop3A_476 = tpu.vector_load %arg8[%parallel_loop3A_474, %parallel_loop3A_475] {strides = array<i32>} : memref<64x128xf32, #tpu.memory_space<vmem>>, vector<16xf32>,
        tpu.vector_store %arg8[%parallel_loop3A_474, %parallel_loop3A_475], %parallel_loop3A_464 {strides = array<i32>} : memref<64x128xf32, #tpu.memory_space<vmem>>, vector<16xf32>,
        %parallel_loop3A_477 = arith.constant 21000 : i32
        %parallel_loop3A_478 = vector.broadcast %parallel_loop3A_477 : i32 to vector<16xi32>
        %parallel_loop3A_479 = arith.addi %parallel_loop3A_77, %parallel_loop3A_478 : vector<16xi32>
        %parallel_loop3A_480 = tpu.vector_load_idx %arg6[%parallel_loop3A_479] : memref<32000xi32, #tpu.memory_space<vmem>>[vector<16xi32>], vector<16xi32>,
        %parallel_loop3A_481 = vector.bitcast %parallel_loop3A_480 : vector<16xi32> to vector<32xbf16>
        %parallel_loop3A_482 = tpu.unpack_subelements %parallel_loop3A_481, 0 {pack_format = #tpu.pack_format<interleaved>} : vector<32xbf16> -> vector<16xf32>
        %parallel_loop3A_483 = tpu.unpack_subelements %parallel_loop3A_481, 1 {pack_format = #tpu.pack_format<interleaved>} : vector<32xbf16> -> vector<16xf32>
        %parallel_loop3A_484 = arith.constant 16 : i32
        %parallel_loop3A_485 = arith.muli %parallel_loop3A_72, %parallel_loop3A_484 : i32
        %parallel_loop3A_486 = arith.constant 42 : i32
        %parallel_loop3A_487 = arith.index_cast %parallel_loop3A_486 : i32 to index
        %parallel_loop3A_488 = arith.index_cast %parallel_loop3A_485 : i32 to index
        %parallel_loop3A_489 = tpu.vector_load %arg8[%parallel_loop3A_487, %parallel_loop3A_488] {strides = array<i32>} : memref<64x128xf32, #tpu.memory_space<vmem>>, vector<16xf32>,
        tpu.vector_store %arg8[%parallel_loop3A_487, %parallel_loop3A_488], %parallel_loop3A_482 {strides = array<i32>} : memref<64x128xf32, #tpu.memory_space<vmem>>, vector<16xf32>,
        %parallel_loop3A_490 = arith.constant 16 : i32
        %parallel_loop3A_491 = arith.muli %parallel_loop3A_72, %parallel_loop3A_490 : i32
        %parallel_loop3A_492 = arith.constant 43 : i32
        %parallel_loop3A_493 = arith.index_cast %parallel_loop3A_492 : i32 to index
        %parallel_loop3A_494 = arith.index_cast %parallel_loop3A_491 : i32 to index
        %parallel_loop3A_495 = tpu.vector_load %arg8[%parallel_loop3A_493, %parallel_loop3A_494] {strides = array<i32>} : memref<64x128xf32, #tpu.memory_space<vmem>>, vector<16xf32>,
        tpu.vector_store %arg8[%parallel_loop3A_493, %parallel_loop3A_494], %parallel_loop3A_483 {strides = array<i32>} : memref<64x128xf32, #tpu.memory_space<vmem>>, vector<16xf32>,
        %parallel_loop3A_496 = arith.constant 22000 : i32
        %parallel_loop3A_497 = vector.broadcast %parallel_loop3A_496 : i32 to vector<16xi32>
        %parallel_loop3A_498 = arith.addi %parallel_loop3A_77, %parallel_loop3A_497 : vector<16xi32>
        %parallel_loop3A_499 = tpu.vector_load_idx %arg6[%parallel_loop3A_498] : memref<32000xi32, #tpu.memory_space<vmem>>[vector<16xi32>], vector<16xi32>,
        %parallel_loop3A_500 = vector.bitcast %parallel_loop3A_499 : vector<16xi32> to vector<32xbf16>
        %parallel_loop3A_501 = tpu.unpack_subelements %parallel_loop3A_500, 0 {pack_format = #tpu.pack_format<interleaved>} : vector<32xbf16> -> vector<16xf32>
        %parallel_loop3A_502 = tpu.unpack_subelements %parallel_loop3A_500, 1 {pack_format = #tpu.pack_format<interleaved>} : vector<32xbf16> -> vector<16xf32>
        %parallel_loop3A_503 = arith.constant 16 : i32
        %parallel_loop3A_504 = arith.muli %parallel_loop3A_72, %parallel_loop3A_503 : i32
        %parallel_loop3A_505 = arith.constant 44 : i32
        %parallel_loop3A_506 = arith.index_cast %parallel_loop3A_505 : i32 to index
        %parallel_loop3A_507 = arith.index_cast %parallel_loop3A_504 : i32 to index
        %parallel_loop3A_508 = tpu.vector_load %arg8[%parallel_loop3A_506, %parallel_loop3A_507] {strides = array<i32>} : memref<64x128xf32, #tpu.memory_space<vmem>>, vector<16xf32>,
        tpu.vector_store %arg8[%parallel_loop3A_506, %parallel_loop3A_507], %parallel_loop3A_501 {strides = array<i32>} : memref<64x128xf32, #tpu.memory_space<vmem>>, vector<16xf32>,
        %parallel_loop3A_509 = arith.constant 16 : i32
        %parallel_loop3A_510 = arith.muli %parallel_loop3A_72, %parallel_loop3A_509 : i32
        %parallel_loop3A_511 = arith.constant 45 : i32
        %parallel_loop3A_512 = arith.index_cast %parallel_loop3A_511 : i32 to index
        %parallel_loop3A_513 = arith.index_cast %parallel_loop3A_510 : i32 to index
        %parallel_loop3A_514 = tpu.vector_load %arg8[%parallel_loop3A_512, %parallel_loop3A_513] {strides = array<i32>} : memref<64x128xf32, #tpu.memory_space<vmem>>, vector<16xf32>,
        tpu.vector_store %arg8[%parallel_loop3A_512, %parallel_loop3A_513], %parallel_loop3A_502 {strides = array<i32>} : memref<64x128xf32, #tpu.memory_space<vmem>>, vector<16xf32>,
        %parallel_loop3A_515 = arith.constant 23000 : i32
        %parallel_loop3A_516 = vector.broadcast %parallel_loop3A_515 : i32 to vector<16xi32>
        %parallel_loop3A_517 = arith.addi %parallel_loop3A_77, %parallel_loop3A_516 : vector<16xi32>
        %parallel_loop3A_518 = tpu.vector_load_idx %arg6[%parallel_loop3A_517] : memref<32000xi32, #tpu.memory_space<vmem>>[vector<16xi32>], vector<16xi32>,
        %parallel_loop3A_519 = vector.bitcast %parallel_loop3A_518 : vector<16xi32> to vector<32xbf16>
        %parallel_loop3A_520 = tpu.unpack_subelements %parallel_loop3A_519, 0 {pack_format = #tpu.pack_format<interleaved>} : vector<32xbf16> -> vector<16xf32>
        %parallel_loop3A_521 = tpu.unpack_subelements %parallel_loop3A_519, 1 {pack_format = #tpu.pack_format<interleaved>} : vector<32xbf16> -> vector<16xf32>
        %parallel_loop3A_522 = arith.constant 16 : i32
        %parallel_loop3A_523 = arith.muli %parallel_loop3A_72, %parallel_loop3A_522 : i32
        %parallel_loop3A_524 = arith.constant 46 : i32
        %parallel_loop3A_525 = arith.index_cast %parallel_loop3A_524 : i32 to index
        %parallel_loop3A_526 = arith.index_cast %parallel_loop3A_523 : i32 to index
        %parallel_loop3A_527 = tpu.vector_load %arg8[%parallel_loop3A_525, %parallel_loop3A_526] {strides = array<i32>} : memref<64x128xf32, #tpu.memory_space<vmem>>, vector<16xf32>,
        tpu.vector_store %arg8[%parallel_loop3A_525, %parallel_loop3A_526], %parallel_loop3A_520 {strides = array<i32>} : memref<64x128xf32, #tpu.memory_space<vmem>>, vector<16xf32>,
        %parallel_loop3A_528 = arith.constant 16 : i32
        %parallel_loop3A_529 = arith.muli %parallel_loop3A_72, %parallel_loop3A_528 : i32
        %parallel_loop3A_530 = arith.constant 47 : i32
        %parallel_loop3A_531 = arith.index_cast %parallel_loop3A_530 : i32 to index
        %parallel_loop3A_532 = arith.index_cast %parallel_loop3A_529 : i32 to index
        %parallel_loop3A_533 = tpu.vector_load %arg8[%parallel_loop3A_531, %parallel_loop3A_532] {strides = array<i32>} : memref<64x128xf32, #tpu.memory_space<vmem>>, vector<16xf32>,
        tpu.vector_store %arg8[%parallel_loop3A_531, %parallel_loop3A_532], %parallel_loop3A_521 {strides = array<i32>} : memref<64x128xf32, #tpu.memory_space<vmem>>, vector<16xf32>,
        %parallel_loop3A_534 = arith.constant 24000 : i32
        %parallel_loop3A_535 = vector.broadcast %parallel_loop3A_534 : i32 to vector<16xi32>
        %parallel_loop3A_536 = arith.addi %parallel_loop3A_77, %parallel_loop3A_535 : vector<16xi32>
        %parallel_loop3A_537 = tpu.vector_load_idx %arg6[%parallel_loop3A_536] : memref<32000xi32, #tpu.memory_space<vmem>>[vector<16xi32>], vector<16xi32>,
        %parallel_loop3A_538 = vector.bitcast %parallel_loop3A_537 : vector<16xi32> to vector<32xbf16>
        %parallel_loop3A_539 = tpu.unpack_subelements %parallel_loop3A_538, 0 {pack_format = #tpu.pack_format<interleaved>} : vector<32xbf16> -> vector<16xf32>
        %parallel_loop3A_540 = tpu.unpack_subelements %parallel_loop3A_538, 1 {pack_format = #tpu.pack_format<interleaved>} : vector<32xbf16> -> vector<16xf32>
        %parallel_loop3A_541 = arith.constant 16 : i32
        %parallel_loop3A_542 = arith.muli %parallel_loop3A_72, %parallel_loop3A_541 : i32
        %parallel_loop3A_543 = arith.constant 48 : i32
        %parallel_loop3A_544 = arith.index_cast %parallel_loop3A_543 : i32 to index
        %parallel_loop3A_545 = arith.index_cast %parallel_loop3A_542 : i32 to index
        %parallel_loop3A_546 = tpu.vector_load %arg8[%parallel_loop3A_544, %parallel_loop3A_545] {strides = array<i32>} : memref<64x128xf32, #tpu.memory_space<vmem>>, vector<16xf32>,
        tpu.vector_store %arg8[%parallel_loop3A_544, %parallel_loop3A_545], %parallel_loop3A_539 {strides = array<i32>} : memref<64x128xf32, #tpu.memory_space<vmem>>, vector<16xf32>,
        %parallel_loop3A_547 = arith.constant 16 : i32
        %parallel_loop3A_548 = arith.muli %parallel_loop3A_72, %parallel_loop3A_547 : i32
        %parallel_loop3A_549 = arith.constant 49 : i32
        %parallel_loop3A_550 = arith.index_cast %parallel_loop3A_549 : i32 to index
        %parallel_loop3A_551 = arith.index_cast %parallel_loop3A_548 : i32 to index
        %parallel_loop3A_552 = tpu.vector_load %arg8[%parallel_loop3A_550, %parallel_loop3A_551] {strides = array<i32>} : memref<64x128xf32, #tpu.memory_space<vmem>>, vector<16xf32>,
        tpu.vector_store %arg8[%parallel_loop3A_550, %parallel_loop3A_551], %parallel_loop3A_540 {strides = array<i32>} : memref<64x128xf32, #tpu.memory_space<vmem>>, vector<16xf32>,
        %parallel_loop3A_553 = arith.constant 25000 : i32
        %parallel_loop3A_554 = vector.broadcast %parallel_loop3A_553 : i32 to vector<16xi32>
        %parallel_loop3A_555 = arith.addi %parallel_loop3A_77, %parallel_loop3A_554 : vector<16xi32>
        %parallel_loop3A_556 = tpu.vector_load_idx %arg6[%parallel_loop3A_555] : memref<32000xi32, #tpu.memory_space<vmem>>[vector<16xi32>], vector<16xi32>,
        %parallel_loop3A_557 = vector.bitcast %parallel_loop3A_556 : vector<16xi32> to vector<32xbf16>
        %parallel_loop3A_558 = tpu.unpack_subelements %parallel_loop3A_557, 0 {pack_format = #tpu.pack_format<interleaved>} : vector<32xbf16> -> vector<16xf32>
        %parallel_loop3A_559 = tpu.unpack_subelements %parallel_loop3A_557, 1 {pack_format = #tpu.pack_format<interleaved>} : vector<32xbf16> -> vector<16xf32>
        %parallel_loop3A_560 = arith.constant 16 : i32
        %parallel_loop3A_561 = arith.muli %parallel_loop3A_72, %parallel_loop3A_560 : i32
        %parallel_loop3A_562 = arith.constant 50 : i32
        %parallel_loop3A_563 = arith.index_cast %parallel_loop3A_562 : i32 to index
        %parallel_loop3A_564 = arith.index_cast %parallel_loop3A_561 : i32 to index
        %parallel_loop3A_565 = tpu.vector_load %arg8[%parallel_loop3A_563, %parallel_loop3A_564] {strides = array<i32>} : memref<64x128xf32, #tpu.memory_space<vmem>>, vector<16xf32>,
        tpu.vector_store %arg8[%parallel_loop3A_563, %parallel_loop3A_564], %parallel_loop3A_558 {strides = array<i32>} : memref<64x128xf32, #tpu.memory_space<vmem>>, vector<16xf32>,
        %parallel_loop3A_566 = arith.constant 16 : i32
        %parallel_loop3A_567 = arith.muli %parallel_loop3A_72, %parallel_loop3A_566 : i32
        %parallel_loop3A_568 = arith.constant 51 : i32
        %parallel_loop3A_569 = arith.index_cast %parallel_loop3A_568 : i32 to index
        %parallel_loop3A_570 = arith.index_cast %parallel_loop3A_567 : i32 to index
        %parallel_loop3A_571 = tpu.vector_load %arg8[%parallel_loop3A_569, %parallel_loop3A_570] {strides = array<i32>} : memref<64x128xf32, #tpu.memory_space<vmem>>, vector<16xf32>,
        tpu.vector_store %arg8[%parallel_loop3A_569, %parallel_loop3A_570], %parallel_loop3A_559 {strides = array<i32>} : memref<64x128xf32, #tpu.memory_space<vmem>>, vector<16xf32>,
        %parallel_loop3A_572 = arith.constant 26000 : i32
        %parallel_loop3A_573 = vector.broadcast %parallel_loop3A_572 : i32 to vector<16xi32>
        %parallel_loop3A_574 = arith.addi %parallel_loop3A_77, %parallel_loop3A_573 : vector<16xi32>
        %parallel_loop3A_575 = tpu.vector_load_idx %arg6[%parallel_loop3A_574] : memref<32000xi32, #tpu.memory_space<vmem>>[vector<16xi32>], vector<16xi32>,
        %parallel_loop3A_576 = vector.bitcast %parallel_loop3A_575 : vector<16xi32> to vector<32xbf16>
        %parallel_loop3A_577 = tpu.unpack_subelements %parallel_loop3A_576, 0 {pack_format = #tpu.pack_format<interleaved>} : vector<32xbf16> -> vector<16xf32>
        %parallel_loop3A_578 = tpu.unpack_subelements %parallel_loop3A_576, 1 {pack_format = #tpu.pack_format<interleaved>} : vector<32xbf16> -> vector<16xf32>
        %parallel_loop3A_579 = arith.constant 16 : i32
        %parallel_loop3A_580 = arith.muli %parallel_loop3A_72, %parallel_loop3A_579 : i32
        %parallel_loop3A_581 = arith.constant 52 : i32
        %parallel_loop3A_582 = arith.index_cast %parallel_loop3A_581 : i32 to index
        %parallel_loop3A_583 = arith.index_cast %parallel_loop3A_580 : i32 to index
        %parallel_loop3A_584 = tpu.vector_load %arg8[%parallel_loop3A_582, %parallel_loop3A_583] {strides = array<i32>} : memref<64x128xf32, #tpu.memory_space<vmem>>, vector<16xf32>,
        tpu.vector_store %arg8[%parallel_loop3A_582, %parallel_loop3A_583], %parallel_loop3A_577 {strides = array<i32>} : memref<64x128xf32, #tpu.memory_space<vmem>>, vector<16xf32>,
        %parallel_loop3A_585 = arith.constant 16 : i32
        %parallel_loop3A_586 = arith.muli %parallel_loop3A_72, %parallel_loop3A_585 : i32
        %parallel_loop3A_587 = arith.constant 53 : i32
        %parallel_loop3A_588 = arith.index_cast %parallel_loop3A_587 : i32 to index
        %parallel_loop3A_589 = arith.index_cast %parallel_loop3A_586 : i32 to index
        %parallel_loop3A_590 = tpu.vector_load %arg8[%parallel_loop3A_588, %parallel_loop3A_589] {strides = array<i32>} : memref<64x128xf32, #tpu.memory_space<vmem>>, vector<16xf32>,
        tpu.vector_store %arg8[%parallel_loop3A_588, %parallel_loop3A_589], %parallel_loop3A_578 {strides = array<i32>} : memref<64x128xf32, #tpu.memory_space<vmem>>, vector<16xf32>,
        %parallel_loop3A_591 = arith.constant 27000 : i32
        %parallel_loop3A_592 = vector.broadcast %parallel_loop3A_591 : i32 to vector<16xi32>
        %parallel_loop3A_593 = arith.addi %parallel_loop3A_77, %parallel_loop3A_592 : vector<16xi32>
        %parallel_loop3A_594 = tpu.vector_load_idx %arg6[%parallel_loop3A_593] : memref<32000xi32, #tpu.memory_space<vmem>>[vector<16xi32>], vector<16xi32>,
        %parallel_loop3A_595 = vector.bitcast %parallel_loop3A_594 : vector<16xi32> to vector<32xbf16>
        %parallel_loop3A_596 = tpu.unpack_subelements %parallel_loop3A_595, 0 {pack_format = #tpu.pack_format<interleaved>} : vector<32xbf16> -> vector<16xf32>
        %parallel_loop3A_597 = tpu.unpack_subelements %parallel_loop3A_595, 1 {pack_format = #tpu.pack_format<interleaved>} : vector<32xbf16> -> vector<16xf32>
        %parallel_loop3A_598 = arith.constant 16 : i32
        %parallel_loop3A_599 = arith.muli %parallel_loop3A_72, %parallel_loop3A_598 : i32
        %parallel_loop3A_600 = arith.constant 54 : i32
        %parallel_loop3A_601 = arith.index_cast %parallel_loop3A_600 : i32 to index
        %parallel_loop3A_602 = arith.index_cast %parallel_loop3A_599 : i32 to index
        %parallel_loop3A_603 = tpu.vector_load %arg8[%parallel_loop3A_601, %parallel_loop3A_602] {strides = array<i32>} : memref<64x128xf32, #tpu.memory_space<vmem>>, vector<16xf32>,
        tpu.vector_store %arg8[%parallel_loop3A_601, %parallel_loop3A_602], %parallel_loop3A_596 {strides = array<i32>} : memref<64x128xf32, #tpu.memory_space<vmem>>, vector<16xf32>,
        %parallel_loop3A_604 = arith.constant 16 : i32
        %parallel_loop3A_605 = arith.muli %parallel_loop3A_72, %parallel_loop3A_604 : i32
        %parallel_loop3A_606 = arith.constant 55 : i32
        %parallel_loop3A_607 = arith.index_cast %parallel_loop3A_606 : i32 to index
        %parallel_loop3A_608 = arith.index_cast %parallel_loop3A_605 : i32 to index
        %parallel_loop3A_609 = tpu.vector_load %arg8[%parallel_loop3A_607, %parallel_loop3A_608] {strides = array<i32>} : memref<64x128xf32, #tpu.memory_space<vmem>>, vector<16xf32>,
        tpu.vector_store %arg8[%parallel_loop3A_607, %parallel_loop3A_608], %parallel_loop3A_597 {strides = array<i32>} : memref<64x128xf32, #tpu.memory_space<vmem>>, vector<16xf32>,
        %parallel_loop3A_610 = arith.constant 28000 : i32
        %parallel_loop3A_611 = vector.broadcast %parallel_loop3A_610 : i32 to vector<16xi32>
        %parallel_loop3A_612 = arith.addi %parallel_loop3A_77, %parallel_loop3A_611 : vector<16xi32>
        %parallel_loop3A_613 = tpu.vector_load_idx %arg6[%parallel_loop3A_612] : memref<32000xi32, #tpu.memory_space<vmem>>[vector<16xi32>], vector<16xi32>,
        %parallel_loop3A_614 = vector.bitcast %parallel_loop3A_613 : vector<16xi32> to vector<32xbf16>
        %parallel_loop3A_615 = tpu.unpack_subelements %parallel_loop3A_614, 0 {pack_format = #tpu.pack_format<interleaved>} : vector<32xbf16> -> vector<16xf32>
        %parallel_loop3A_616 = tpu.unpack_subelements %parallel_loop3A_614, 1 {pack_format = #tpu.pack_format<interleaved>} : vector<32xbf16> -> vector<16xf32>
        %parallel_loop3A_617 = arith.constant 16 : i32
        %parallel_loop3A_618 = arith.muli %parallel_loop3A_72, %parallel_loop3A_617 : i32
        %parallel_loop3A_619 = arith.constant 56 : i32
        %parallel_loop3A_620 = arith.index_cast %parallel_loop3A_619 : i32 to index
        %parallel_loop3A_621 = arith.index_cast %parallel_loop3A_618 : i32 to index
        %parallel_loop3A_622 = tpu.vector_load %arg8[%parallel_loop3A_620, %parallel_loop3A_621] {strides = array<i32>} : memref<64x128xf32, #tpu.memory_space<vmem>>, vector<16xf32>,
        tpu.vector_store %arg8[%parallel_loop3A_620, %parallel_loop3A_621], %parallel_loop3A_615 {strides = array<i32>} : memref<64x128xf32, #tpu.memory_space<vmem>>, vector<16xf32>,
        %parallel_loop3A_623 = arith.constant 16 : i32
        %parallel_loop3A_624 = arith.muli %parallel_loop3A_72, %parallel_loop3A_623 : i32
        %parallel_loop3A_625 = arith.constant 57 : i32
        %parallel_loop3A_626 = arith.index_cast %parallel_loop3A_625 : i32 to index
        %parallel_loop3A_627 = arith.index_cast %parallel_loop3A_624 : i32 to index
        %parallel_loop3A_628 = tpu.vector_load %arg8[%parallel_loop3A_626, %parallel_loop3A_627] {strides = array<i32>} : memref<64x128xf32, #tpu.memory_space<vmem>>, vector<16xf32>,
        tpu.vector_store %arg8[%parallel_loop3A_626, %parallel_loop3A_627], %parallel_loop3A_616 {strides = array<i32>} : memref<64x128xf32, #tpu.memory_space<vmem>>, vector<16xf32>,
        %parallel_loop3A_629 = arith.constant 29000 : i32
        %parallel_loop3A_630 = vector.broadcast %parallel_loop3A_629 : i32 to vector<16xi32>
        %parallel_loop3A_631 = arith.addi %parallel_loop3A_77, %parallel_loop3A_630 : vector<16xi32>
        %parallel_loop3A_632 = tpu.vector_load_idx %arg6[%parallel_loop3A_631] : memref<32000xi32, #tpu.memory_space<vmem>>[vector<16xi32>], vector<16xi32>,
        %parallel_loop3A_633 = vector.bitcast %parallel_loop3A_632 : vector<16xi32> to vector<32xbf16>
        %parallel_loop3A_634 = tpu.unpack_subelements %parallel_loop3A_633, 0 {pack_format = #tpu.pack_format<interleaved>} : vector<32xbf16> -> vector<16xf32>
        %parallel_loop3A_635 = tpu.unpack_subelements %parallel_loop3A_633, 1 {pack_format = #tpu.pack_format<interleaved>} : vector<32xbf16> -> vector<16xf32>
        %parallel_loop3A_636 = arith.constant 16 : i32
        %parallel_loop3A_637 = arith.muli %parallel_loop3A_72, %parallel_loop3A_636 : i32
        %parallel_loop3A_638 = arith.constant 58 : i32
        %parallel_loop3A_639 = arith.index_cast %parallel_loop3A_638 : i32 to index
        %parallel_loop3A_640 = arith.index_cast %parallel_loop3A_637 : i32 to index
        %parallel_loop3A_641 = tpu.vector_load %arg8[%parallel_loop3A_639, %parallel_loop3A_640] {strides = array<i32>} : memref<64x128xf32, #tpu.memory_space<vmem>>, vector<16xf32>,
        tpu.vector_store %arg8[%parallel_loop3A_639, %parallel_loop3A_640], %parallel_loop3A_634 {strides = array<i32>} : memref<64x128xf32, #tpu.memory_space<vmem>>, vector<16xf32>,
        %parallel_loop3A_642 = arith.constant 16 : i32
        %parallel_loop3A_643 = arith.muli %parallel_loop3A_72, %parallel_loop3A_642 : i32
        %parallel_loop3A_644 = arith.constant 59 : i32
        %parallel_loop3A_645 = arith.index_cast %parallel_loop3A_644 : i32 to index
        %parallel_loop3A_646 = arith.index_cast %parallel_loop3A_643 : i32 to index
        %parallel_loop3A_647 = tpu.vector_load %arg8[%parallel_loop3A_645, %parallel_loop3A_646] {strides = array<i32>} : memref<64x128xf32, #tpu.memory_space<vmem>>, vector<16xf32>,
        tpu.vector_store %arg8[%parallel_loop3A_645, %parallel_loop3A_646], %parallel_loop3A_635 {strides = array<i32>} : memref<64x128xf32, #tpu.memory_space<vmem>>, vector<16xf32>,
        %parallel_loop3A_648 = arith.constant 30000 : i32
        %parallel_loop3A_649 = vector.broadcast %parallel_loop3A_648 : i32 to vector<16xi32>
        %parallel_loop3A_650 = arith.addi %parallel_loop3A_77, %parallel_loop3A_649 : vector<16xi32>
        %parallel_loop3A_651 = tpu.vector_load_idx %arg6[%parallel_loop3A_650] : memref<32000xi32, #tpu.memory_space<vmem>>[vector<16xi32>], vector<16xi32>,
        %parallel_loop3A_652 = vector.bitcast %parallel_loop3A_651 : vector<16xi32> to vector<32xbf16>
        %parallel_loop3A_653 = tpu.unpack_subelements %parallel_loop3A_652, 0 {pack_format = #tpu.pack_format<interleaved>} : vector<32xbf16> -> vector<16xf32>
        %parallel_loop3A_654 = tpu.unpack_subelements %parallel_loop3A_652, 1 {pack_format = #tpu.pack_format<interleaved>} : vector<32xbf16> -> vector<16xf32>
        %parallel_loop3A_655 = arith.constant 16 : i32
        %parallel_loop3A_656 = arith.muli %parallel_loop3A_72, %parallel_loop3A_655 : i32
        %parallel_loop3A_657 = arith.constant 60 : i32
        %parallel_loop3A_658 = arith.index_cast %parallel_loop3A_657 : i32 to index
        %parallel_loop3A_659 = arith.index_cast %parallel_loop3A_656 : i32 to index
        %parallel_loop3A_660 = tpu.vector_load %arg8[%parallel_loop3A_658, %parallel_loop3A_659] {strides = array<i32>} : memref<64x128xf32, #tpu.memory_space<vmem>>, vector<16xf32>,
        tpu.vector_store %arg8[%parallel_loop3A_658, %parallel_loop3A_659], %parallel_loop3A_653 {strides = array<i32>} : memref<64x128xf32, #tpu.memory_space<vmem>>, vector<16xf32>,
        %parallel_loop3A_661 = arith.constant 16 : i32
        %parallel_loop3A_662 = arith.muli %parallel_loop3A_72, %parallel_loop3A_661 : i32
        %parallel_loop3A_663 = arith.constant 61 : i32
        %parallel_loop3A_664 = arith.index_cast %parallel_loop3A_663 : i32 to index
        %parallel_loop3A_665 = arith.index_cast %parallel_loop3A_662 : i32 to index
        %parallel_loop3A_666 = tpu.vector_load %arg8[%parallel_loop3A_664, %parallel_loop3A_665] {strides = array<i32>} : memref<64x128xf32, #tpu.memory_space<vmem>>, vector<16xf32>,
        tpu.vector_store %arg8[%parallel_loop3A_664, %parallel_loop3A_665], %parallel_loop3A_654 {strides = array<i32>} : memref<64x128xf32, #tpu.memory_space<vmem>>, vector<16xf32>,
        %parallel_loop3A_667 = arith.constant 31000 : i32
        %parallel_loop3A_668 = vector.broadcast %parallel_loop3A_667 : i32 to vector<16xi32>
        %parallel_loop3A_669 = arith.addi %parallel_loop3A_77, %parallel_loop3A_668 : vector<16xi32>
        %parallel_loop3A_670 = tpu.vector_load_idx %arg6[%parallel_loop3A_669] : memref<32000xi32, #tpu.memory_space<vmem>>[vector<16xi32>], vector<16xi32>,
        %parallel_loop3A_671 = vector.bitcast %parallel_loop3A_670 : vector<16xi32> to vector<32xbf16>
        %parallel_loop3A_672 = tpu.unpack_subelements %parallel_loop3A_671, 0 {pack_format = #tpu.pack_format<interleaved>} : vector<32xbf16> -> vector<16xf32>
        %parallel_loop3A_673 = tpu.unpack_subelements %parallel_loop3A_671, 1 {pack_format = #tpu.pack_format<interleaved>} : vector<32xbf16> -> vector<16xf32>
        %parallel_loop3A_674 = arith.constant 16 : i32
        %parallel_loop3A_675 = arith.muli %parallel_loop3A_72, %parallel_loop3A_674 : i32
        %parallel_loop3A_676 = arith.constant 62 : i32
        %parallel_loop3A_677 = arith.index_cast %parallel_loop3A_676 : i32 to index
        %parallel_loop3A_678 = arith.index_cast %parallel_loop3A_675 : i32 to index
        %parallel_loop3A_679 = tpu.vector_load %arg8[%parallel_loop3A_677, %parallel_loop3A_678] {strides = array<i32>} : memref<64x128xf32, #tpu.memory_space<vmem>>, vector<16xf32>,
        tpu.vector_store %arg8[%parallel_loop3A_677, %parallel_loop3A_678], %parallel_loop3A_672 {strides = array<i32>} : memref<64x128xf32, #tpu.memory_space<vmem>>, vector<16xf32>,
        %parallel_loop3A_680 = arith.constant 16 : i32
        %parallel_loop3A_681 = arith.muli %parallel_loop3A_72, %parallel_loop3A_680 : i32
        %parallel_loop3A_682 = arith.constant 63 : i32
        %parallel_loop3A_683 = arith.index_cast %parallel_loop3A_682 : i32 to index
        %parallel_loop3A_684 = arith.index_cast %parallel_loop3A_681 : i32 to index
        %parallel_loop3A_685 = tpu.vector_load %arg8[%parallel_loop3A_683, %parallel_loop3A_684] {strides = array<i32>} : memref<64x128xf32, #tpu.memory_space<vmem>>, vector<16xf32>,
        tpu.vector_store %arg8[%parallel_loop3A_683, %parallel_loop3A_684], %parallel_loop3A_673 {strides = array<i32>} : memref<64x128xf32, #tpu.memory_space<vmem>>, vector<16xf32>,
      } {sc.loop_unroll_factor = 4 : i64, sc.parallel_access}
      %dma_start3A_65 = arith.constant 0 : i32
      %dma_start3A_66 = tpu.memref_slice %arg4[%add3A_56, %dma_start3A_65, %mul3A_2] : memref<20x64x4096xf32, #tpu.memory_space<hbm>> -> memref<1x64x128xf32, #tpu.memory_space<hbm>>
      %dma_start3A_67 = tpu.memref_squeeze %dma_start3A_66 : memref<1x64x128xf32, #tpu.memory_space<hbm>> -> memref<64x128xf32, #tpu.memory_space<hbm>>
      %dma_start3A_68 = arith.constant 0 : i32
      %dma_start3A_69 = tpu.memref_slice %arg4[%add3A_56, %dma_start3A_68, %mul3A_2] : memref<20x64x4096xf32, #tpu.memory_space<hbm>> -> memref<1x64x128xf32, #tpu.memory_space<hbm>>
      %dma_start3A_70 = tpu.memref_squeeze %dma_start3A_69 : memref<1x64x128xf32, #tpu.memory_space<hbm>> -> memref<64x128xf32, #tpu.memory_space<hbm>>
      tpu.enqueue_dma source(%arg8 : memref<64x128xf32, #tpu.memory_space<vmem>>) target(%dma_start3A_70 : memref<64x128xf32, #tpu.memory_space<hbm>>) target_semaphore(%arg10 : memref<!tpu.dma_semaphore, #tpu.memory_space<semaphore_mem>>)
      %scan3A_71 = arith.constant 0 : i32
      scf.yield %scan3A_71 : i32
    }
    %scan3A_22 = arith.constant 10 : i32
    %dma_wait3A_23 = arith.constant 0 : i32
    %dma_wait3A_24 = arith.constant 0 : i32
    %dma_wait3A_25 = tpu.memref_slice %arg4[%dma_wait3A_23, %dma_wait3A_24, %mul3A_2] : memref<20x64x4096xf32, #tpu.memory_space<hbm>> -> memref<1x64x128xf32, #tpu.memory_space<hbm>>
    %dma_wait3A_26 = tpu.memref_squeeze %dma_wait3A_25 : memref<1x64x128xf32, #tpu.memory_space<hbm>> -> memref<64x128xf32, #tpu.memory_space<hbm>>
    %dma_wait3A_27 = arith.constant 0 : i32
    %dma_wait3A_28 = tpu.memref_slice %arg4[%dma_wait3A_23, %dma_wait3A_27, %mul3A_2] : memref<20x64x4096xf32, #tpu.memory_space<hbm>> -> memref<1x64x128xf32, #tpu.memory_space<hbm>>
    %dma_wait3A_29 = tpu.memref_squeeze %dma_wait3A_28 : memref<1x64x128xf32, #tpu.memory_space<hbm>> -> memref<64x128xf32, #tpu.memory_space<hbm>>
    tpu.wait_dma2 semaphore(%arg9 : memref<!tpu.dma_semaphore, #tpu.memory_space<semaphore_mem>>) src(%arg7 : memref<64x128xf32, #tpu.memory_space<vmem>>) dst(%dma_wait3A_29 : memref<64x128xf32, #tpu.memory_space<hbm>>)
    %dma_wait3A_30 = arith.constant 0 : i32
    %dma_wait3A_31 = arith.constant 0 : i32
    %dma_wait3A_32 = tpu.memref_slice %arg4[%dma_wait3A_30, %dma_wait3A_31, %mul3A_2] : memref<20x64x4096xf32, #tpu.memory_space<hbm>> -> memref<1x64x128xf32, #tpu.memory_space<hbm>>
    %dma_wait3A_33 = tpu.memref_squeeze %dma_wait3A_32 : memref<1x64x128xf32, #tpu.memory_space<hbm>> -> memref<64x128xf32, #tpu.memory_space<hbm>>
    %dma_wait3A_34 = arith.constant 0 : i32
    %dma_wait3A_35 = tpu.memref_slice %arg4[%dma_wait3A_30, %dma_wait3A_34, %mul3A_2] : memref<20x64x4096xf32, #tpu.memory_space<hbm>> -> memref<1x64x128xf32, #tpu.memory_space<hbm>>
    %dma_wait3A_36 = tpu.memref_squeeze %dma_wait3A_35 : memref<1x64x128xf32, #tpu.memory_space<hbm>> -> memref<64x128xf32, #tpu.memory_space<hbm>>
    tpu.wait_dma2 semaphore(%arg10 : memref<!tpu.dma_semaphore, #tpu.memory_space<semaphore_mem>>) src(%arg8 : memref<64x128xf32, #tpu.memory_space<vmem>>) dst(%dma_wait3A_36 : memref<64x128xf32, #tpu.memory_space<hbm>>)
    return
  }
}

</mosaic_0001>

<sc_bundles>
// kernel: kernel.3.cloned.1.call-start
scs
__scs_entry_jumppad:
0x0: {  	(pc) =	sbr.rel $0x88, $3  }
0x1: {  	(tag) =	ssettag $0x0;
	lr =	simm.s32 $0x1  }
0x2: {  	[smem:$0x3F9F] =	sst lr;
	_ =	strace $0xD0000000  }
0x3: {  	_ = 	snop  }
0x4: {  	_ = 	snop  }
0x5: {  	_ = 	snop  }
0x6: {  	_ = 	snop  }
0x7: {  	_ = 	snop  }
__scs_overlays_trampoline_lowered:
0x8: {  	[smem:$0x3FAE] =	sst s0  }
0x9: {  	[smem:$0x3FAF] =	sst s1  }
0xa: {  	[smem:$0x3FB0] =	sst s2  }
0xb: {  	[smem:$0x3FB1] =	sst s3  }
0xc: {  	[smem:$0x3FB2] =	sst s4  }
0xd: {  	[smem:$0x3FB3] =	sst s5  }
0xe: {  	[smem:$0x3FB4] =	sst s6  }
0xf: {  	[smem:$0x3FB5] =	sst s7  }
0x10: {  	[smem:$0x3FB6] =	sst s8  }
0x11: {  	[smem:$0x3FB7] =	sst s9;
	s0 =	simm.s32 @!p0 $0x0  }
0x12: {  	s1 =	sld [smem:$0x3F9D];
	s0 =	simm.s32 @p0 $0x1  }
0x13: {  	[smem:$0x3FB8] =	sst s0;
	s0 =	simm.s32 @!p1 $0x0  }
0x14: {  	s2 =	sld [smem:$0x3F9C];
	s0 =	simm.s32 @p1 $0x1  }
0x15: {  	[smem:$0x3FB9] =	sst s0;
	s0 =	simm.s32 @!p2 $0x0  }
0x16: {  	s3 =	sld [smem:$0x3FDB];
	s0 =	simm.s32 @p2 $0x1  }
0x17: {  	s4 =	simm.s32 $0x1BF5;
	[smem:$0x3FBB] =	sst s0  }
0x18: {  	s0 =	sld [smem:$0x3F9E];
	_ =	swait.ge [sflag:s4], $0x0  }
0x19: {  	s7 =	sld [smem:$0x3F9F]  }
0x1a: {  	s8 =	sadd.s32 $0xFFFFE003, lr  }
0x1b: {  	s9 =	sadd.s32 $0xFFFFFEF7, lr;
	s5 =	simm.s32 $0xFFFFFFFF;
	p2 =	slt.u32 s8, $0xFFFFF086  }
0x1c: {  	p1 =	slt.u32 s9, $0xF7A;
	s5 =	simm.s32 @!p2 $0x0  }
0x1d: {  	s5 =	simm.s32 @p1 $0x1;
	p0 =	seq.s32 s7, s2  }
0x1e: {  	s7 =	smul.u32 @!p0 $0xF7A, s2;
	p2 =	seq.s32 @!p0 s5, $0x0  }
0x1f: {  	s9 =	smul.u32 $0xF7A, s1;
	s8 =	simm.s32 @!p0 $0x1BF5;
	p2 =	por !p2, p0  }
0x20: {  	[sflag:s8] =	ssyncset.s32 @!p0 $0xFFFFF086;
	s6 =	sadd.s32 @!p0 s3, s7;
	s7 =	simm.s32 @!p0 $0x108  }
0x21: {  	s3 =	sadd.s32 s3, s9;
	s6 =	sadd.s32 @!p0 $0x88, s6;
	s7 =	simm.s32 @p2 $0x1082  }
0x22: {  	[simem:s7], [sflag:s8] =	dma.local @!p0 [hbm:s6], $0xF7A  }
0x23: {  	s9 =	sor.u32 $0xD0000000, s2;
	s6 =	simm.s32 $0x108;
	_ =	swait.ge @!p0 [sflag:s8], $0x0  }
0x24: {  	s3 =	sadd.s32 $0x88, s3;
	s6 =	simm.s32 @!p1 $0x1082;
	[sflag:s4] =	ssyncset.s32 $0xFFFFF086  }
0x25: {  	[simem:s6], [sflag:s4] =	dma.local [hbm:s3], $0xF7A  }
0x26: {  	[smem:$0x3F9F] =	sst s1;
	(tag) =	ssettag s2;
	_ =	strace s9  }
0x27: {  	s1 =	sld [smem:$0x3FAF]  }
0x28: {  	s2 =	sld [smem:$0x3FB0]  }
0x29: {  	s4 =	sld [smem:$0x3FB2]  }
0x2a: {  	p0 =	seq.s32 s5, $0x0;
	s5 =	sld [smem:$0x3FB3]  }
0x2b: {  	s6 =	sld [smem:$0x3FB4]  }
0x2c: {  	s7 =	sld [smem:$0x3FB5]  }
0x2d: {  	s3 =	simm.s32 $0x108;
	s8 =	sld [smem:$0x3FB6]  }
0x2e: {  	s3 =	simm.s32 @!p0 $0x1082;
	s9 =	sld [smem:$0x3FB7]  }
0x2f: {  	lr =	sadd.s32 s0, s3;
	s0 =	sld [smem:$0x3FAE]  }
0x30: {  	s3 =	sld [smem:$0x3FB1]  }
0x31: {  	[smem:$0x3FBA] =	sst s10  }
0x32: {  	s10 =	sld [smem:$0x3FB8];
	_ =	sdelay $0x3  }
0x33: {  	p0 =	seq.s32 s10, $0x1;
	s10 =	sld [smem:$0x3FBA];
	_ =	sdelay $0x3  }
0x34: {  	[smem:$0x3FBA] =	sst s10  }
0x35: {  	s10 =	sld [smem:$0x3FB9];
	_ =	sdelay $0x3  }
0x36: {  	p1 =	seq.s32 s10, $0x1;
	s10 =	sld [smem:$0x3FBA];
	_ =	sdelay $0x3  }
0x37: {  	[smem:$0x3FBA] =	sst s10  }
0x38: {  	s10 =	sld [smem:$0x3FBB]  }
0x39: {  	_ = 	snop;
	(pc) =	sbr.ind lr, $3  }
0x3a: {  	_ = 	snop  }
0x3b: {  	_ = 	snop  }
0x3c: {  	p2 =	seq.s32 s10, $0x1;
	s10 =	sld [smem:$0x3FBA]  }
0x3d: {  	_ =	shalt  }
0x3e: {  	_ =	shalt  }
0x3f: {  	_ =	shalt  }
0x40: {  	_ =	shalt  }
0x41: {  	_ =	shalt  }
0x42: {  	_ =	shalt  }
0x43: {  	_ =	shalt  }
0x44: {  	_ =	shalt  }
0x45: {  	_ =	shalt  }
0x46: {  	_ =	shalt  }
0x47: {  	_ =	shalt  }
0x48: {  	_ =	shalt  }
0x49: {  	_ =	shalt  }
0x4a: {  	_ =	shalt  }
0x4b: {  	_ =	shalt  }
0x4c: {  	_ =	shalt  }
0x4d: {  	_ =	shalt  }
0x4e: {  	_ =	shalt  }
0x4f: {  	_ =	shalt  }
0x50: {  	_ =	shalt  }
0x51: {  	_ =	shalt  }
0x52: {  	_ =	shalt  }
0x53: {  	_ =	shalt  }
0x54: {  	_ =	shalt  }
0x55: {  	_ =	shalt  }
0x56: {  	_ =	shalt  }
0x57: {  	_ =	shalt  }
0x58: {  	_ =	shalt  }
0x59: {  	_ =	shalt  }
0x5a: {  	_ =	shalt  }
0x5b: {  	_ =	shalt  }
0x5c: {  	_ =	shalt  }
0x5d: {  	_ =	shalt  }
0x5e: {  	_ =	shalt  }
0x5f: {  	_ =	shalt  }
0x60: {  	_ =	shalt  }
0x61: {  	_ =	shalt  }
0x62: {  	_ =	shalt  }
0x63: {  	_ =	shalt  }
0x64: {  	_ =	shalt  }
0x65: {  	_ =	shalt  }
0x66: {  	_ =	shalt  }
0x67: {  	_ =	shalt  }
0x68: {  	_ =	shalt  }
0x69: {  	_ =	shalt  }
0x6a: {  	_ =	shalt  }
0x6b: {  	_ =	shalt  }
0x6c: {  	_ =	shalt  }
0x6d: {  	_ =	shalt  }
0x6e: {  	_ =	shalt  }
0x6f: {  	_ =	shalt  }
0x70: {  	_ =	shalt  }
0x71: {  	_ =	shalt  }
0x72: {  	_ =	shalt  }
0x73: {  	_ =	shalt  }
0x74: {  	_ =	shalt  }
0x75: {  	_ =	shalt  }
0x76: {  	_ =	shalt  }
0x77: {  	_ =	shalt  }
0x78: {  	_ =	shalt  }
0x79: {  	_ =	shalt  }
0x7a: {  	_ =	shalt  }
0x7b: {  	_ =	shalt  }
0x7c: {  	_ =	shalt  }
0x7d: {  	_ =	shalt  }
0x7e: {  	_ =	shalt  }
0x7f: {  	_ =	shalt  }
0x80: {  	_ =	shalt  }
0x81: {  	_ =	shalt  }
0x82: {  	_ =	shalt  }
0x83: {  	_ =	shalt  }
0x84: {  	_ =	shalt  }
0x85: {  	_ =	shalt  }
0x86: {  	_ =	shalt  }
0x87: {  	_ =	shalt  }
.Lfunc_end0:
.L_simem_size_0:
called_computation_lowered:
.L_overlay_start_0:
0x88: {  	s2 =	sld [smem:$0x3FD9]  }
0x89: {  	s3 =	sld [smem:$0x3FFE];
	_ =	sdelay $0x1  }
0x8a: {  	s1 =	srdreg.scid  }
0x8b: {  	s0 =	sand.u32 $0x1, s1  }
0x8c: {  	s17 =	sshll.u32 s0, $0xA;
	s2 =	sadd.s32 s3, s2  }
0x8d: {  	s2 =	sadd.s32 s2, s17  }
0x8e: {  	[smem:$0x3FC6] =	sst s2  }
0x8f: {  	_ = 	snop  }
0x90: {  	s2 =	sld [smem:$0x3FD0];
	(tm) =	ssettm $0x1  }
0x91: {  	s18 =	sld [smem:$0x3FFB];
	_ =	sdelay $0x3  }
0x92: {  	_ =	strace s18  }
0x93: {  	s3 =	sld [smem:$0x3FFC];
	_ =	sdelay $0x3  }
0x94: {  	_ =	strace s3  }
0x95: {  	s3 =	sld [smem:$0x3FFD];
	_ =	sdelay $0x3  }
0x96: {  	_ =	strace s3  }
0x97: {  	_ =	strace $0x8FFFFFFF  }
0x98: {  	s19 =	sld [smem:$0x3FDB];
	_ =	sdelay $0x1  }
0x99: {  	s4 =	simm.s32 $_scs_section_size  }
0x9a: {  	s5 =	simm.s32 $_size__tile_overlayer_lowered;
	s6 =	simm.s32 $_tile_overlayer_lowered  }
0x9b: {  	s22 =	simm.s32 $0x1BFF;
	s21 =	sshll.u32 s6, $0x1;
	s3 =	sadd.s32 s4, s19  }
0x9c: {  	s7 =	simm.s32 $0x0;
	s20 =	sshll.u32 s5, $0x1;
	s5 =	sadd.s32 s21, s3  }
0x9d: {  	[timem:s7], [sflag:s22] =	dma.local [hbm:s5], s20  }
0x9e: {  	_ =	swait.ge [sflag:s22], s20  }
0x9f: {  	s4 =	ssub.s32 $0x0, s20;
	[sflag:s22] =	ssyncset.done $0x0  }
0xa0: {  	[sflag:s22] =	ssyncadd.s32 s4;
	_ =	sdelay $0x1  }
0xa1: {  	s23 =	simm.s32 $0x1B8B  }
0xa2: {  	_ =	swait.ge [sflag:s23], $0x1  }
0xa3: {  	[sflag:s23] =	ssyncset.done $0x0  }
0xa4: {  	s25 =	simm.s32 $0x1B8E;
	s24 =	sld [smem:$0x3FFE];
	[sflag:s23] =	ssyncadd.s32 $0xFFFFFFFF  }
0xa5: {  	s26 =	simm.s32 $execute0_lowered;
	[smem:$0x3FD2] =	sst s25  }
0xa6: {  	s5 =	sshll.u32 s26, $0x1;
	_ =	strace $0x80000046;
	[dreg:$0x1] =	wrdreg $0xFFFFFFFF  }
0xa7: {  	s28 =	simm.s32 $_size_execute0_lowered;
	s3 =	sadd.s32 s3, s5;
	[dreg:$0x0] =	wrdreg $0x0  }
0xa8: {  	s5 =	sshll.u32 s28, $0x1;
	[dreg:$0x2] =	wrdreg s3  }
0xa9: {  	[dreg:$0x3] =	wrdreg s5  }
0xaa: {  	[dreg:$0x4] =	wrdreg $0xC0  }
0xab: {  	_ =	task [dreg:s7], $0x5FFFF  }
0xac: {  	[dreg:$0x1] =	wrdreg $0xFFFFFFFF  }
0xad: {  	[dreg:$0x0] =	wrdreg $0x60  }
0xae: {  	[dreg:$0x2] =	wrdreg s24  }
0xaf: {  	[dreg:$0x3] =	wrdreg s2  }
0xb0: {  	[dreg:$0x4] =	wrdreg $0x9  }
0xb1: {  	_ =	task.clear_ibuf [dreg:s7], $0x5FFFF;
	_ =	strace $0x90000046  }
0xb2: {  	s29 =	simm.s32 $0x9;
	_ =	strace $0x80000048  }
0xb3: {  	_ =	swait.ge [sflag:s29], $0x1  }
0xb4: {  	[sflag:s29] =	ssyncadd.s32 $0xFFFFFFFF  }
0xb5: {  	_ =	strace $0x90000048  }
0xb6: {  	_ =	sfence  }
0xb7: {  	s30 =	sld [smem:$0x0];
	_ =	sdelay $0x2  }
0xb8: {  	s31 =	sshll.u32 s1, $0xD;
	s1 =	sshrl.u32 s1, $0x2  }
0xb9: {  	s3 =	sand.u32 $0x4000, s31;
	s1 =	sadd.s32 s1, s30  }
0xba: {  	s0 =	sor.u32 s3, s0;
	s1 =	sshll.u32 s1, $0x11  }
0xbb: {  	s0 =	sor.u32 s1, s0  }
0xbc: {  	s0 =	sadd.s32 $0x8F2B, s0  }
0xbd: {  	[sflag:s0] =	ssyncadd.remote.s32 $0x1  }
0xbe: {  	_ =	sfence.sel $0xFFFF  }
0xbf: {  	[dreg:$0x0] =	wrdreg $0xFFFFFFFF;
	(pc) =	sbr.abs _section_cstart, $3  }
0xc0: {  	[dreg:$0x1] =	wrdreg $0xFFFFFFFF  }
0xc1: {  	_ =	task.clear_ibuf [dreg:s7], $0x2FFFF;
	_ =	strace $0x9FFFFFFF  }
0xc2: {  	(tm) =	ssettm $0x7FFFFFFF  }
0xc3: {  	_ =	shalt  }
tec
execute0_lowered:
.L_overlay_start_1:
0x0: {  	(tag) =	ssettag $0x1  }
0x1: {  	s2 =	rddreg [dreg:$0x0];
	s1 =	srdreg.scid  }
0x2: {  	s0 =	stileid.u32;
	s3 =	rddreg [dreg:$0x1];
	s9 =	simm.s32 $0x1000  }
0x3: {  	s10 =	simm.s32 $0xC00;
	s11 =	simm.s32 $0x1;
	s12 =	simm.s32 $0x2  }
0x4: {  	s13 =	simm.s32 $0x400;
	s14 =	simm.s32 $0x8000;
	s15 =	simm.s32 $0x8900  }
0x5: {  	s16 =	simm.s32 $0xA900;
	s5 =	sand.u32 $0x1, s1;
	s4 =	sshll.u32 s0, $0x1  }
0x6: {  	s17 =	simm.s32 $0x0;
	s1 =	rddreg [dreg:$0x2];
	s6 =	sor.u32 s5, s4  }
0x7: {  	s4 =	simm.s32 $0x0;
	s5 =	ssub.s32 $0x2, s5;
	s7 =	sshll.u32 s6, $0x4  }
0x8: {  	[smem:$0x7FF] =	sst s4;
	s8 =	sshrl.u32 s5, $0x1;
	s6 =	sshll.u32 s6, $0xA  }
0x9: {  	s7 =	sadd.s32 s7, s2;
	_ =	strace $0x80000047;
	s8 =	ssub.s32 s5, s8  }
0xa: {  	s5 =	sadd.s32 $0x1000, s7;
	s7 =	smax.u32 s8, $0x1;
	s8 =	simm.s32 $0x80  }
.LBB2_1:
0xb: {  	[tilespmem:s4], [sflag:$0x1] =	stream.strided.gather [hbm4b:s5+s8], $0xA00, s9, s8, $0x38;
	[tilespmem:$0xC900] =	vst v63  }
0xc: {  	_ = 	snop  }
0xd: {  	[tilespmem:s10], [sflag:$0x2] =	stream.linear.gather [hbm4b:s2+s4], $0x7D00, $0x38;
	[tilespmem:$0xC900] =	vst v63  }
0xe: {  	_ =	swait.ge [sflag:s11], $0xA00  }
0xf: {  	[sflag:s11] =	ssyncset.done $0x0  }
0x10: {  	[sflag:s11] =	ssyncadd.s32 $0xFFFFF600  }
0x11: {  	_ =	swait.ge [sflag:s12], $0x7D00  }
0x12: {  	[sflag:s12] =	ssyncset.done $0x0  }
0x13: {  	s18 =	simm.s32 $0x0;
	[sflag:s12] =	ssyncadd.s32 $0xFFFF8300  }
.LBB2_2:
0x14: {  	s21 =	sshll.u32 s18, $0x8  }
0x15: {  	s21 =	sand.u32 $0x3FFFFF00, s21  }
0x16: {  	p0 =	seq.s32 s18, $0x0;
	v0 =	vmov s21  }
0x17: {  	s20 =	simm.s32 @!p0 $0x1  }
0x18: {  	_ =	swait.ge @!p0 [sflag:s20], $0x2000  }
0x19: {  	s19 =	sshll.u32 s18, $0x1;
	[sflag:s20] =	ssyncset.done @!p0 $0x0  }
0x1a: {  	p1 =	por $0x1, $0x1;
	[sflag:s20] =	ssyncadd.s32 @!p0 $0xFFFFE000;
	s20 =	simm.s32 $0x0  }
.LBB2_3:
0x1b: {  	v4 =	vld.idx.msk [tilespmem:v0+s20+$0x0 ss:$0x1], $0xffff;
	_ =	sdelay $0x1  }
0x1c: {  	v3 =	vld.idx.msk [tilespmem:v0+s20+$0x10 ss:$0x1], $0xffff;
	_ =	sdelay $0x1  }
0x1d: {  	v2 =	vld.idx.msk [tilespmem:v0+s20+$0x20 ss:$0x1], $0xffff;
	_ =	sdelay $0x1  }
0x1e: {  	v1 =	vld.idx.msk [tilespmem:v0+s20+$0x30 ss:$0x1], $0xffff;
	_ =	sdelay $0x1  }
0x1f: {  	v5 =	vld.idx.msk [tilespmem:v4+s10+$0x0], $0xffff;
	_ =	sdelay $0x1  }
0x20: {  	v6 =	vld.idx.msk [tilespmem:v3+s10+$0x0], $0xffff  }
0x21: {  	v7 =	vadd.s32 $0x3E8, v4  }
0x22: {  	v8 =	vld.idx.msk [tilespmem:v2+s10+$0x0], $0xffff  }
0x23: {  	v10 =	vadd.s32 $0x3E8, v3;
	v9 =	vunpack.i.l.bf16.f32 v5  }
0x24: {  	v21 =	vld.idx.msk [tilespmem:v1+s10+$0x0], $0xffff;
	v5 =	vunpack.i.u.bf16.f32 v5;
	[tilespmem:s20+$0x8900] =	vst v9  }
0x25: {  	v11 =	vadd.s32 $0x3E8, v2;
	v22 =	vunpack.i.l.bf16.f32 v6;
	[tilespmem:s20+$0x8980] =	vst v5  }
0x26: {  	v6 =	vunpack.i.u.bf16.f32 v6;
	[tilespmem:s20+$0x8910] =	vst v22;
	v7 =	vld.idx.msk [tilespmem:v7+s10+$0x0], $0xffff  }
0x27: {  	v24 =	vadd.s32 $0x3E8, v1;
	v23 =	vunpack.i.l.bf16.f32 v8;
	[tilespmem:s20+$0x8990] =	vst v6  }
0x28: {  	v8 =	vunpack.i.u.bf16.f32 v8;
	[tilespmem:s20+$0x8920] =	vst v23;
	v10 =	vld.idx.msk [tilespmem:v10+s10+$0x0], $0xffff  }
0x29: {  	v25 =	vadd.s32 $0x7D0, v4;
	v26 =	vunpack.i.l.bf16.f32 v21;
	[tilespmem:s20+$0x89A0] =	vst v8  }
0x2a: {  	v9 =	vunpack.i.u.bf16.f32 v21;
	[tilespmem:s20+$0x8930] =	vst v26;
	v11 =	vld.idx.msk [tilespmem:v11+s10+$0x0], $0xffff  }
0x2b: {  	v28 =	vadd.s32 $0x7D0, v3;
	[tilespmem:s20+$0x89B0] =	vst v9;
	v27 =	vunpack.i.l.bf16.f32 v7  }
0x2c: {  	v6 =	vld.idx.msk [tilespmem:v24+s10+$0x0], $0xffff;
	v7 =	vunpack.i.u.bf16.f32 v7;
	[tilespmem:s20+$0x8A00] =	vst v27  }
0x2d: {  	v30 =	vadd.s32 $0x7D0, v2;
	v29 =	vunpack.i.l.bf16.f32 v10;
	[tilespmem:s20+$0x8A80] =	vst v7  }
0x2e: {  	v10 =	vunpack.i.u.bf16.f32 v10;
	[tilespmem:s20+$0x8A10] =	vst v29;
	v5 =	vld.idx.msk [tilespmem:v25+s10+$0x0], $0xffff  }
0x2f: {  	v32 =	vadd.s32 $0x7D0, v1;
	v31 =	vunpack.i.l.bf16.f32 v11;
	[tilespmem:s20+$0x8A90] =	vst v10  }
0x30: {  	v11 =	vunpack.i.u.bf16.f32 v11;
	[tilespmem:s20+$0x8A20] =	vst v31;
	v9 =	vld.idx.msk [tilespmem:v28+s10+$0x0], $0xffff  }
0x31: {  	v33 =	vadd.s32 $0xBB8, v4;
	[tilespmem:s20+$0x8AA0] =	vst v11;
	v34 =	vunpack.i.l.bf16.f32 v6  }
0x32: {  	v6 =	vunpack.i.u.bf16.f32 v6;
	v8 =	vld.idx.msk [tilespmem:v30+s10+$0x0], $0xffff;
	[tilespmem:s20+$0x8A30] =	vst v34  }
0x33: {  	v36 =	vadd.s32 $0xBB8, v3;
	[tilespmem:s20+$0x8AB0] =	vst v6;
	v35 =	vunpack.i.l.bf16.f32 v5  }
0x34: {  	v10 =	vld.idx.msk [tilespmem:v32+s10+$0x0], $0xffff;
	v5 =	vunpack.i.u.bf16.f32 v5;
	[tilespmem:s20+$0x8B00] =	vst v35  }
0x35: {  	v38 =	vadd.s32 $0xBB8, v2;
	v37 =	vunpack.i.l.bf16.f32 v9;
	[tilespmem:s20+$0x8B80] =	vst v5  }
0x36: {  	v9 =	vunpack.i.u.bf16.f32 v9;
	[tilespmem:s20+$0x8B10] =	vst v37;
	v7 =	vld.idx.msk [tilespmem:v33+s10+$0x0], $0xffff  }
0x37: {  	v40 =	vadd.s32 $0xBB8, v1;
	v39 =	vunpack.i.l.bf16.f32 v8;
	[tilespmem:s20+$0x8B90] =	vst v9  }
0x38: {  	v8 =	vunpack.i.u.bf16.f32 v8;
	[tilespmem:s20+$0x8B20] =	vst v39;
	v6 =	vld.idx.msk [tilespmem:v36+s10+$0x0], $0xffff  }
0x39: {  	v41 =	vadd.s32 $0xFA0, v4;
	[tilespmem:s20+$0x8BA0] =	vst v8;
	v42 =	vunpack.i.l.bf16.f32 v10  }
0x3a: {  	v10 =	vunpack.i.u.bf16.f32 v10;
	v11 =	vld.idx.msk [tilespmem:v38+s10+$0x0], $0xffff;
	[tilespmem:s20+$0x8B30] =	vst v42  }
0x3b: {  	v44 =	vadd.s32 $0xFA0, v3;
	[tilespmem:s20+$0x8BB0] =	vst v10;
	v43 =	vunpack.i.l.bf16.f32 v7  }
0x3c: {  	v45 =	vld.idx.msk [tilespmem:v40+s10+$0x0], $0xffff;
	v7 =	vunpack.i.u.bf16.f32 v7;
	[tilespmem:s20+$0x8C00] =	vst v43  }
0x3d: {  	v47 =	vadd.s32 $0xFA0, v2;
	v46 =	vunpack.i.l.bf16.f32 v6;
	[tilespmem:s20+$0x8C80] =	vst v7  }
0x3e: {  	v6 =	vunpack.i.u.bf16.f32 v6;
	[tilespmem:s20+$0x8C10] =	vst v46;
	v5 =	vld.idx.msk [tilespmem:v41+s10+$0x0], $0xffff  }
0x3f: {  	v49 =	vadd.s32 $0xFA0, v1;
	v48 =	vunpack.i.l.bf16.f32 v11;
	[tilespmem:s20+$0x8C90] =	vst v6  }
0x40: {  	v11 =	vunpack.i.u.bf16.f32 v11;
	[tilespmem:s20+$0x8C20] =	vst v48;
	v10 =	vld.idx.msk [tilespmem:v44+s10+$0x0], $0xffff  }
0x41: {  	v50 =	vadd.s32 $0x1388, v4;
	[tilespmem:s20+$0x8CA0] =	vst v11;
	v51 =	vunpack.i.l.bf16.f32 v45  }
0x42: {  	v8 =	vunpack.i.u.bf16.f32 v45;
	v9 =	vld.idx.msk [tilespmem:v47+s10+$0x0], $0xffff;
	[tilespmem:s20+$0x8C30] =	vst v51  }
0x43: {  	v53 =	vadd.s32 $0x1388, v3;
	[tilespmem:s20+$0x8CB0] =	vst v8;
	v52 =	vunpack.i.l.bf16.f32 v5  }
0x44: {  	v7 =	vld.idx.msk [tilespmem:v49+s10+$0x0], $0xffff;
	v5 =	vunpack.i.u.bf16.f32 v5;
	[tilespmem:s20+$0x8D00] =	vst v52  }
0x45: {  	v55 =	vadd.s32 $0x1388, v2;
	v54 =	vunpack.i.l.bf16.f32 v10;
	[tilespmem:s20+$0x8D80] =	vst v5  }
0x46: {  	v10 =	vunpack.i.u.bf16.f32 v10;
	[tilespmem:s20+$0x8D10] =	vst v54;
	v6 =	vld.idx.msk [tilespmem:v50+s10+$0x0], $0xffff  }
0x47: {  	v57 =	vadd.s32 $0x1388, v1;
	v56 =	vunpack.i.l.bf16.f32 v9;
	[tilespmem:s20+$0x8D90] =	vst v10  }
0x48: {  	v9 =	vunpack.i.u.bf16.f32 v9;
	[tilespmem:s20+$0x8D20] =	vst v56;
	v8 =	vld.idx.msk [tilespmem:v53+s10+$0x0], $0xffff  }
0x49: {  	v58 =	vadd.s32 $0x1770, v4;
	[tilespmem:s20+$0x8DA0] =	vst v9;
	v59 =	vunpack.i.l.bf16.f32 v7  }
0x4a: {  	v7 =	vunpack.i.u.bf16.f32 v7;
	v11 =	vld.idx.msk [tilespmem:v55+s10+$0x0], $0xffff;
	[tilespmem:s20+$0x8D30] =	vst v59  }
0x4b: {  	v61 =	vadd.s32 $0x1770, v3;
	[tilespmem:s20+$0x8DB0] =	vst v7;
	v60 =	vunpack.i.l.bf16.f32 v6  }
0x4c: {  	v62 =	vld.idx.msk [tilespmem:v57+s10+$0x0], $0xffff;
	v6 =	vunpack.i.u.bf16.f32 v6;
	[tilespmem:s20+$0x8E00] =	vst v60  }
0x4d: {  	v12 =	vadd.s32 $0x1770, v2;
	v63 =	vunpack.i.l.bf16.f32 v8;
	[tilespmem:s20+$0x8E80] =	vst v6  }
0x4e: {  	v8 =	vunpack.i.u.bf16.f32 v8;
	[tilespmem:s20+$0x8E10] =	vst v63;
	v5 =	vld.idx.msk [tilespmem:v58+s10+$0x0], $0xffff  }
0x4f: {  	v14 =	vadd.s32 $0x1770, v1;
	v13 =	vunpack.i.l.bf16.f32 v11;
	[tilespmem:s20+$0x8E90] =	vst v8  }
0x50: {  	v11 =	vunpack.i.u.bf16.f32 v11;
	[tilespmem:s20+$0x8E20] =	vst v13;
	v7 =	vld.idx.msk [tilespmem:v61+s10+$0x0], $0xffff  }
0x51: {  	v15 =	vadd.s32 $0x1B58, v4;
	[tilespmem:s20+$0x8EA0] =	vst v11;
	v16 =	vunpack.i.l.bf16.f32 v62  }
0x52: {  	v9 =	vunpack.i.u.bf16.f32 v62;
	v10 =	vld.idx.msk [tilespmem:v12+s10+$0x0], $0xffff;
	[tilespmem:s20+$0x8E30] =	vst v16  }
0x53: {  	v18 =	vadd.s32 $0x1B58, v3;
	[tilespmem:s20+$0x8EB0] =	vst v9;
	v17 =	vunpack.i.l.bf16.f32 v5  }
0x54: {  	v8 =	vld.idx.msk [tilespmem:v14+s10+$0x0], $0xffff;
	v5 =	vunpack.i.u.bf16.f32 v5;
	[tilespmem:s20+$0x8F00] =	vst v17  }
0x55: {  	v20 =	vadd.s32 $0x1B58, v2;
	v19 =	vunpack.i.l.bf16.f32 v7;
	[tilespmem:s20+$0x8F80] =	vst v5  }
0x56: {  	v7 =	vunpack.i.u.bf16.f32 v7;
	[tilespmem:s20+$0x8F10] =	vst v19;
	v6 =	vld.idx.msk [tilespmem:v15+s10+$0x0], $0xffff  }
0x57: {  	v22 =	vadd.s32 $0x1B58, v1;
	v21 =	vunpack.i.l.bf16.f32 v10;
	[tilespmem:s20+$0x8F90] =	vst v7  }
0x58: {  	v10 =	vunpack.i.u.bf16.f32 v10;
	[tilespmem:s20+$0x8F20] =	vst v21;
	v9 =	vld.idx.msk [tilespmem:v18+s10+$0x0], $0xffff  }
0x59: {  	v23 =	vadd.s32 $0x1F40, v4;
	[tilespmem:s20+$0x8FA0] =	vst v10;
	v24 =	vunpack.i.l.bf16.f32 v8  }
0x5a: {  	v8 =	vunpack.i.u.bf16.f32 v8;
	v11 =	vld.idx.msk [tilespmem:v20+s10+$0x0], $0xffff;
	[tilespmem:s20+$0x8F30] =	vst v24  }
0x5b: {  	v26 =	vadd.s32 $0x1F40, v3;
	[tilespmem:s20+$0x8FB0] =	vst v8;
	v25 =	vunpack.i.l.bf16.f32 v6  }
0x5c: {  	v7 =	vld.idx.msk [tilespmem:v22+s10+$0x0], $0xffff;
	v6 =	vunpack.i.u.bf16.f32 v6;
	[tilespmem:s20+$0x9000] =	vst v25  }
0x5d: {  	v28 =	vadd.s32 $0x1F40, v2;
	v27 =	vunpack.i.l.bf16.f32 v9;
	[tilespmem:s20+$0x9080] =	vst v6  }
0x5e: {  	v9 =	vunpack.i.u.bf16.f32 v9;
	[tilespmem:s20+$0x9010] =	vst v27;
	v5 =	vld.idx.msk [tilespmem:v23+s10+$0x0], $0xffff  }
0x5f: {  	v30 =	vadd.s32 $0x1F40, v1;
	v29 =	vunpack.i.l.bf16.f32 v11;
	[tilespmem:s20+$0x9090] =	vst v9  }
0x60: {  	v11 =	vunpack.i.u.bf16.f32 v11;
	[tilespmem:s20+$0x9020] =	vst v29;
	v8 =	vld.idx.msk [tilespmem:v26+s10+$0x0], $0xffff  }
0x61: {  	v31 =	vadd.s32 $0x2328, v4;
	[tilespmem:s20+$0x90A0] =	vst v11;
	v32 =	vunpack.i.l.bf16.f32 v7  }
0x62: {  	v7 =	vunpack.i.u.bf16.f32 v7;
	v10 =	vld.idx.msk [tilespmem:v28+s10+$0x0], $0xffff;
	[tilespmem:s20+$0x9030] =	vst v32  }
0x63: {  	v34 =	vadd.s32 $0x2328, v3;
	[tilespmem:s20+$0x90B0] =	vst v7;
	v33 =	vunpack.i.l.bf16.f32 v5  }
0x64: {  	v9 =	vld.idx.msk [tilespmem:v30+s10+$0x0], $0xffff;
	v5 =	vunpack.i.u.bf16.f32 v5;
	[tilespmem:s20+$0x9100] =	vst v33  }
0x65: {  	v36 =	vadd.s32 $0x2328, v2;
	v35 =	vunpack.i.l.bf16.f32 v8;
	[tilespmem:s20+$0x9180] =	vst v5  }
0x66: {  	v8 =	vunpack.i.u.bf16.f32 v8;
	[tilespmem:s20+$0x9110] =	vst v35;
	v6 =	vld.idx.msk [tilespmem:v31+s10+$0x0], $0xffff  }
0x67: {  	v38 =	vadd.s32 $0x2328, v1;
	v37 =	vunpack.i.l.bf16.f32 v10;
	[tilespmem:s20+$0x9190] =	vst v8  }
0x68: {  	v10 =	vunpack.i.u.bf16.f32 v10;
	[tilespmem:s20+$0x9120] =	vst v37;
	v7 =	vld.idx.msk [tilespmem:v34+s10+$0x0], $0xffff  }
0x69: {  	v39 =	vadd.s32 $0x2710, v4;
	[tilespmem:s20+$0x91A0] =	vst v10;
	v40 =	vunpack.i.l.bf16.f32 v9  }
0x6a: {  	v9 =	vunpack.i.u.bf16.f32 v9;
	v11 =	vld.idx.msk [tilespmem:v36+s10+$0x0], $0xffff;
	[tilespmem:s20+$0x9130] =	vst v40  }
0x6b: {  	v42 =	vadd.s32 $0x2710, v3;
	[tilespmem:s20+$0x91B0] =	vst v9;
	v41 =	vunpack.i.l.bf16.f32 v6  }
0x6c: {  	v8 =	vld.idx.msk [tilespmem:v38+s10+$0x0], $0xffff;
	v6 =	vunpack.i.u.bf16.f32 v6;
	[tilespmem:s20+$0x9200] =	vst v41  }
0x6d: {  	v44 =	vadd.s32 $0x2710, v2;
	v43 =	vunpack.i.l.bf16.f32 v7;
	[tilespmem:s20+$0x9280] =	vst v6  }
0x6e: {  	v7 =	vunpack.i.u.bf16.f32 v7;
	[tilespmem:s20+$0x9210] =	vst v43;
	v5 =	vld.idx.msk [tilespmem:v39+s10+$0x0], $0xffff  }
0x6f: {  	v46 =	vadd.s32 $0x2710, v1;
	v45 =	vunpack.i.l.bf16.f32 v11;
	[tilespmem:s20+$0x9290] =	vst v7  }
0x70: {  	v11 =	vunpack.i.u.bf16.f32 v11;
	[tilespmem:s20+$0x9220] =	vst v45;
	v9 =	vld.idx.msk [tilespmem:v42+s10+$0x0], $0xffff  }
0x71: {  	v47 =	vadd.s32 $0x2AF8, v4;
	[tilespmem:s20+$0x92A0] =	vst v11;
	v48 =	vunpack.i.l.bf16.f32 v8  }
0x72: {  	v8 =	vunpack.i.u.bf16.f32 v8;
	v10 =	vld.idx.msk [tilespmem:v44+s10+$0x0], $0xffff;
	[tilespmem:s20+$0x9230] =	vst v48  }
0x73: {  	v50 =	vadd.s32 $0x2AF8, v3;
	[tilespmem:s20+$0x92B0] =	vst v8;
	v49 =	vunpack.i.l.bf16.f32 v5  }
0x74: {  	v7 =	vld.idx.msk [tilespmem:v46+s10+$0x0], $0xffff;
	v5 =	vunpack.i.u.bf16.f32 v5;
	[tilespmem:s20+$0x9300] =	vst v49  }
0x75: {  	v52 =	vadd.s32 $0x2AF8, v2;
	v51 =	vunpack.i.l.bf16.f32 v9;
	[tilespmem:s20+$0x9380] =	vst v5  }
0x76: {  	v9 =	vunpack.i.u.bf16.f32 v9;
	[tilespmem:s20+$0x9310] =	vst v51;
	v6 =	vld.idx.msk [tilespmem:v47+s10+$0x0], $0xffff  }
0x77: {  	v54 =	vadd.s32 $0x2AF8, v1;
	v53 =	vunpack.i.l.bf16.f32 v10;
	[tilespmem:s20+$0x9390] =	vst v9  }
0x78: {  	v10 =	vunpack.i.u.bf16.f32 v10;
	[tilespmem:s20+$0x9320] =	vst v53;
	v8 =	vld.idx.msk [tilespmem:v50+s10+$0x0], $0xffff  }
0x79: {  	v55 =	vadd.s32 $0x2EE0, v4;
	[tilespmem:s20+$0x93A0] =	vst v10;
	v56 =	vunpack.i.l.bf16.f32 v7  }
0x7a: {  	v7 =	vunpack.i.u.bf16.f32 v7;
	v11 =	vld.idx.msk [tilespmem:v52+s10+$0x0], $0xffff;
	[tilespmem:s20+$0x9330] =	vst v56  }
0x7b: {  	v58 =	vadd.s32 $0x2EE0, v3;
	[tilespmem:s20+$0x93B0] =	vst v7;
	v57 =	vunpack.i.l.bf16.f32 v6  }
0x7c: {  	v9 =	vld.idx.msk [tilespmem:v54+s10+$0x0], $0xffff;
	v6 =	vunpack.i.u.bf16.f32 v6;
	[tilespmem:s20+$0x9400] =	vst v57  }
0x7d: {  	v60 =	vadd.s32 $0x2EE0, v2;
	v59 =	vunpack.i.l.bf16.f32 v8;
	[tilespmem:s20+$0x9480] =	vst v6  }
0x7e: {  	v8 =	vunpack.i.u.bf16.f32 v8;
	[tilespmem:s20+$0x9410] =	vst v59;
	v5 =	vld.idx.msk [tilespmem:v55+s10+$0x0], $0xffff  }
0x7f: {  	v62 =	vadd.s32 $0x2EE0, v1;
	v61 =	vunpack.i.l.bf16.f32 v11;
	[tilespmem:s20+$0x9490] =	vst v8  }
0x80: {  	v11 =	vunpack.i.u.bf16.f32 v11;
	[tilespmem:s20+$0x9420] =	vst v61;
	v7 =	vld.idx.msk [tilespmem:v58+s10+$0x0], $0xffff  }
0x81: {  	v63 =	vadd.s32 $0x32C8, v4;
	[tilespmem:s20+$0x94A0] =	vst v11;
	v12 =	vunpack.i.l.bf16.f32 v9  }
0x82: {  	v9 =	vunpack.i.u.bf16.f32 v9;
	v10 =	vld.idx.msk [tilespmem:v60+s10+$0x0], $0xffff;
	[tilespmem:s20+$0x9430] =	vst v12  }
0x83: {  	v14 =	vadd.s32 $0x32C8, v3;
	[tilespmem:s20+$0x94B0] =	vst v9;
	v13 =	vunpack.i.l.bf16.f32 v5  }
0x84: {  	v8 =	vld.idx.msk [tilespmem:v62+s10+$0x0], $0xffff;
	v5 =	vunpack.i.u.bf16.f32 v5;
	[tilespmem:s20+$0x9500] =	vst v13  }
0x85: {  	v16 =	vadd.s32 $0x32C8, v2;
	v15 =	vunpack.i.l.bf16.f32 v7;
	[tilespmem:s20+$0x9580] =	vst v5  }
0x86: {  	v7 =	vunpack.i.u.bf16.f32 v7;
	[tilespmem:s20+$0x9510] =	vst v15;
	v6 =	vld.idx.msk [tilespmem:v63+s10+$0x0], $0xffff  }
0x87: {  	v18 =	vadd.s32 $0x32C8, v1;
	v17 =	vunpack.i.l.bf16.f32 v10;
	[tilespmem:s20+$0x9590] =	vst v7  }
0x88: {  	v10 =	vunpack.i.u.bf16.f32 v10;
	[tilespmem:s20+$0x9520] =	vst v17;
	v9 =	vld.idx.msk [tilespmem:v14+s10+$0x0], $0xffff  }
0x89: {  	v19 =	vadd.s32 $0x36B0, v4;
	[tilespmem:s20+$0x95A0] =	vst v10;
	v20 =	vunpack.i.l.bf16.f32 v8  }
0x8a: {  	v8 =	vunpack.i.u.bf16.f32 v8;
	v11 =	vld.idx.msk [tilespmem:v16+s10+$0x0], $0xffff;
	[tilespmem:s20+$0x9530] =	vst v20  }
0x8b: {  	v22 =	vadd.s32 $0x36B0, v3;
	[tilespmem:s20+$0x95B0] =	vst v8;
	v21 =	vunpack.i.l.bf16.f32 v6  }
0x8c: {  	v7 =	vld.idx.msk [tilespmem:v18+s10+$0x0], $0xffff;
	v6 =	vunpack.i.u.bf16.f32 v6;
	[tilespmem:s20+$0x9600] =	vst v21  }
0x8d: {  	v24 =	vadd.s32 $0x36B0, v2;
	v23 =	vunpack.i.l.bf16.f32 v9;
	[tilespmem:s20+$0x9680] =	vst v6  }
0x8e: {  	v9 =	vunpack.i.u.bf16.f32 v9;
	[tilespmem:s20+$0x9610] =	vst v23;
	v5 =	vld.idx.msk [tilespmem:v19+s10+$0x0], $0xffff  }
0x8f: {  	v26 =	vadd.s32 $0x36B0, v1;
	v25 =	vunpack.i.l.bf16.f32 v11;
	[tilespmem:s20+$0x9690] =	vst v9  }
0x90: {  	v11 =	vunpack.i.u.bf16.f32 v11;
	[tilespmem:s20+$0x9620] =	vst v25;
	v8 =	vld.idx.msk [tilespmem:v22+s10+$0x0], $0xffff  }
0x91: {  	v27 =	vadd.s32 $0x3A98, v4;
	[tilespmem:s20+$0x96A0] =	vst v11;
	v28 =	vunpack.i.l.bf16.f32 v7  }
0x92: {  	v7 =	vunpack.i.u.bf16.f32 v7;
	v10 =	vld.idx.msk [tilespmem:v24+s10+$0x0], $0xffff;
	[tilespmem:s20+$0x9630] =	vst v28  }
0x93: {  	v30 =	vadd.s32 $0x3A98, v3;
	[tilespmem:s20+$0x96B0] =	vst v7;
	v29 =	vunpack.i.l.bf16.f32 v5  }
0x94: {  	v9 =	vld.idx.msk [tilespmem:v26+s10+$0x0], $0xffff;
	v5 =	vunpack.i.u.bf16.f32 v5;
	[tilespmem:s20+$0x9700] =	vst v29  }
0x95: {  	v32 =	vadd.s32 $0x3A98, v2;
	v31 =	vunpack.i.l.bf16.f32 v8;
	[tilespmem:s20+$0x9780] =	vst v5  }
0x96: {  	v8 =	vunpack.i.u.bf16.f32 v8;
	[tilespmem:s20+$0x9710] =	vst v31;
	v6 =	vld.idx.msk [tilespmem:v27+s10+$0x0], $0xffff  }
0x97: {  	v34 =	vadd.s32 $0x3A98, v1;
	v33 =	vunpack.i.l.bf16.f32 v10;
	[tilespmem:s20+$0x9790] =	vst v8  }
0x98: {  	v10 =	vunpack.i.u.bf16.f32 v10;
	[tilespmem:s20+$0x9720] =	vst v33;
	v7 =	vld.idx.msk [tilespmem:v30+s10+$0x0], $0xffff  }
0x99: {  	v35 =	vadd.s32 $0x3E80, v4;
	[tilespmem:s20+$0x97A0] =	vst v10;
	v36 =	vunpack.i.l.bf16.f32 v9  }
0x9a: {  	v9 =	vunpack.i.u.bf16.f32 v9;
	v11 =	vld.idx.msk [tilespmem:v32+s10+$0x0], $0xffff;
	[tilespmem:s20+$0x9730] =	vst v36  }
0x9b: {  	v38 =	vadd.s32 $0x3E80, v3;
	[tilespmem:s20+$0x97B0] =	vst v9;
	v37 =	vunpack.i.l.bf16.f32 v6  }
0x9c: {  	v8 =	vld.idx.msk [tilespmem:v34+s10+$0x0], $0xffff;
	v6 =	vunpack.i.u.bf16.f32 v6;
	[tilespmem:s20+$0x9800] =	vst v37  }
0x9d: {  	v40 =	vadd.s32 $0x3E80, v2;
	v39 =	vunpack.i.l.bf16.f32 v7;
	[tilespmem:s20+$0x9880] =	vst v6  }
0x9e: {  	v7 =	vunpack.i.u.bf16.f32 v7;
	[tilespmem:s20+$0x9810] =	vst v39;
	v5 =	vld.idx.msk [tilespmem:v35+s10+$0x0], $0xffff  }
0x9f: {  	v42 =	vadd.s32 $0x3E80, v1;
	v41 =	vunpack.i.l.bf16.f32 v11;
	[tilespmem:s20+$0x9890] =	vst v7  }
0xa0: {  	v11 =	vunpack.i.u.bf16.f32 v11;
	[tilespmem:s20+$0x9820] =	vst v41;
	v9 =	vld.idx.msk [tilespmem:v38+s10+$0x0], $0xffff  }
0xa1: {  	v43 =	vadd.s32 $0x4268, v4;
	[tilespmem:s20+$0x98A0] =	vst v11;
	v44 =	vunpack.i.l.bf16.f32 v8  }
0xa2: {  	v8 =	vunpack.i.u.bf16.f32 v8;
	v10 =	vld.idx.msk [tilespmem:v40+s10+$0x0], $0xffff;
	[tilespmem:s20+$0x9830] =	vst v44  }
0xa3: {  	v46 =	vadd.s32 $0x4268, v3;
	[tilespmem:s20+$0x98B0] =	vst v8;
	v45 =	vunpack.i.l.bf16.f32 v5  }
0xa4: {  	v7 =	vld.idx.msk [tilespmem:v42+s10+$0x0], $0xffff;
	v5 =	vunpack.i.u.bf16.f32 v5;
	[tilespmem:s20+$0x9900] =	vst v45  }
0xa5: {  	v48 =	vadd.s32 $0x4268, v2;
	v47 =	vunpack.i.l.bf16.f32 v9;
	[tilespmem:s20+$0x9980] =	vst v5  }
0xa6: {  	v9 =	vunpack.i.u.bf16.f32 v9;
	[tilespmem:s20+$0x9910] =	vst v47;
	v6 =	vld.idx.msk [tilespmem:v43+s10+$0x0], $0xffff  }
0xa7: {  	v50 =	vadd.s32 $0x4268, v1;
	v49 =	vunpack.i.l.bf16.f32 v10;
	[tilespmem:s20+$0x9990] =	vst v9  }
0xa8: {  	v10 =	vunpack.i.u.bf16.f32 v10;
	[tilespmem:s20+$0x9920] =	vst v49;
	v8 =	vld.idx.msk [tilespmem:v46+s10+$0x0], $0xffff  }
0xa9: {  	v51 =	vadd.s32 $0x4650, v4;
	[tilespmem:s20+$0x99A0] =	vst v10;
	v52 =	vunpack.i.l.bf16.f32 v7  }
0xaa: {  	v7 =	vunpack.i.u.bf16.f32 v7;
	v11 =	vld.idx.msk [tilespmem:v48+s10+$0x0], $0xffff;
	[tilespmem:s20+$0x9930] =	vst v52  }
0xab: {  	v54 =	vadd.s32 $0x4650, v3;
	[tilespmem:s20+$0x99B0] =	vst v7;
	v53 =	vunpack.i.l.bf16.f32 v6  }
0xac: {  	v9 =	vld.idx.msk [tilespmem:v50+s10+$0x0], $0xffff;
	v6 =	vunpack.i.u.bf16.f32 v6;
	[tilespmem:s20+$0x9A00] =	vst v53  }
0xad: {  	v56 =	vadd.s32 $0x4650, v2;
	v55 =	vunpack.i.l.bf16.f32 v8;
	[tilespmem:s20+$0x9A80] =	vst v6  }
0xae: {  	v8 =	vunpack.i.u.bf16.f32 v8;
	[tilespmem:s20+$0x9A10] =	vst v55;
	v5 =	vld.idx.msk [tilespmem:v51+s10+$0x0], $0xffff  }
0xaf: {  	v58 =	vadd.s32 $0x4650, v1;
	v57 =	vunpack.i.l.bf16.f32 v11;
	[tilespmem:s20+$0x9A90] =	vst v8  }
0xb0: {  	v11 =	vunpack.i.u.bf16.f32 v11;
	[tilespmem:s20+$0x9A20] =	vst v57;
	v7 =	vld.idx.msk [tilespmem:v54+s10+$0x0], $0xffff  }
0xb1: {  	v59 =	vadd.s32 $0x4A38, v4;
	[tilespmem:s20+$0x9AA0] =	vst v11;
	v60 =	vunpack.i.l.bf16.f32 v9  }
0xb2: {  	v9 =	vunpack.i.u.bf16.f32 v9;
	v10 =	vld.idx.msk [tilespmem:v56+s10+$0x0], $0xffff;
	[tilespmem:s20+$0x9A30] =	vst v60  }
0xb3: {  	v62 =	vadd.s32 $0x4A38, v3;
	[tilespmem:s20+$0x9AB0] =	vst v9;
	v61 =	vunpack.i.l.bf16.f32 v5  }
0xb4: {  	v8 =	vld.idx.msk [tilespmem:v58+s10+$0x0], $0xffff;
	v5 =	vunpack.i.u.bf16.f32 v5;
	[tilespmem:s20+$0x9B00] =	vst v61  }
0xb5: {  	v12 =	vadd.s32 $0x4A38, v2;
	v63 =	vunpack.i.l.bf16.f32 v7;
	[tilespmem:s20+$0x9B80] =	vst v5  }
0xb6: {  	v7 =	vunpack.i.u.bf16.f32 v7;
	[tilespmem:s20+$0x9B10] =	vst v63;
	v6 =	vld.idx.msk [tilespmem:v59+s10+$0x0], $0xffff  }
0xb7: {  	v14 =	vadd.s32 $0x4A38, v1;
	v13 =	vunpack.i.l.bf16.f32 v10;
	[tilespmem:s20+$0x9B90] =	vst v7  }
0xb8: {  	v10 =	vunpack.i.u.bf16.f32 v10;
	[tilespmem:s20+$0x9B20] =	vst v13;
	v9 =	vld.idx.msk [tilespmem:v62+s10+$0x0], $0xffff  }
0xb9: {  	v15 =	vadd.s32 $0x4E20, v4;
	[tilespmem:s20+$0x9BA0] =	vst v10;
	v16 =	vunpack.i.l.bf16.f32 v8  }
0xba: {  	v8 =	vunpack.i.u.bf16.f32 v8;
	v11 =	vld.idx.msk [tilespmem:v12+s10+$0x0], $0xffff;
	[tilespmem:s20+$0x9B30] =	vst v16  }
0xbb: {  	v18 =	vadd.s32 $0x4E20, v3;
	[tilespmem:s20+$0x9BB0] =	vst v8;
	v17 =	vunpack.i.l.bf16.f32 v6  }
0xbc: {  	v7 =	vld.idx.msk [tilespmem:v14+s10+$0x0], $0xffff;
	v6 =	vunpack.i.u.bf16.f32 v6;
	[tilespmem:s20+$0x9C00] =	vst v17  }
0xbd: {  	v20 =	vadd.s32 $0x4E20, v2;
	v19 =	vunpack.i.l.bf16.f32 v9;
	[tilespmem:s20+$0x9C80] =	vst v6  }
0xbe: {  	v9 =	vunpack.i.u.bf16.f32 v9;
	[tilespmem:s20+$0x9C10] =	vst v19;
	v5 =	vld.idx.msk [tilespmem:v15+s10+$0x0], $0xffff  }
0xbf: {  	v22 =	vadd.s32 $0x4E20, v1;
	v21 =	vunpack.i.l.bf16.f32 v11;
	[tilespmem:s20+$0x9C90] =	vst v9  }
0xc0: {  	v11 =	vunpack.i.u.bf16.f32 v11;
	[tilespmem:s20+$0x9C20] =	vst v21;
	v8 =	vld.idx.msk [tilespmem:v18+s10+$0x0], $0xffff  }
0xc1: {  	v23 =	vadd.s32 $0x5208, v4;
	[tilespmem:s20+$0x9CA0] =	vst v11;
	v24 =	vunpack.i.l.bf16.f32 v7  }
0xc2: {  	v7 =	vunpack.i.u.bf16.f32 v7;
	v10 =	vld.idx.msk [tilespmem:v20+s10+$0x0], $0xffff;
	[tilespmem:s20+$0x9C30] =	vst v24  }
0xc3: {  	v26 =	vadd.s32 $0x5208, v3;
	[tilespmem:s20+$0x9CB0] =	vst v7;
	v25 =	vunpack.i.l.bf16.f32 v5  }
0xc4: {  	v9 =	vld.idx.msk [tilespmem:v22+s10+$0x0], $0xffff;
	v5 =	vunpack.i.u.bf16.f32 v5;
	[tilespmem:s20+$0x9D00] =	vst v25  }
0xc5: {  	v28 =	vadd.s32 $0x5208, v2;
	v27 =	vunpack.i.l.bf16.f32 v8;
	[tilespmem:s20+$0x9D80] =	vst v5  }
0xc6: {  	v8 =	vunpack.i.u.bf16.f32 v8;
	[tilespmem:s20+$0x9D10] =	vst v27;
	v6 =	vld.idx.msk [tilespmem:v23+s10+$0x0], $0xffff  }
0xc7: {  	v30 =	vadd.s32 $0x5208, v1;
	v29 =	vunpack.i.l.bf16.f32 v10;
	[tilespmem:s20+$0x9D90] =	vst v8  }
0xc8: {  	v10 =	vunpack.i.u.bf16.f32 v10;
	[tilespmem:s20+$0x9D20] =	vst v29;
	v7 =	vld.idx.msk [tilespmem:v26+s10+$0x0], $0xffff  }
0xc9: {  	v31 =	vadd.s32 $0x55F0, v4;
	[tilespmem:s20+$0x9DA0] =	vst v10;
	v32 =	vunpack.i.l.bf16.f32 v9  }
0xca: {  	v9 =	vunpack.i.u.bf16.f32 v9;
	v11 =	vld.idx.msk [tilespmem:v28+s10+$0x0], $0xffff;
	[tilespmem:s20+$0x9D30] =	vst v32  }
0xcb: {  	v34 =	vadd.s32 $0x55F0, v3;
	[tilespmem:s20+$0x9DB0] =	vst v9;
	v33 =	vunpack.i.l.bf16.f32 v6  }
0xcc: {  	v8 =	vld.idx.msk [tilespmem:v30+s10+$0x0], $0xffff;
	v6 =	vunpack.i.u.bf16.f32 v6;
	[tilespmem:s20+$0x9E00] =	vst v33  }
0xcd: {  	v36 =	vadd.s32 $0x55F0, v2;
	v35 =	vunpack.i.l.bf16.f32 v7;
	[tilespmem:s20+$0x9E80] =	vst v6  }
0xce: {  	v7 =	vunpack.i.u.bf16.f32 v7;
	[tilespmem:s20+$0x9E10] =	vst v35;
	v5 =	vld.idx.msk [tilespmem:v31+s10+$0x0], $0xffff  }
0xcf: {  	v38 =	vadd.s32 $0x55F0, v1;
	v37 =	vunpack.i.l.bf16.f32 v11;
	[tilespmem:s20+$0x9E90] =	vst v7  }
0xd0: {  	v11 =	vunpack.i.u.bf16.f32 v11;
	[tilespmem:s20+$0x9E20] =	vst v37;
	v9 =	vld.idx.msk [tilespmem:v34+s10+$0x0], $0xffff  }
0xd1: {  	v39 =	vadd.s32 $0x59D8, v4;
	[tilespmem:s20+$0x9EA0] =	vst v11;
	v40 =	vunpack.i.l.bf16.f32 v8  }
0xd2: {  	v8 =	vunpack.i.u.bf16.f32 v8;
	v10 =	vld.idx.msk [tilespmem:v36+s10+$0x0], $0xffff;
	[tilespmem:s20+$0x9E30] =	vst v40  }
0xd3: {  	v42 =	vadd.s32 $0x59D8, v3;
	[tilespmem:s20+$0x9EB0] =	vst v8;
	v41 =	vunpack.i.l.bf16.f32 v5  }
0xd4: {  	v7 =	vld.idx.msk [tilespmem:v38+s10+$0x0], $0xffff;
	v5 =	vunpack.i.u.bf16.f32 v5;
	[tilespmem:s20+$0x9F00] =	vst v41  }
0xd5: {  	v44 =	vadd.s32 $0x59D8, v2;
	v43 =	vunpack.i.l.bf16.f32 v9;
	[tilespmem:s20+$0x9F80] =	vst v5  }
0xd6: {  	v9 =	vunpack.i.u.bf16.f32 v9;
	[tilespmem:s20+$0x9F10] =	vst v43;
	v6 =	vld.idx.msk [tilespmem:v39+s10+$0x0], $0xffff  }
0xd7: {  	v46 =	vadd.s32 $0x59D8, v1;
	v45 =	vunpack.i.l.bf16.f32 v10;
	[tilespmem:s20+$0x9F90] =	vst v9  }
0xd8: {  	v10 =	vunpack.i.u.bf16.f32 v10;
	[tilespmem:s20+$0x9F20] =	vst v45;
	v8 =	vld.idx.msk [tilespmem:v42+s10+$0x0], $0xffff  }
0xd9: {  	v47 =	vadd.s32 $0x5DC0, v4;
	[tilespmem:s20+$0x9FA0] =	vst v10;
	v48 =	vunpack.i.l.bf16.f32 v7  }
0xda: {  	v7 =	vunpack.i.u.bf16.f32 v7;
	v11 =	vld.idx.msk [tilespmem:v44+s10+$0x0], $0xffff;
	[tilespmem:s20+$0x9F30] =	vst v48  }
0xdb: {  	v50 =	vadd.s32 $0x5DC0, v3;
	[tilespmem:s20+$0x9FB0] =	vst v7;
	v49 =	vunpack.i.l.bf16.f32 v6  }
0xdc: {  	v9 =	vld.idx.msk [tilespmem:v46+s10+$0x0], $0xffff;
	v6 =	vunpack.i.u.bf16.f32 v6;
	[tilespmem:s20+$0xA000] =	vst v49  }
0xdd: {  	v52 =	vadd.s32 $0x5DC0, v2;
	v51 =	vunpack.i.l.bf16.f32 v8;
	[tilespmem:s20+$0xA080] =	vst v6  }
0xde: {  	v8 =	vunpack.i.u.bf16.f32 v8;
	[tilespmem:s20+$0xA010] =	vst v51;
	v5 =	vld.idx.msk [tilespmem:v47+s10+$0x0], $0xffff  }
0xdf: {  	v54 =	vadd.s32 $0x5DC0, v1;
	v53 =	vunpack.i.l.bf16.f32 v11;
	[tilespmem:s20+$0xA090] =	vst v8  }
0xe0: {  	v11 =	vunpack.i.u.bf16.f32 v11;
	[tilespmem:s20+$0xA020] =	vst v53;
	v7 =	vld.idx.msk [tilespmem:v50+s10+$0x0], $0xffff  }
0xe1: {  	v55 =	vadd.s32 $0x61A8, v4;
	[tilespmem:s20+$0xA0A0] =	vst v11;
	v56 =	vunpack.i.l.bf16.f32 v9  }
0xe2: {  	v9 =	vunpack.i.u.bf16.f32 v9;
	v10 =	vld.idx.msk [tilespmem:v52+s10+$0x0], $0xffff;
	[tilespmem:s20+$0xA030] =	vst v56  }
0xe3: {  	v58 =	vadd.s32 $0x61A8, v3;
	[tilespmem:s20+$0xA0B0] =	vst v9;
	v57 =	vunpack.i.l.bf16.f32 v5  }
0xe4: {  	v8 =	vld.idx.msk [tilespmem:v54+s10+$0x0], $0xffff;
	v5 =	vunpack.i.u.bf16.f32 v5;
	[tilespmem:s20+$0xA100] =	vst v57  }
0xe5: {  	v60 =	vadd.s32 $0x61A8, v2;
	v59 =	vunpack.i.l.bf16.f32 v7;
	[tilespmem:s20+$0xA180] =	vst v5  }
0xe6: {  	v7 =	vunpack.i.u.bf16.f32 v7;
	[tilespmem:s20+$0xA110] =	vst v59;
	v6 =	vld.idx.msk [tilespmem:v55+s10+$0x0], $0xffff  }
0xe7: {  	v62 =	vadd.s32 $0x61A8, v1;
	v61 =	vunpack.i.l.bf16.f32 v10;
	[tilespmem:s20+$0xA190] =	vst v7  }
0xe8: {  	v10 =	vunpack.i.u.bf16.f32 v10;
	[tilespmem:s20+$0xA120] =	vst v61;
	v9 =	vld.idx.msk [tilespmem:v58+s10+$0x0], $0xffff  }
0xe9: {  	v63 =	vadd.s32 $0x6590, v4;
	[tilespmem:s20+$0xA1A0] =	vst v10;
	v12 =	vunpack.i.l.bf16.f32 v8  }
0xea: {  	v8 =	vunpack.i.u.bf16.f32 v8;
	v11 =	vld.idx.msk [tilespmem:v60+s10+$0x0], $0xffff;
	[tilespmem:s20+$0xA130] =	vst v12  }
0xeb: {  	v14 =	vadd.s32 $0x6590, v3;
	[tilespmem:s20+$0xA1B0] =	vst v8;
	v13 =	vunpack.i.l.bf16.f32 v6  }
0xec: {  	v7 =	vld.idx.msk [tilespmem:v62+s10+$0x0], $0xffff;
	v6 =	vunpack.i.u.bf16.f32 v6;
	[tilespmem:s20+$0xA200] =	vst v13  }
0xed: {  	v16 =	vadd.s32 $0x6590, v2;
	v15 =	vunpack.i.l.bf16.f32 v9;
	[tilespmem:s20+$0xA280] =	vst v6  }
0xee: {  	v9 =	vunpack.i.u.bf16.f32 v9;
	[tilespmem:s20+$0xA210] =	vst v15;
	v5 =	vld.idx.msk [tilespmem:v63+s10+$0x0], $0xffff  }
0xef: {  	v18 =	vadd.s32 $0x6590, v1;
	v17 =	vunpack.i.l.bf16.f32 v11;
	[tilespmem:s20+$0xA290] =	vst v9  }
0xf0: {  	v11 =	vunpack.i.u.bf16.f32 v11;
	[tilespmem:s20+$0xA220] =	vst v17;
	v8 =	vld.idx.msk [tilespmem:v14+s10+$0x0], $0xffff  }
0xf1: {  	v19 =	vadd.s32 $0x6978, v4;
	[tilespmem:s20+$0xA2A0] =	vst v11;
	v20 =	vunpack.i.l.bf16.f32 v7  }
0xf2: {  	v7 =	vunpack.i.u.bf16.f32 v7;
	v10 =	vld.idx.msk [tilespmem:v16+s10+$0x0], $0xffff;
	[tilespmem:s20+$0xA230] =	vst v20  }
0xf3: {  	v22 =	vadd.s32 $0x6978, v3;
	[tilespmem:s20+$0xA2B0] =	vst v7;
	v21 =	vunpack.i.l.bf16.f32 v5  }
0xf4: {  	v9 =	vld.idx.msk [tilespmem:v18+s10+$0x0], $0xffff;
	v5 =	vunpack.i.u.bf16.f32 v5;
	[tilespmem:s20+$0xA300] =	vst v21  }
0xf5: {  	v24 =	vadd.s32 $0x6978, v2;
	v23 =	vunpack.i.l.bf16.f32 v8;
	[tilespmem:s20+$0xA380] =	vst v5  }
0xf6: {  	v8 =	vunpack.i.u.bf16.f32 v8;
	[tilespmem:s20+$0xA310] =	vst v23;
	v6 =	vld.idx.msk [tilespmem:v19+s10+$0x0], $0xffff  }
0xf7: {  	v26 =	vadd.s32 $0x6978, v1;
	v25 =	vunpack.i.l.bf16.f32 v10;
	[tilespmem:s20+$0xA390] =	vst v8  }
0xf8: {  	v10 =	vunpack.i.u.bf16.f32 v10;
	[tilespmem:s20+$0xA320] =	vst v25;
	v7 =	vld.idx.msk [tilespmem:v22+s10+$0x0], $0xffff  }
0xf9: {  	v27 =	vadd.s32 $0x6D60, v4;
	[tilespmem:s20+$0xA3A0] =	vst v10;
	v28 =	vunpack.i.l.bf16.f32 v9  }
0xfa: {  	v9 =	vunpack.i.u.bf16.f32 v9;
	v11 =	vld.idx.msk [tilespmem:v24+s10+$0x0], $0xffff;
	[tilespmem:s20+$0xA330] =	vst v28  }
0xfb: {  	v30 =	vadd.s32 $0x6D60, v3;
	[tilespmem:s20+$0xA3B0] =	vst v9;
	v29 =	vunpack.i.l.bf16.f32 v6  }
0xfc: {  	v8 =	vld.idx.msk [tilespmem:v26+s10+$0x0], $0xffff;
	v6 =	vunpack.i.u.bf16.f32 v6;
	[tilespmem:s20+$0xA400] =	vst v29  }
0xfd: {  	v32 =	vadd.s32 $0x6D60, v2;
	v31 =	vunpack.i.l.bf16.f32 v7;
	[tilespmem:s20+$0xA480] =	vst v6  }
0xfe: {  	v7 =	vunpack.i.u.bf16.f32 v7;
	[tilespmem:s20+$0xA410] =	vst v31;
	v5 =	vld.idx.msk [tilespmem:v27+s10+$0x0], $0xffff  }
0xff: {  	v34 =	vadd.s32 $0x6D60, v1;
	v33 =	vunpack.i.l.bf16.f32 v11;
	[tilespmem:s20+$0xA490] =	vst v7  }
0x100: {  	v11 =	vunpack.i.u.bf16.f32 v11;
	[tilespmem:s20+$0xA420] =	vst v33;
	v9 =	vld.idx.msk [tilespmem:v30+s10+$0x0], $0xffff  }
0x101: {  	v35 =	vadd.s32 $0x7148, v4;
	[tilespmem:s20+$0xA4A0] =	vst v11;
	v36 =	vunpack.i.l.bf16.f32 v8  }
0x102: {  	v8 =	vunpack.i.u.bf16.f32 v8;
	v10 =	vld.idx.msk [tilespmem:v32+s10+$0x0], $0xffff;
	[tilespmem:s20+$0xA430] =	vst v36  }
0x103: {  	v38 =	vadd.s32 $0x7148, v3;
	[tilespmem:s20+$0xA4B0] =	vst v8;
	v37 =	vunpack.i.l.bf16.f32 v5  }
0x104: {  	v7 =	vld.idx.msk [tilespmem:v34+s10+$0x0], $0xffff;
	v5 =	vunpack.i.u.bf16.f32 v5;
	[tilespmem:s20+$0xA500] =	vst v37  }
0x105: {  	v40 =	vadd.s32 $0x7148, v2;
	v39 =	vunpack.i.l.bf16.f32 v9;
	[tilespmem:s20+$0xA580] =	vst v5  }
0x106: {  	v9 =	vunpack.i.u.bf16.f32 v9;
	[tilespmem:s20+$0xA510] =	vst v39;
	v6 =	vld.idx.msk [tilespmem:v35+s10+$0x0], $0xffff  }
0x107: {  	v42 =	vadd.s32 $0x7148, v1;
	v41 =	vunpack.i.l.bf16.f32 v10;
	[tilespmem:s20+$0xA590] =	vst v9  }
0x108: {  	v10 =	vunpack.i.u.bf16.f32 v10;
	[tilespmem:s20+$0xA520] =	vst v41;
	v8 =	vld.idx.msk [tilespmem:v38+s10+$0x0], $0xffff  }
0x109: {  	v43 =	vadd.s32 $0x7530, v4;
	[tilespmem:s20+$0xA5A0] =	vst v10;
	v44 =	vunpack.i.l.bf16.f32 v7  }
0x10a: {  	v7 =	vunpack.i.u.bf16.f32 v7;
	v11 =	vld.idx.msk [tilespmem:v40+s10+$0x0], $0xffff;
	[tilespmem:s20+$0xA530] =	vst v44  }
0x10b: {  	v46 =	vadd.s32 $0x7530, v3;
	[tilespmem:s20+$0xA5B0] =	vst v7;
	v45 =	vunpack.i.l.bf16.f32 v6  }
0x10c: {  	v9 =	vld.idx.msk [tilespmem:v42+s10+$0x0], $0xffff;
	v6 =	vunpack.i.u.bf16.f32 v6;
	[tilespmem:s20+$0xA600] =	vst v45  }
0x10d: {  	v48 =	vadd.s32 $0x7530, v2;
	v47 =	vunpack.i.l.bf16.f32 v8;
	[tilespmem:s20+$0xA680] =	vst v6  }
0x10e: {  	v8 =	vunpack.i.u.bf16.f32 v8;
	[tilespmem:s20+$0xA610] =	vst v47;
	v5 =	vld.idx.msk [tilespmem:v43+s10+$0x0], $0xffff  }
0x10f: {  	v50 =	vadd.s32 $0x7530, v1;
	v49 =	vunpack.i.l.bf16.f32 v11;
	[tilespmem:s20+$0xA690] =	vst v8  }
0x110: {  	v52 =	vunpack.i.u.bf16.f32 v11;
	[tilespmem:s20+$0xA620] =	vst v49;
	v51 =	vld.idx.msk [tilespmem:v46+s10+$0x0], $0xffff  }
0x111: {  	v4 =	vadd.s32 $0x7918, v4;
	[tilespmem:s20+$0xA6A0] =	vst v52;
	v53 =	vunpack.i.l.bf16.f32 v9  }
0x112: {  	v9 =	vunpack.i.u.bf16.f32 v9;
	[tilespmem:s20+$0xA630] =	vst v53;
	v54 =	vld.idx.msk [tilespmem:v48+s10+$0x0], $0xffff  }
0x113: {  	v3 =	vadd.s32 $0x7918, v3;
	[tilespmem:s20+$0xA6B0] =	vst v9;
	v55 =	vunpack.i.l.bf16.f32 v5  }
0x114: {  	v8 =	vld.idx.msk [tilespmem:v50+s10+$0x0], $0xffff;
	v5 =	vunpack.i.u.bf16.f32 v5;
	[tilespmem:s20+$0xA700] =	vst v55  }
0x115: {  	v2 =	vadd.s32 $0x7918, v2;
	v56 =	vunpack.i.l.bf16.f32 v51;
	[tilespmem:s20+$0xA780] =	vst v5  }
0x116: {  	v57 =	vunpack.i.u.bf16.f32 v51;
	[tilespmem:s20+$0xA710] =	vst v56;
	v4 =	vld.idx.msk [tilespmem:v4+s10+$0x0], $0xffff  }
0x117: {  	v1 =	vadd.s32 $0x7918, v1;
	v58 =	vunpack.i.l.bf16.f32 v54;
	[tilespmem:s20+$0xA790] =	vst v57  }
0x118: {  	v59 =	vunpack.i.u.bf16.f32 v54;
	[tilespmem:s20+$0xA720] =	vst v58;
	v3 =	vld.idx.msk [tilespmem:v3+s10+$0x0], $0xffff  }
0x119: {  	[tilespmem:s20+$0xA7A0] =	vst v59;
	v60 =	vunpack.i.l.bf16.f32 v8  }
0x11a: {  	v61 =	vunpack.i.u.bf16.f32 v8;
	[tilespmem:s20+$0xA730] =	vst v60;
	v2 =	vld.idx.msk [tilespmem:v2+s10+$0x0], $0xffff  }
0x11b: {  	[tilespmem:s20+$0xA7B0] =	vst v61;
	v62 =	vunpack.i.l.bf16.f32 v4  }
0x11c: {  	v1 =	vld.idx.msk [tilespmem:v1+s10+$0x0], $0xffff;
	v4 =	vunpack.i.u.bf16.f32 v4;
	[tilespmem:s20+$0xA800] =	vst v62  }
0x11d: {  	v63 =	vunpack.i.l.bf16.f32 v3;
	[tilespmem:s20+$0xA880] =	vst v4  }
0x11e: {  	p2 =	por p1, p1;
	v3 =	vunpack.i.u.bf16.f32 v3;
	[tilespmem:s20+$0xA810] =	vst v63  }
.Ltmp0:
0x11f: {  	[tilespmem:s20+$0xA890] =	vst v3;
	v3 =	vunpack.i.l.bf16.f32 v2;
	(pc) =	sbr.rel @p2 .LBB2_3-.Ltmp0, $4  }
0x120: {  	v2 =	vunpack.i.u.bf16.f32 v2;
	[tilespmem:s20+$0xA820] =	vst v3  }
0x121: {  	[tilespmem:s20+$0xA8A0] =	vst v2;
	v2 =	vunpack.i.l.bf16.f32 v1  }
0x122: {  	v1 =	vunpack.i.u.bf16.f32 v1;
	[tilespmem:s20+$0xA830] =	vst v2  }
0x123: {  	p1 =	por $0x0, $0x0;
	[tilespmem:s20+$0xA8B0] =	vst v1;
	s20 =	simm.s32 $0x40  }
0x124: {  	s20 =	sshll.u32 s18, $0x13  }
0x125: {  	s19 =	sor.u32 $0x1, s19;
	s20 =	sor.u32 s6, s20  }
0x126: {  	s21 =	sshll.u32 s19, $0x7;
	s20 =	sshrl.u32 s20, $0x3  }
0x127: {  	s21 =	sand.u32 $0x3FFFFF80, s21;
	s20 =	sadd.s32 s3, s20  }
0x128: {  	v0 =	vmov s21;
	[hbm4b:s20+s13] =	stream.strided.scatter [tilespmem:s15], [sflag:$0x1], $0x2000, s14, s13, $0x38;
	[tilespmem:$0xC900] =	vst v63  }
0x129: {  	s20 =	simm.s32 @!p0 $0x2  }
0x12a: {  	_ =	swait.ge @!p0 [sflag:s20], $0x2000  }
0x12b: {  	[sflag:s20] =	ssyncset.done @!p0 $0x0  }
0x12c: {  	[sflag:s20] =	ssyncadd.s32 @!p0 $0xFFFFE000;
	s20 =	simm.s32 $0x0;
	p0 =	por $0x1, $0x1  }
.LBB2_5:
0x12d: {  	v4 =	vld.idx.msk [tilespmem:v0+s20+$0x0 ss:$0x1], $0xffff;
	_ =	sdelay $0x1  }
0x12e: {  	v3 =	vld.idx.msk [tilespmem:v0+s20+$0x10 ss:$0x1], $0xffff;
	_ =	sdelay $0x1  }
0x12f: {  	v2 =	vld.idx.msk [tilespmem:v0+s20+$0x20 ss:$0x1], $0xffff;
	_ =	sdelay $0x1  }
0x130: {  	v1 =	vld.idx.msk [tilespmem:v0+s20+$0x30 ss:$0x1], $0xffff;
	_ =	sdelay $0x1  }
0x131: {  	v5 =	vld.idx.msk [tilespmem:v4+s10+$0x0], $0xffff;
	_ =	sdelay $0x1  }
0x132: {  	v6 =	vld.idx.msk [tilespmem:v3+s10+$0x0], $0xffff  }
0x133: {  	v7 =	vadd.s32 $0x3E8, v4  }
0x134: {  	v8 =	vld.idx.msk [tilespmem:v2+s10+$0x0], $0xffff  }
0x135: {  	v10 =	vadd.s32 $0x3E8, v3;
	v9 =	vunpack.i.l.bf16.f32 v5  }
0x136: {  	v21 =	vld.idx.msk [tilespmem:v1+s10+$0x0], $0xffff;
	v5 =	vunpack.i.u.bf16.f32 v5;
	[tilespmem:s20+$0xA900] =	vst v9  }
0x137: {  	v11 =	vadd.s32 $0x3E8, v2;
	v22 =	vunpack.i.l.bf16.f32 v6;
	[tilespmem:s20+$0xA980] =	vst v5  }
0x138: {  	v6 =	vunpack.i.u.bf16.f32 v6;
	[tilespmem:s20+$0xA910] =	vst v22;
	v7 =	vld.idx.msk [tilespmem:v7+s10+$0x0], $0xffff  }
0x139: {  	v24 =	vadd.s32 $0x3E8, v1;
	v23 =	vunpack.i.l.bf16.f32 v8;
	[tilespmem:s20+$0xA990] =	vst v6  }
0x13a: {  	v8 =	vunpack.i.u.bf16.f32 v8;
	[tilespmem:s20+$0xA920] =	vst v23;
	v10 =	vld.idx.msk [tilespmem:v10+s10+$0x0], $0xffff  }
0x13b: {  	v25 =	vadd.s32 $0x7D0, v4;
	v26 =	vunpack.i.l.bf16.f32 v21;
	[tilespmem:s20+$0xA9A0] =	vst v8  }
0x13c: {  	v9 =	vunpack.i.u.bf16.f32 v21;
	[tilespmem:s20+$0xA930] =	vst v26;
	v11 =	vld.idx.msk [tilespmem:v11+s10+$0x0], $0xffff  }
0x13d: {  	v28 =	vadd.s32 $0x7D0, v3;
	[tilespmem:s20+$0xA9B0] =	vst v9;
	v27 =	vunpack.i.l.bf16.f32 v7  }
0x13e: {  	v6 =	vld.idx.msk [tilespmem:v24+s10+$0x0], $0xffff;
	v7 =	vunpack.i.u.bf16.f32 v7;
	[tilespmem:s20+$0xAA00] =	vst v27  }
0x13f: {  	v30 =	vadd.s32 $0x7D0, v2;
	v29 =	vunpack.i.l.bf16.f32 v10;
	[tilespmem:s20+$0xAA80] =	vst v7  }
0x140: {  	v10 =	vunpack.i.u.bf16.f32 v10;
	[tilespmem:s20+$0xAA10] =	vst v29;
	v5 =	vld.idx.msk [tilespmem:v25+s10+$0x0], $0xffff  }
0x141: {  	v32 =	vadd.s32 $0x7D0, v1;
	v31 =	vunpack.i.l.bf16.f32 v11;
	[tilespmem:s20+$0xAA90] =	vst v10  }
0x142: {  	v11 =	vunpack.i.u.bf16.f32 v11;
	[tilespmem:s20+$0xAA20] =	vst v31;
	v9 =	vld.idx.msk [tilespmem:v28+s10+$0x0], $0xffff  }
0x143: {  	v33 =	vadd.s32 $0xBB8, v4;
	[tilespmem:s20+$0xAAA0] =	vst v11;
	v34 =	vunpack.i.l.bf16.f32 v6  }
0x144: {  	v6 =	vunpack.i.u.bf16.f32 v6;
	v8 =	vld.idx.msk [tilespmem:v30+s10+$0x0], $0xffff;
	[tilespmem:s20+$0xAA30] =	vst v34  }
0x145: {  	v36 =	vadd.s32 $0xBB8, v3;
	[tilespmem:s20+$0xAAB0] =	vst v6;
	v35 =	vunpack.i.l.bf16.f32 v5  }
0x146: {  	v10 =	vld.idx.msk [tilespmem:v32+s10+$0x0], $0xffff;
	v5 =	vunpack.i.u.bf16.f32 v5;
	[tilespmem:s20+$0xAB00] =	vst v35  }
0x147: {  	v38 =	vadd.s32 $0xBB8, v2;
	v37 =	vunpack.i.l.bf16.f32 v9;
	[tilespmem:s20+$0xAB80] =	vst v5  }
0x148: {  	v9 =	vunpack.i.u.bf16.f32 v9;
	[tilespmem:s20+$0xAB10] =	vst v37;
	v7 =	vld.idx.msk [tilespmem:v33+s10+$0x0], $0xffff  }
0x149: {  	v40 =	vadd.s32 $0xBB8, v1;
	v39 =	vunpack.i.l.bf16.f32 v8;
	[tilespmem:s20+$0xAB90] =	vst v9  }
0x14a: {  	v8 =	vunpack.i.u.bf16.f32 v8;
	[tilespmem:s20+$0xAB20] =	vst v39;
	v6 =	vld.idx.msk [tilespmem:v36+s10+$0x0], $0xffff  }
0x14b: {  	v41 =	vadd.s32 $0xFA0, v4;
	[tilespmem:s20+$0xABA0] =	vst v8;
	v42 =	vunpack.i.l.bf16.f32 v10  }
0x14c: {  	v10 =	vunpack.i.u.bf16.f32 v10;
	v11 =	vld.idx.msk [tilespmem:v38+s10+$0x0], $0xffff;
	[tilespmem:s20+$0xAB30] =	vst v42  }
0x14d: {  	v44 =	vadd.s32 $0xFA0, v3;
	[tilespmem:s20+$0xABB0] =	vst v10;
	v43 =	vunpack.i.l.bf16.f32 v7  }
0x14e: {  	v45 =	vld.idx.msk [tilespmem:v40+s10+$0x0], $0xffff;
	v7 =	vunpack.i.u.bf16.f32 v7;
	[tilespmem:s20+$0xAC00] =	vst v43  }
0x14f: {  	v47 =	vadd.s32 $0xFA0, v2;
	v46 =	vunpack.i.l.bf16.f32 v6;
	[tilespmem:s20+$0xAC80] =	vst v7  }
0x150: {  	v6 =	vunpack.i.u.bf16.f32 v6;
	[tilespmem:s20+$0xAC10] =	vst v46;
	v5 =	vld.idx.msk [tilespmem:v41+s10+$0x0], $0xffff  }
0x151: {  	v49 =	vadd.s32 $0xFA0, v1;
	v48 =	vunpack.i.l.bf16.f32 v11;
	[tilespmem:s20+$0xAC90] =	vst v6  }
0x152: {  	v11 =	vunpack.i.u.bf16.f32 v11;
	[tilespmem:s20+$0xAC20] =	vst v48;
	v10 =	vld.idx.msk [tilespmem:v44+s10+$0x0], $0xffff  }
0x153: {  	v50 =	vadd.s32 $0x1388, v4;
	[tilespmem:s20+$0xACA0] =	vst v11;
	v51 =	vunpack.i.l.bf16.f32 v45  }
0x154: {  	v8 =	vunpack.i.u.bf16.f32 v45;
	v9 =	vld.idx.msk [tilespmem:v47+s10+$0x0], $0xffff;
	[tilespmem:s20+$0xAC30] =	vst v51  }
0x155: {  	v53 =	vadd.s32 $0x1388, v3;
	[tilespmem:s20+$0xACB0] =	vst v8;
	v52 =	vunpack.i.l.bf16.f32 v5  }
0x156: {  	v7 =	vld.idx.msk [tilespmem:v49+s10+$0x0], $0xffff;
	v5 =	vunpack.i.u.bf16.f32 v5;
	[tilespmem:s20+$0xAD00] =	vst v52  }
0x157: {  	v55 =	vadd.s32 $0x1388, v2;
	v54 =	vunpack.i.l.bf16.f32 v10;
	[tilespmem:s20+$0xAD80] =	vst v5  }
0x158: {  	v10 =	vunpack.i.u.bf16.f32 v10;
	[tilespmem:s20+$0xAD10] =	vst v54;
	v6 =	vld.idx.msk [tilespmem:v50+s10+$0x0], $0xffff  }
0x159: {  	v57 =	vadd.s32 $0x1388, v1;
	v56 =	vunpack.i.l.bf16.f32 v9;
	[tilespmem:s20+$0xAD90] =	vst v10  }
0x15a: {  	v9 =	vunpack.i.u.bf16.f32 v9;
	[tilespmem:s20+$0xAD20] =	vst v56;
	v8 =	vld.idx.msk [tilespmem:v53+s10+$0x0], $0xffff  }
0x15b: {  	v58 =	vadd.s32 $0x1770, v4;
	[tilespmem:s20+$0xADA0] =	vst v9;
	v59 =	vunpack.i.l.bf16.f32 v7  }
0x15c: {  	v7 =	vunpack.i.u.bf16.f32 v7;
	v11 =	vld.idx.msk [tilespmem:v55+s10+$0x0], $0xffff;
	[tilespmem:s20+$0xAD30] =	vst v59  }
0x15d: {  	v61 =	vadd.s32 $0x1770, v3;
	[tilespmem:s20+$0xADB0] =	vst v7;
	v60 =	vunpack.i.l.bf16.f32 v6  }
0x15e: {  	v62 =	vld.idx.msk [tilespmem:v57+s10+$0x0], $0xffff;
	v6 =	vunpack.i.u.bf16.f32 v6;
	[tilespmem:s20+$0xAE00] =	vst v60  }
0x15f: {  	v12 =	vadd.s32 $0x1770, v2;
	v63 =	vunpack.i.l.bf16.f32 v8;
	[tilespmem:s20+$0xAE80] =	vst v6  }
0x160: {  	v8 =	vunpack.i.u.bf16.f32 v8;
	[tilespmem:s20+$0xAE10] =	vst v63;
	v5 =	vld.idx.msk [tilespmem:v58+s10+$0x0], $0xffff  }
0x161: {  	v14 =	vadd.s32 $0x1770, v1;
	v13 =	vunpack.i.l.bf16.f32 v11;
	[tilespmem:s20+$0xAE90] =	vst v8  }
0x162: {  	v11 =	vunpack.i.u.bf16.f32 v11;
	[tilespmem:s20+$0xAE20] =	vst v13;
	v7 =	vld.idx.msk [tilespmem:v61+s10+$0x0], $0xffff  }
0x163: {  	v15 =	vadd.s32 $0x1B58, v4;
	[tilespmem:s20+$0xAEA0] =	vst v11;
	v16 =	vunpack.i.l.bf16.f32 v62  }
0x164: {  	v9 =	vunpack.i.u.bf16.f32 v62;
	v10 =	vld.idx.msk [tilespmem:v12+s10+$0x0], $0xffff;
	[tilespmem:s20+$0xAE30] =	vst v16  }
0x165: {  	v18 =	vadd.s32 $0x1B58, v3;
	[tilespmem:s20+$0xAEB0] =	vst v9;
	v17 =	vunpack.i.l.bf16.f32 v5  }
0x166: {  	v8 =	vld.idx.msk [tilespmem:v14+s10+$0x0], $0xffff;
	v5 =	vunpack.i.u.bf16.f32 v5;
	[tilespmem:s20+$0xAF00] =	vst v17  }
0x167: {  	v20 =	vadd.s32 $0x1B58, v2;
	v19 =	vunpack.i.l.bf16.f32 v7;
	[tilespmem:s20+$0xAF80] =	vst v5  }
0x168: {  	v7 =	vunpack.i.u.bf16.f32 v7;
	[tilespmem:s20+$0xAF10] =	vst v19;
	v6 =	vld.idx.msk [tilespmem:v15+s10+$0x0], $0xffff  }
0x169: {  	v22 =	vadd.s32 $0x1B58, v1;
	v21 =	vunpack.i.l.bf16.f32 v10;
	[tilespmem:s20+$0xAF90] =	vst v7  }
0x16a: {  	v10 =	vunpack.i.u.bf16.f32 v10;
	[tilespmem:s20+$0xAF20] =	vst v21;
	v9 =	vld.idx.msk [tilespmem:v18+s10+$0x0], $0xffff  }
0x16b: {  	v23 =	vadd.s32 $0x1F40, v4;
	[tilespmem:s20+$0xAFA0] =	vst v10;
	v24 =	vunpack.i.l.bf16.f32 v8  }
0x16c: {  	v8 =	vunpack.i.u.bf16.f32 v8;
	v11 =	vld.idx.msk [tilespmem:v20+s10+$0x0], $0xffff;
	[tilespmem:s20+$0xAF30] =	vst v24  }
0x16d: {  	v26 =	vadd.s32 $0x1F40, v3;
	[tilespmem:s20+$0xAFB0] =	vst v8;
	v25 =	vunpack.i.l.bf16.f32 v6  }
0x16e: {  	v7 =	vld.idx.msk [tilespmem:v22+s10+$0x0], $0xffff;
	v6 =	vunpack.i.u.bf16.f32 v6;
	[tilespmem:s20+$0xB000] =	vst v25  }
0x16f: {  	v28 =	vadd.s32 $0x1F40, v2;
	v27 =	vunpack.i.l.bf16.f32 v9;
	[tilespmem:s20+$0xB080] =	vst v6  }
0x170: {  	v9 =	vunpack.i.u.bf16.f32 v9;
	[tilespmem:s20+$0xB010] =	vst v27;
	v5 =	vld.idx.msk [tilespmem:v23+s10+$0x0], $0xffff  }
0x171: {  	v30 =	vadd.s32 $0x1F40, v1;
	v29 =	vunpack.i.l.bf16.f32 v11;
	[tilespmem:s20+$0xB090] =	vst v9  }
0x172: {  	v11 =	vunpack.i.u.bf16.f32 v11;
	[tilespmem:s20+$0xB020] =	vst v29;
	v8 =	vld.idx.msk [tilespmem:v26+s10+$0x0], $0xffff  }
0x173: {  	v31 =	vadd.s32 $0x2328, v4;
	[tilespmem:s20+$0xB0A0] =	vst v11;
	v32 =	vunpack.i.l.bf16.f32 v7  }
0x174: {  	v7 =	vunpack.i.u.bf16.f32 v7;
	v10 =	vld.idx.msk [tilespmem:v28+s10+$0x0], $0xffff;
	[tilespmem:s20+$0xB030] =	vst v32  }
0x175: {  	v34 =	vadd.s32 $0x2328, v3;
	[tilespmem:s20+$0xB0B0] =	vst v7;
	v33 =	vunpack.i.l.bf16.f32 v5  }
0x176: {  	v9 =	vld.idx.msk [tilespmem:v30+s10+$0x0], $0xffff;
	v5 =	vunpack.i.u.bf16.f32 v5;
	[tilespmem:s20+$0xB100] =	vst v33  }
0x177: {  	v36 =	vadd.s32 $0x2328, v2;
	v35 =	vunpack.i.l.bf16.f32 v8;
	[tilespmem:s20+$0xB180] =	vst v5  }
0x178: {  	v8 =	vunpack.i.u.bf16.f32 v8;
	[tilespmem:s20+$0xB110] =	vst v35;
	v6 =	vld.idx.msk [tilespmem:v31+s10+$0x0], $0xffff  }
0x179: {  	v38 =	vadd.s32 $0x2328, v1;
	v37 =	vunpack.i.l.bf16.f32 v10;
	[tilespmem:s20+$0xB190] =	vst v8  }
0x17a: {  	v10 =	vunpack.i.u.bf16.f32 v10;
	[tilespmem:s20+$0xB120] =	vst v37;
	v7 =	vld.idx.msk [tilespmem:v34+s10+$0x0], $0xffff  }
0x17b: {  	v39 =	vadd.s32 $0x2710, v4;
	[tilespmem:s20+$0xB1A0] =	vst v10;
	v40 =	vunpack.i.l.bf16.f32 v9  }
0x17c: {  	v9 =	vunpack.i.u.bf16.f32 v9;
	v11 =	vld.idx.msk [tilespmem:v36+s10+$0x0], $0xffff;
	[tilespmem:s20+$0xB130] =	vst v40  }
0x17d: {  	v42 =	vadd.s32 $0x2710, v3;
	[tilespmem:s20+$0xB1B0] =	vst v9;
	v41 =	vunpack.i.l.bf16.f32 v6  }
0x17e: {  	v8 =	vld.idx.msk [tilespmem:v38+s10+$0x0], $0xffff;
	v6 =	vunpack.i.u.bf16.f32 v6;
	[tilespmem:s20+$0xB200] =	vst v41  }
0x17f: {  	v44 =	vadd.s32 $0x2710, v2;
	v43 =	vunpack.i.l.bf16.f32 v7;
	[tilespmem:s20+$0xB280] =	vst v6  }
0x180: {  	v7 =	vunpack.i.u.bf16.f32 v7;
	[tilespmem:s20+$0xB210] =	vst v43;
	v5 =	vld.idx.msk [tilespmem:v39+s10+$0x0], $0xffff  }
0x181: {  	v46 =	vadd.s32 $0x2710, v1;
	v45 =	vunpack.i.l.bf16.f32 v11;
	[tilespmem:s20+$0xB290] =	vst v7  }
0x182: {  	v11 =	vunpack.i.u.bf16.f32 v11;
	[tilespmem:s20+$0xB220] =	vst v45;
	v9 =	vld.idx.msk [tilespmem:v42+s10+$0x0], $0xffff  }
0x183: {  	v47 =	vadd.s32 $0x2AF8, v4;
	[tilespmem:s20+$0xB2A0] =	vst v11;
	v48 =	vunpack.i.l.bf16.f32 v8  }
0x184: {  	v8 =	vunpack.i.u.bf16.f32 v8;
	v10 =	vld.idx.msk [tilespmem:v44+s10+$0x0], $0xffff;
	[tilespmem:s20+$0xB230] =	vst v48  }
0x185: {  	v50 =	vadd.s32 $0x2AF8, v3;
	[tilespmem:s20+$0xB2B0] =	vst v8;
	v49 =	vunpack.i.l.bf16.f32 v5  }
0x186: {  	v7 =	vld.idx.msk [tilespmem:v46+s10+$0x0], $0xffff;
	v5 =	vunpack.i.u.bf16.f32 v5;
	[tilespmem:s20+$0xB300] =	vst v49  }
0x187: {  	v52 =	vadd.s32 $0x2AF8, v2;
	v51 =	vunpack.i.l.bf16.f32 v9;
	[tilespmem:s20+$0xB380] =	vst v5  }
0x188: {  	v9 =	vunpack.i.u.bf16.f32 v9;
	[tilespmem:s20+$0xB310] =	vst v51;
	v6 =	vld.idx.msk [tilespmem:v47+s10+$0x0], $0xffff  }
0x189: {  	v54 =	vadd.s32 $0x2AF8, v1;
	v53 =	vunpack.i.l.bf16.f32 v10;
	[tilespmem:s20+$0xB390] =	vst v9  }
0x18a: {  	v10 =	vunpack.i.u.bf16.f32 v10;
	[tilespmem:s20+$0xB320] =	vst v53;
	v8 =	vld.idx.msk [tilespmem:v50+s10+$0x0], $0xffff  }
0x18b: {  	v55 =	vadd.s32 $0x2EE0, v4;
	[tilespmem:s20+$0xB3A0] =	vst v10;
	v56 =	vunpack.i.l.bf16.f32 v7  }
0x18c: {  	v7 =	vunpack.i.u.bf16.f32 v7;
	v11 =	vld.idx.msk [tilespmem:v52+s10+$0x0], $0xffff;
	[tilespmem:s20+$0xB330] =	vst v56  }
0x18d: {  	v58 =	vadd.s32 $0x2EE0, v3;
	[tilespmem:s20+$0xB3B0] =	vst v7;
	v57 =	vunpack.i.l.bf16.f32 v6  }
0x18e: {  	v9 =	vld.idx.msk [tilespmem:v54+s10+$0x0], $0xffff;
	v6 =	vunpack.i.u.bf16.f32 v6;
	[tilespmem:s20+$0xB400] =	vst v57  }
0x18f: {  	v60 =	vadd.s32 $0x2EE0, v2;
	v59 =	vunpack.i.l.bf16.f32 v8;
	[tilespmem:s20+$0xB480] =	vst v6  }
0x190: {  	v8 =	vunpack.i.u.bf16.f32 v8;
	[tilespmem:s20+$0xB410] =	vst v59;
	v5 =	vld.idx.msk [tilespmem:v55+s10+$0x0], $0xffff  }
0x191: {  	v62 =	vadd.s32 $0x2EE0, v1;
	v61 =	vunpack.i.l.bf16.f32 v11;
	[tilespmem:s20+$0xB490] =	vst v8  }
0x192: {  	v11 =	vunpack.i.u.bf16.f32 v11;
	[tilespmem:s20+$0xB420] =	vst v61;
	v7 =	vld.idx.msk [tilespmem:v58+s10+$0x0], $0xffff  }
0x193: {  	v63 =	vadd.s32 $0x32C8, v4;
	[tilespmem:s20+$0xB4A0] =	vst v11;
	v12 =	vunpack.i.l.bf16.f32 v9  }
0x194: {  	v9 =	vunpack.i.u.bf16.f32 v9;
	v10 =	vld.idx.msk [tilespmem:v60+s10+$0x0], $0xffff;
	[tilespmem:s20+$0xB430] =	vst v12  }
0x195: {  	v14 =	vadd.s32 $0x32C8, v3;
	[tilespmem:s20+$0xB4B0] =	vst v9;
	v13 =	vunpack.i.l.bf16.f32 v5  }
0x196: {  	v8 =	vld.idx.msk [tilespmem:v62+s10+$0x0], $0xffff;
	v5 =	vunpack.i.u.bf16.f32 v5;
	[tilespmem:s20+$0xB500] =	vst v13  }
0x197: {  	v16 =	vadd.s32 $0x32C8, v2;
	v15 =	vunpack.i.l.bf16.f32 v7;
	[tilespmem:s20+$0xB580] =	vst v5  }
0x198: {  	v7 =	vunpack.i.u.bf16.f32 v7;
	[tilespmem:s20+$0xB510] =	vst v15;
	v6 =	vld.idx.msk [tilespmem:v63+s10+$0x0], $0xffff  }
0x199: {  	v18 =	vadd.s32 $0x32C8, v1;
	v17 =	vunpack.i.l.bf16.f32 v10;
	[tilespmem:s20+$0xB590] =	vst v7  }
0x19a: {  	v10 =	vunpack.i.u.bf16.f32 v10;
	[tilespmem:s20+$0xB520] =	vst v17;
	v9 =	vld.idx.msk [tilespmem:v14+s10+$0x0], $0xffff  }
0x19b: {  	v19 =	vadd.s32 $0x36B0, v4;
	[tilespmem:s20+$0xB5A0] =	vst v10;
	v20 =	vunpack.i.l.bf16.f32 v8  }
0x19c: {  	v8 =	vunpack.i.u.bf16.f32 v8;
	v11 =	vld.idx.msk [tilespmem:v16+s10+$0x0], $0xffff;
	[tilespmem:s20+$0xB530] =	vst v20  }
0x19d: {  	v22 =	vadd.s32 $0x36B0, v3;
	[tilespmem:s20+$0xB5B0] =	vst v8;
	v21 =	vunpack.i.l.bf16.f32 v6  }
0x19e: {  	v7 =	vld.idx.msk [tilespmem:v18+s10+$0x0], $0xffff;
	v6 =	vunpack.i.u.bf16.f32 v6;
	[tilespmem:s20+$0xB600] =	vst v21  }
0x19f: {  	v24 =	vadd.s32 $0x36B0, v2;
	v23 =	vunpack.i.l.bf16.f32 v9;
	[tilespmem:s20+$0xB680] =	vst v6  }
0x1a0: {  	v9 =	vunpack.i.u.bf16.f32 v9;
	[tilespmem:s20+$0xB610] =	vst v23;
	v5 =	vld.idx.msk [tilespmem:v19+s10+$0x0], $0xffff  }
0x1a1: {  	v26 =	vadd.s32 $0x36B0, v1;
	v25 =	vunpack.i.l.bf16.f32 v11;
	[tilespmem:s20+$0xB690] =	vst v9  }
0x1a2: {  	v11 =	vunpack.i.u.bf16.f32 v11;
	[tilespmem:s20+$0xB620] =	vst v25;
	v8 =	vld.idx.msk [tilespmem:v22+s10+$0x0], $0xffff  }
0x1a3: {  	v27 =	vadd.s32 $0x3A98, v4;
	[tilespmem:s20+$0xB6A0] =	vst v11;
	v28 =	vunpack.i.l.bf16.f32 v7  }
0x1a4: {  	v7 =	vunpack.i.u.bf16.f32 v7;
	v10 =	vld.idx.msk [tilespmem:v24+s10+$0x0], $0xffff;
	[tilespmem:s20+$0xB630] =	vst v28  }
0x1a5: {  	v30 =	vadd.s32 $0x3A98, v3;
	[tilespmem:s20+$0xB6B0] =	vst v7;
	v29 =	vunpack.i.l.bf16.f32 v5  }
0x1a6: {  	v9 =	vld.idx.msk [tilespmem:v26+s10+$0x0], $0xffff;
	v5 =	vunpack.i.u.bf16.f32 v5;
	[tilespmem:s20+$0xB700] =	vst v29  }
0x1a7: {  	v32 =	vadd.s32 $0x3A98, v2;
	v31 =	vunpack.i.l.bf16.f32 v8;
	[tilespmem:s20+$0xB780] =	vst v5  }
0x1a8: {  	v8 =	vunpack.i.u.bf16.f32 v8;
	[tilespmem:s20+$0xB710] =	vst v31;
	v6 =	vld.idx.msk [tilespmem:v27+s10+$0x0], $0xffff  }
0x1a9: {  	v34 =	vadd.s32 $0x3A98, v1;
	v33 =	vunpack.i.l.bf16.f32 v10;
	[tilespmem:s20+$0xB790] =	vst v8  }
0x1aa: {  	v10 =	vunpack.i.u.bf16.f32 v10;
	[tilespmem:s20+$0xB720] =	vst v33;
	v7 =	vld.idx.msk [tilespmem:v30+s10+$0x0], $0xffff  }
0x1ab: {  	v35 =	vadd.s32 $0x3E80, v4;
	[tilespmem:s20+$0xB7A0] =	vst v10;
	v36 =	vunpack.i.l.bf16.f32 v9  }
0x1ac: {  	v9 =	vunpack.i.u.bf16.f32 v9;
	v11 =	vld.idx.msk [tilespmem:v32+s10+$0x0], $0xffff;
	[tilespmem:s20+$0xB730] =	vst v36  }
0x1ad: {  	v38 =	vadd.s32 $0x3E80, v3;
	[tilespmem:s20+$0xB7B0] =	vst v9;
	v37 =	vunpack.i.l.bf16.f32 v6  }
0x1ae: {  	v8 =	vld.idx.msk [tilespmem:v34+s10+$0x0], $0xffff;
	v6 =	vunpack.i.u.bf16.f32 v6;
	[tilespmem:s20+$0xB800] =	vst v37  }
0x1af: {  	v40 =	vadd.s32 $0x3E80, v2;
	v39 =	vunpack.i.l.bf16.f32 v7;
	[tilespmem:s20+$0xB880] =	vst v6  }
0x1b0: {  	v7 =	vunpack.i.u.bf16.f32 v7;
	[tilespmem:s20+$0xB810] =	vst v39;
	v5 =	vld.idx.msk [tilespmem:v35+s10+$0x0], $0xffff  }
0x1b1: {  	v42 =	vadd.s32 $0x3E80, v1;
	v41 =	vunpack.i.l.bf16.f32 v11;
	[tilespmem:s20+$0xB890] =	vst v7  }
0x1b2: {  	v11 =	vunpack.i.u.bf16.f32 v11;
	[tilespmem:s20+$0xB820] =	vst v41;
	v9 =	vld.idx.msk [tilespmem:v38+s10+$0x0], $0xffff  }
0x1b3: {  	v43 =	vadd.s32 $0x4268, v4;
	[tilespmem:s20+$0xB8A0] =	vst v11;
	v44 =	vunpack.i.l.bf16.f32 v8  }
0x1b4: {  	v8 =	vunpack.i.u.bf16.f32 v8;
	v10 =	vld.idx.msk [tilespmem:v40+s10+$0x0], $0xffff;
	[tilespmem:s20+$0xB830] =	vst v44  }
0x1b5: {  	v46 =	vadd.s32 $0x4268, v3;
	[tilespmem:s20+$0xB8B0] =	vst v8;
	v45 =	vunpack.i.l.bf16.f32 v5  }
0x1b6: {  	v7 =	vld.idx.msk [tilespmem:v42+s10+$0x0], $0xffff;
	v5 =	vunpack.i.u.bf16.f32 v5;
	[tilespmem:s20+$0xB900] =	vst v45  }
0x1b7: {  	v48 =	vadd.s32 $0x4268, v2;
	v47 =	vunpack.i.l.bf16.f32 v9;
	[tilespmem:s20+$0xB980] =	vst v5  }
0x1b8: {  	v9 =	vunpack.i.u.bf16.f32 v9;
	[tilespmem:s20+$0xB910] =	vst v47;
	v6 =	vld.idx.msk [tilespmem:v43+s10+$0x0], $0xffff  }
0x1b9: {  	v50 =	vadd.s32 $0x4268, v1;
	v49 =	vunpack.i.l.bf16.f32 v10;
	[tilespmem:s20+$0xB990] =	vst v9  }
0x1ba: {  	v10 =	vunpack.i.u.bf16.f32 v10;
	[tilespmem:s20+$0xB920] =	vst v49;
	v8 =	vld.idx.msk [tilespmem:v46+s10+$0x0], $0xffff  }
0x1bb: {  	v51 =	vadd.s32 $0x4650, v4;
	[tilespmem:s20+$0xB9A0] =	vst v10;
	v52 =	vunpack.i.l.bf16.f32 v7  }
0x1bc: {  	v7 =	vunpack.i.u.bf16.f32 v7;
	v11 =	vld.idx.msk [tilespmem:v48+s10+$0x0], $0xffff;
	[tilespmem:s20+$0xB930] =	vst v52  }
0x1bd: {  	v54 =	vadd.s32 $0x4650, v3;
	[tilespmem:s20+$0xB9B0] =	vst v7;
	v53 =	vunpack.i.l.bf16.f32 v6  }
0x1be: {  	v9 =	vld.idx.msk [tilespmem:v50+s10+$0x0], $0xffff;
	v6 =	vunpack.i.u.bf16.f32 v6;
	[tilespmem:s20+$0xBA00] =	vst v53  }
0x1bf: {  	v56 =	vadd.s32 $0x4650, v2;
	v55 =	vunpack.i.l.bf16.f32 v8;
	[tilespmem:s20+$0xBA80] =	vst v6  }
0x1c0: {  	v8 =	vunpack.i.u.bf16.f32 v8;
	[tilespmem:s20+$0xBA10] =	vst v55;
	v5 =	vld.idx.msk [tilespmem:v51+s10+$0x0], $0xffff  }
0x1c1: {  	v58 =	vadd.s32 $0x4650, v1;
	v57 =	vunpack.i.l.bf16.f32 v11;
	[tilespmem:s20+$0xBA90] =	vst v8  }
0x1c2: {  	v11 =	vunpack.i.u.bf16.f32 v11;
	[tilespmem:s20+$0xBA20] =	vst v57;
	v7 =	vld.idx.msk [tilespmem:v54+s10+$0x0], $0xffff  }
0x1c3: {  	v59 =	vadd.s32 $0x4A38, v4;
	[tilespmem:s20+$0xBAA0] =	vst v11;
	v60 =	vunpack.i.l.bf16.f32 v9  }
0x1c4: {  	v9 =	vunpack.i.u.bf16.f32 v9;
	v10 =	vld.idx.msk [tilespmem:v56+s10+$0x0], $0xffff;
	[tilespmem:s20+$0xBA30] =	vst v60  }
0x1c5: {  	v62 =	vadd.s32 $0x4A38, v3;
	[tilespmem:s20+$0xBAB0] =	vst v9;
	v61 =	vunpack.i.l.bf16.f32 v5  }
0x1c6: {  	v8 =	vld.idx.msk [tilespmem:v58+s10+$0x0], $0xffff;
	v5 =	vunpack.i.u.bf16.f32 v5;
	[tilespmem:s20+$0xBB00] =	vst v61  }
0x1c7: {  	v12 =	vadd.s32 $0x4A38, v2;
	v63 =	vunpack.i.l.bf16.f32 v7;
	[tilespmem:s20+$0xBB80] =	vst v5  }
0x1c8: {  	v7 =	vunpack.i.u.bf16.f32 v7;
	[tilespmem:s20+$0xBB10] =	vst v63;
	v6 =	vld.idx.msk [tilespmem:v59+s10+$0x0], $0xffff  }
0x1c9: {  	v14 =	vadd.s32 $0x4A38, v1;
	v13 =	vunpack.i.l.bf16.f32 v10;
	[tilespmem:s20+$0xBB90] =	vst v7  }
0x1ca: {  	v10 =	vunpack.i.u.bf16.f32 v10;
	[tilespmem:s20+$0xBB20] =	vst v13;
	v9 =	vld.idx.msk [tilespmem:v62+s10+$0x0], $0xffff  }
0x1cb: {  	v15 =	vadd.s32 $0x4E20, v4;
	[tilespmem:s20+$0xBBA0] =	vst v10;
	v16 =	vunpack.i.l.bf16.f32 v8  }
0x1cc: {  	v8 =	vunpack.i.u.bf16.f32 v8;
	v11 =	vld.idx.msk [tilespmem:v12+s10+$0x0], $0xffff;
	[tilespmem:s20+$0xBB30] =	vst v16  }
0x1cd: {  	v18 =	vadd.s32 $0x4E20, v3;
	[tilespmem:s20+$0xBBB0] =	vst v8;
	v17 =	vunpack.i.l.bf16.f32 v6  }
0x1ce: {  	v7 =	vld.idx.msk [tilespmem:v14+s10+$0x0], $0xffff;
	v6 =	vunpack.i.u.bf16.f32 v6;
	[tilespmem:s20+$0xBC00] =	vst v17  }
0x1cf: {  	v20 =	vadd.s32 $0x4E20, v2;
	v19 =	vunpack.i.l.bf16.f32 v9;
	[tilespmem:s20+$0xBC80] =	vst v6  }
0x1d0: {  	v9 =	vunpack.i.u.bf16.f32 v9;
	[tilespmem:s20+$0xBC10] =	vst v19;
	v5 =	vld.idx.msk [tilespmem:v15+s10+$0x0], $0xffff  }
0x1d1: {  	v22 =	vadd.s32 $0x4E20, v1;
	v21 =	vunpack.i.l.bf16.f32 v11;
	[tilespmem:s20+$0xBC90] =	vst v9  }
0x1d2: {  	v11 =	vunpack.i.u.bf16.f32 v11;
	[tilespmem:s20+$0xBC20] =	vst v21;
	v8 =	vld.idx.msk [tilespmem:v18+s10+$0x0], $0xffff  }
0x1d3: {  	v23 =	vadd.s32 $0x5208, v4;
	[tilespmem:s20+$0xBCA0] =	vst v11;
	v24 =	vunpack.i.l.bf16.f32 v7  }
0x1d4: {  	v7 =	vunpack.i.u.bf16.f32 v7;
	v10 =	vld.idx.msk [tilespmem:v20+s10+$0x0], $0xffff;
	[tilespmem:s20+$0xBC30] =	vst v24  }
0x1d5: {  	v26 =	vadd.s32 $0x5208, v3;
	[tilespmem:s20+$0xBCB0] =	vst v7;
	v25 =	vunpack.i.l.bf16.f32 v5  }
0x1d6: {  	v9 =	vld.idx.msk [tilespmem:v22+s10+$0x0], $0xffff;
	v5 =	vunpack.i.u.bf16.f32 v5;
	[tilespmem:s20+$0xBD00] =	vst v25  }
0x1d7: {  	v28 =	vadd.s32 $0x5208, v2;
	v27 =	vunpack.i.l.bf16.f32 v8;
	[tilespmem:s20+$0xBD80] =	vst v5  }
0x1d8: {  	v8 =	vunpack.i.u.bf16.f32 v8;
	[tilespmem:s20+$0xBD10] =	vst v27;
	v6 =	vld.idx.msk [tilespmem:v23+s10+$0x0], $0xffff  }
0x1d9: {  	v30 =	vadd.s32 $0x5208, v1;
	v29 =	vunpack.i.l.bf16.f32 v10;
	[tilespmem:s20+$0xBD90] =	vst v8  }
0x1da: {  	v10 =	vunpack.i.u.bf16.f32 v10;
	[tilespmem:s20+$0xBD20] =	vst v29;
	v7 =	vld.idx.msk [tilespmem:v26+s10+$0x0], $0xffff  }
0x1db: {  	v31 =	vadd.s32 $0x55F0, v4;
	[tilespmem:s20+$0xBDA0] =	vst v10;
	v32 =	vunpack.i.l.bf16.f32 v9  }
0x1dc: {  	v9 =	vunpack.i.u.bf16.f32 v9;
	v11 =	vld.idx.msk [tilespmem:v28+s10+$0x0], $0xffff;
	[tilespmem:s20+$0xBD30] =	vst v32  }
0x1dd: {  	v34 =	vadd.s32 $0x55F0, v3;
	[tilespmem:s20+$0xBDB0] =	vst v9;
	v33 =	vunpack.i.l.bf16.f32 v6  }
0x1de: {  	v8 =	vld.idx.msk [tilespmem:v30+s10+$0x0], $0xffff;
	v6 =	vunpack.i.u.bf16.f32 v6;
	[tilespmem:s20+$0xBE00] =	vst v33  }
0x1df: {  	v36 =	vadd.s32 $0x55F0, v2;
	v35 =	vunpack.i.l.bf16.f32 v7;
	[tilespmem:s20+$0xBE80] =	vst v6  }
0x1e0: {  	v7 =	vunpack.i.u.bf16.f32 v7;
	[tilespmem:s20+$0xBE10] =	vst v35;
	v5 =	vld.idx.msk [tilespmem:v31+s10+$0x0], $0xffff  }
0x1e1: {  	v38 =	vadd.s32 $0x55F0, v1;
	v37 =	vunpack.i.l.bf16.f32 v11;
	[tilespmem:s20+$0xBE90] =	vst v7  }
0x1e2: {  	v11 =	vunpack.i.u.bf16.f32 v11;
	[tilespmem:s20+$0xBE20] =	vst v37;
	v9 =	vld.idx.msk [tilespmem:v34+s10+$0x0], $0xffff  }
0x1e3: {  	v39 =	vadd.s32 $0x59D8, v4;
	[tilespmem:s20+$0xBEA0] =	vst v11;
	v40 =	vunpack.i.l.bf16.f32 v8  }
0x1e4: {  	v8 =	vunpack.i.u.bf16.f32 v8;
	v10 =	vld.idx.msk [tilespmem:v36+s10+$0x0], $0xffff;
	[tilespmem:s20+$0xBE30] =	vst v40  }
0x1e5: {  	v42 =	vadd.s32 $0x59D8, v3;
	[tilespmem:s20+$0xBEB0] =	vst v8;
	v41 =	vunpack.i.l.bf16.f32 v5  }
0x1e6: {  	v7 =	vld.idx.msk [tilespmem:v38+s10+$0x0], $0xffff;
	v5 =	vunpack.i.u.bf16.f32 v5;
	[tilespmem:s20+$0xBF00] =	vst v41  }
0x1e7: {  	v44 =	vadd.s32 $0x59D8, v2;
	v43 =	vunpack.i.l.bf16.f32 v9;
	[tilespmem:s20+$0xBF80] =	vst v5  }
0x1e8: {  	v9 =	vunpack.i.u.bf16.f32 v9;
	[tilespmem:s20+$0xBF10] =	vst v43;
	v6 =	vld.idx.msk [tilespmem:v39+s10+$0x0], $0xffff  }
0x1e9: {  	v46 =	vadd.s32 $0x59D8, v1;
	v45 =	vunpack.i.l.bf16.f32 v10;
	[tilespmem:s20+$0xBF90] =	vst v9  }
0x1ea: {  	v10 =	vunpack.i.u.bf16.f32 v10;
	[tilespmem:s20+$0xBF20] =	vst v45;
	v8 =	vld.idx.msk [tilespmem:v42+s10+$0x0], $0xffff  }
0x1eb: {  	v47 =	vadd.s32 $0x5DC0, v4;
	[tilespmem:s20+$0xBFA0] =	vst v10;
	v48 =	vunpack.i.l.bf16.f32 v7  }
0x1ec: {  	v7 =	vunpack.i.u.bf16.f32 v7;
	v11 =	vld.idx.msk [tilespmem:v44+s10+$0x0], $0xffff;
	[tilespmem:s20+$0xBF30] =	vst v48  }
0x1ed: {  	v50 =	vadd.s32 $0x5DC0, v3;
	[tilespmem:s20+$0xBFB0] =	vst v7;
	v49 =	vunpack.i.l.bf16.f32 v6  }
0x1ee: {  	v9 =	vld.idx.msk [tilespmem:v46+s10+$0x0], $0xffff;
	v6 =	vunpack.i.u.bf16.f32 v6;
	[tilespmem:s20+$0xC000] =	vst v49  }
0x1ef: {  	v52 =	vadd.s32 $0x5DC0, v2;
	v51 =	vunpack.i.l.bf16.f32 v8;
	[tilespmem:s20+$0xC080] =	vst v6  }
0x1f0: {  	v8 =	vunpack.i.u.bf16.f32 v8;
	[tilespmem:s20+$0xC010] =	vst v51;
	v5 =	vld.idx.msk [tilespmem:v47+s10+$0x0], $0xffff  }
0x1f1: {  	v54 =	vadd.s32 $0x5DC0, v1;
	v53 =	vunpack.i.l.bf16.f32 v11;
	[tilespmem:s20+$0xC090] =	vst v8  }
0x1f2: {  	v11 =	vunpack.i.u.bf16.f32 v11;
	[tilespmem:s20+$0xC020] =	vst v53;
	v7 =	vld.idx.msk [tilespmem:v50+s10+$0x0], $0xffff  }
0x1f3: {  	v55 =	vadd.s32 $0x61A8, v4;
	[tilespmem:s20+$0xC0A0] =	vst v11;
	v56 =	vunpack.i.l.bf16.f32 v9  }
0x1f4: {  	v9 =	vunpack.i.u.bf16.f32 v9;
	v10 =	vld.idx.msk [tilespmem:v52+s10+$0x0], $0xffff;
	[tilespmem:s20+$0xC030] =	vst v56  }
0x1f5: {  	v58 =	vadd.s32 $0x61A8, v3;
	[tilespmem:s20+$0xC0B0] =	vst v9;
	v57 =	vunpack.i.l.bf16.f32 v5  }
0x1f6: {  	v8 =	vld.idx.msk [tilespmem:v54+s10+$0x0], $0xffff;
	v5 =	vunpack.i.u.bf16.f32 v5;
	[tilespmem:s20+$0xC100] =	vst v57  }
0x1f7: {  	v60 =	vadd.s32 $0x61A8, v2;
	v59 =	vunpack.i.l.bf16.f32 v7;
	[tilespmem:s20+$0xC180] =	vst v5  }
0x1f8: {  	v7 =	vunpack.i.u.bf16.f32 v7;
	[tilespmem:s20+$0xC110] =	vst v59;
	v6 =	vld.idx.msk [tilespmem:v55+s10+$0x0], $0xffff  }
0x1f9: {  	v62 =	vadd.s32 $0x61A8, v1;
	v61 =	vunpack.i.l.bf16.f32 v10;
	[tilespmem:s20+$0xC190] =	vst v7  }
0x1fa: {  	v10 =	vunpack.i.u.bf16.f32 v10;
	[tilespmem:s20+$0xC120] =	vst v61;
	v9 =	vld.idx.msk [tilespmem:v58+s10+$0x0], $0xffff  }
0x1fb: {  	v63 =	vadd.s32 $0x6590, v4;
	[tilespmem:s20+$0xC1A0] =	vst v10;
	v12 =	vunpack.i.l.bf16.f32 v8  }
0x1fc: {  	v8 =	vunpack.i.u.bf16.f32 v8;
	v11 =	vld.idx.msk [tilespmem:v60+s10+$0x0], $0xffff;
	[tilespmem:s20+$0xC130] =	vst v12  }
0x1fd: {  	v14 =	vadd.s32 $0x6590, v3;
	[tilespmem:s20+$0xC1B0] =	vst v8;
	v13 =	vunpack.i.l.bf16.f32 v6  }
0x1fe: {  	v7 =	vld.idx.msk [tilespmem:v62+s10+$0x0], $0xffff;
	v6 =	vunpack.i.u.bf16.f32 v6;
	[tilespmem:s20+$0xC200] =	vst v13  }
0x1ff: {  	v16 =	vadd.s32 $0x6590, v2;
	v15 =	vunpack.i.l.bf16.f32 v9;
	[tilespmem:s20+$0xC280] =	vst v6  }
0x200: {  	v9 =	vunpack.i.u.bf16.f32 v9;
	[tilespmem:s20+$0xC210] =	vst v15;
	v5 =	vld.idx.msk [tilespmem:v63+s10+$0x0], $0xffff  }
0x201: {  	v18 =	vadd.s32 $0x6590, v1;
	v17 =	vunpack.i.l.bf16.f32 v11;
	[tilespmem:s20+$0xC290] =	vst v9  }
0x202: {  	v11 =	vunpack.i.u.bf16.f32 v11;
	[tilespmem:s20+$0xC220] =	vst v17;
	v8 =	vld.idx.msk [tilespmem:v14+s10+$0x0], $0xffff  }
0x203: {  	v19 =	vadd.s32 $0x6978, v4;
	[tilespmem:s20+$0xC2A0] =	vst v11;
	v20 =	vunpack.i.l.bf16.f32 v7  }
0x204: {  	v7 =	vunpack.i.u.bf16.f32 v7;
	v10 =	vld.idx.msk [tilespmem:v16+s10+$0x0], $0xffff;
	[tilespmem:s20+$0xC230] =	vst v20  }
0x205: {  	v22 =	vadd.s32 $0x6978, v3;
	[tilespmem:s20+$0xC2B0] =	vst v7;
	v21 =	vunpack.i.l.bf16.f32 v5  }
0x206: {  	v9 =	vld.idx.msk [tilespmem:v18+s10+$0x0], $0xffff;
	v5 =	vunpack.i.u.bf16.f32 v5;
	[tilespmem:s20+$0xC300] =	vst v21  }
0x207: {  	v24 =	vadd.s32 $0x6978, v2;
	v23 =	vunpack.i.l.bf16.f32 v8;
	[tilespmem:s20+$0xC380] =	vst v5  }
0x208: {  	v8 =	vunpack.i.u.bf16.f32 v8;
	[tilespmem:s20+$0xC310] =	vst v23;
	v6 =	vld.idx.msk [tilespmem:v19+s10+$0x0], $0xffff  }
0x209: {  	v26 =	vadd.s32 $0x6978, v1;
	v25 =	vunpack.i.l.bf16.f32 v10;
	[tilespmem:s20+$0xC390] =	vst v8  }
0x20a: {  	v10 =	vunpack.i.u.bf16.f32 v10;
	[tilespmem:s20+$0xC320] =	vst v25;
	v7 =	vld.idx.msk [tilespmem:v22+s10+$0x0], $0xffff  }
0x20b: {  	v27 =	vadd.s32 $0x6D60, v4;
	[tilespmem:s20+$0xC3A0] =	vst v10;
	v28 =	vunpack.i.l.bf16.f32 v9  }
0x20c: {  	v9 =	vunpack.i.u.bf16.f32 v9;
	v11 =	vld.idx.msk [tilespmem:v24+s10+$0x0], $0xffff;
	[tilespmem:s20+$0xC330] =	vst v28  }
0x20d: {  	v30 =	vadd.s32 $0x6D60, v3;
	[tilespmem:s20+$0xC3B0] =	vst v9;
	v29 =	vunpack.i.l.bf16.f32 v6  }
0x20e: {  	v8 =	vld.idx.msk [tilespmem:v26+s10+$0x0], $0xffff;
	v6 =	vunpack.i.u.bf16.f32 v6;
	[tilespmem:s20+$0xC400] =	vst v29  }
0x20f: {  	v32 =	vadd.s32 $0x6D60, v2;
	v31 =	vunpack.i.l.bf16.f32 v7;
	[tilespmem:s20+$0xC480] =	vst v6  }
0x210: {  	v7 =	vunpack.i.u.bf16.f32 v7;
	[tilespmem:s20+$0xC410] =	vst v31;
	v5 =	vld.idx.msk [tilespmem:v27+s10+$0x0], $0xffff  }
0x211: {  	v34 =	vadd.s32 $0x6D60, v1;
	v33 =	vunpack.i.l.bf16.f32 v11;
	[tilespmem:s20+$0xC490] =	vst v7  }
0x212: {  	v11 =	vunpack.i.u.bf16.f32 v11;
	[tilespmem:s20+$0xC420] =	vst v33;
	v9 =	vld.idx.msk [tilespmem:v30+s10+$0x0], $0xffff  }
0x213: {  	v35 =	vadd.s32 $0x7148, v4;
	[tilespmem:s20+$0xC4A0] =	vst v11;
	v36 =	vunpack.i.l.bf16.f32 v8  }
0x214: {  	v8 =	vunpack.i.u.bf16.f32 v8;
	v10 =	vld.idx.msk [tilespmem:v32+s10+$0x0], $0xffff;
	[tilespmem:s20+$0xC430] =	vst v36  }
0x215: {  	v38 =	vadd.s32 $0x7148, v3;
	[tilespmem:s20+$0xC4B0] =	vst v8;
	v37 =	vunpack.i.l.bf16.f32 v5  }
0x216: {  	v7 =	vld.idx.msk [tilespmem:v34+s10+$0x0], $0xffff;
	v5 =	vunpack.i.u.bf16.f32 v5;
	[tilespmem:s20+$0xC500] =	vst v37  }
0x217: {  	v40 =	vadd.s32 $0x7148, v2;
	v39 =	vunpack.i.l.bf16.f32 v9;
	[tilespmem:s20+$0xC580] =	vst v5  }
0x218: {  	v9 =	vunpack.i.u.bf16.f32 v9;
	[tilespmem:s20+$0xC510] =	vst v39;
	v6 =	vld.idx.msk [tilespmem:v35+s10+$0x0], $0xffff  }
0x219: {  	v42 =	vadd.s32 $0x7148, v1;
	v41 =	vunpack.i.l.bf16.f32 v10;
	[tilespmem:s20+$0xC590] =	vst v9  }
0x21a: {  	v10 =	vunpack.i.u.bf16.f32 v10;
	[tilespmem:s20+$0xC520] =	vst v41;
	v8 =	vld.idx.msk [tilespmem:v38+s10+$0x0], $0xffff  }
0x21b: {  	v43 =	vadd.s32 $0x7530, v4;
	[tilespmem:s20+$0xC5A0] =	vst v10;
	v44 =	vunpack.i.l.bf16.f32 v7  }
0x21c: {  	v7 =	vunpack.i.u.bf16.f32 v7;
	v11 =	vld.idx.msk [tilespmem:v40+s10+$0x0], $0xffff;
	[tilespmem:s20+$0xC530] =	vst v44  }
0x21d: {  	v46 =	vadd.s32 $0x7530, v3;
	[tilespmem:s20+$0xC5B0] =	vst v7;
	v45 =	vunpack.i.l.bf16.f32 v6  }
0x21e: {  	v9 =	vld.idx.msk [tilespmem:v42+s10+$0x0], $0xffff;
	v6 =	vunpack.i.u.bf16.f32 v6;
	[tilespmem:s20+$0xC600] =	vst v45  }
0x21f: {  	v48 =	vadd.s32 $0x7530, v2;
	v47 =	vunpack.i.l.bf16.f32 v8;
	[tilespmem:s20+$0xC680] =	vst v6  }
0x220: {  	v8 =	vunpack.i.u.bf16.f32 v8;
	[tilespmem:s20+$0xC610] =	vst v47;
	v5 =	vld.idx.msk [tilespmem:v43+s10+$0x0], $0xffff  }
0x221: {  	v50 =	vadd.s32 $0x7530, v1;
	v49 =	vunpack.i.l.bf16.f32 v11;
	[tilespmem:s20+$0xC690] =	vst v8  }
0x222: {  	v52 =	vunpack.i.u.bf16.f32 v11;
	[tilespmem:s20+$0xC620] =	vst v49;
	v51 =	vld.idx.msk [tilespmem:v46+s10+$0x0], $0xffff  }
0x223: {  	v4 =	vadd.s32 $0x7918, v4;
	[tilespmem:s20+$0xC6A0] =	vst v52;
	v53 =	vunpack.i.l.bf16.f32 v9  }
0x224: {  	v9 =	vunpack.i.u.bf16.f32 v9;
	[tilespmem:s20+$0xC630] =	vst v53;
	v54 =	vld.idx.msk [tilespmem:v48+s10+$0x0], $0xffff  }
0x225: {  	v3 =	vadd.s32 $0x7918, v3;
	[tilespmem:s20+$0xC6B0] =	vst v9;
	v55 =	vunpack.i.l.bf16.f32 v5  }
0x226: {  	v8 =	vld.idx.msk [tilespmem:v50+s10+$0x0], $0xffff;
	v5 =	vunpack.i.u.bf16.f32 v5;
	[tilespmem:s20+$0xC700] =	vst v55  }
0x227: {  	v2 =	vadd.s32 $0x7918, v2;
	v56 =	vunpack.i.l.bf16.f32 v51;
	[tilespmem:s20+$0xC780] =	vst v5  }
0x228: {  	v57 =	vunpack.i.u.bf16.f32 v51;
	[tilespmem:s20+$0xC710] =	vst v56;
	v4 =	vld.idx.msk [tilespmem:v4+s10+$0x0], $0xffff  }
0x229: {  	v1 =	vadd.s32 $0x7918, v1;
	v58 =	vunpack.i.l.bf16.f32 v54;
	[tilespmem:s20+$0xC790] =	vst v57  }
0x22a: {  	v59 =	vunpack.i.u.bf16.f32 v54;
	[tilespmem:s20+$0xC720] =	vst v58;
	v3 =	vld.idx.msk [tilespmem:v3+s10+$0x0], $0xffff  }
0x22b: {  	[tilespmem:s20+$0xC7A0] =	vst v59;
	v60 =	vunpack.i.l.bf16.f32 v8  }
0x22c: {  	v61 =	vunpack.i.u.bf16.f32 v8;
	[tilespmem:s20+$0xC730] =	vst v60;
	v2 =	vld.idx.msk [tilespmem:v2+s10+$0x0], $0xffff  }
0x22d: {  	[tilespmem:s20+$0xC7B0] =	vst v61;
	v62 =	vunpack.i.l.bf16.f32 v4  }
0x22e: {  	v1 =	vld.idx.msk [tilespmem:v1+s10+$0x0], $0xffff;
	v4 =	vunpack.i.u.bf16.f32 v4;
	[tilespmem:s20+$0xC800] =	vst v62  }
0x22f: {  	v63 =	vunpack.i.l.bf16.f32 v3;
	[tilespmem:s20+$0xC880] =	vst v4  }
0x230: {  	p1 =	por p0, p0;
	v3 =	vunpack.i.u.bf16.f32 v3;
	[tilespmem:s20+$0xC810] =	vst v63  }
.Ltmp1:
0x231: {  	[tilespmem:s20+$0xC890] =	vst v3;
	v3 =	vunpack.i.l.bf16.f32 v2;
	(pc) =	sbr.rel @p1 .LBB2_5-.Ltmp1, $4  }
0x232: {  	v2 =	vunpack.i.u.bf16.f32 v2;
	[tilespmem:s20+$0xC820] =	vst v3  }
0x233: {  	[tilespmem:s20+$0xC8A0] =	vst v2;
	v2 =	vunpack.i.l.bf16.f32 v1  }
0x234: {  	v1 =	vunpack.i.u.bf16.f32 v1;
	[tilespmem:s20+$0xC830] =	vst v2  }
0x235: {  	p0 =	por $0x0, $0x0;
	[tilespmem:s20+$0xC8B0] =	vst v1;
	s20 =	simm.s32 $0x40  }
0x236: {  	s18 =	sadd.s32 $0x1, s18  }
0x237: {  	p0 =	sne.s32 s18, $0xA  }
.Ltmp2:
0x238: {  	s19 =	sshll.u32 s19, $0x12;
	(pc) =	sbr.rel @p0 .LBB2_2-.Ltmp2, $4  }
0x239: {  	s19 =	sor.u32 s6, s19  }
0x23a: {  	s19 =	sshrl.u32 s19, $0x3  }
0x23b: {  	s19 =	sadd.s32 s3, s19  }
0x23c: {  	[hbm4b:s19+s13] =	stream.strided.scatter [tilespmem:s16], [sflag:$0x2], $0x2000, s14, s13, $0x38;
	[tilespmem:$0xC900] =	vst v63  }
0x23d: {  	s17 =	sadd.s32 $0x1, s17  }
0x23e: {  	_ =	swait.ge [sflag:s11], $0x2000;
	p0 =	sne.s32 s17, s7  }
.Ltmp3:
0x23f: {  	[sflag:s11] =	ssyncset.done $0x0;
	(pc) =	sbr.rel @p0 .LBB2_1-.Ltmp3, $4  }
0x240: {  	[sflag:s11] =	ssyncadd.s32 $0xFFFFE000  }
0x241: {  	_ =	swait.ge [sflag:s12], $0x2000  }
0x242: {  	[sflag:s12] =	ssyncset.done $0x0  }
0x243: {  	[sflag:s12] =	ssyncadd.s32 $0xFFFFE000  }
0x244: {  	_ =	sfence.sel $0x180000  }
0x245: {  	[bflag:$0x0] =	sbarrier.arrive $0xFFFF  }
0x246: {  	p0 =	sne.s32 s0, $0x0;
	_ =	strace $0x90000047  }
0x247: {  	s0 =	sadd.s32 @!p0 $0x100000, s1;
	[bflag:$0x2] =	sbarrier.arrive $0xFFFF  }
0x248: {  	[sflag:s0] =	ssyncadd.tile.s32 @!p0 $0x1;
	_ =	shalt  }
.Lfunc_end2:
_tile_overlayer_lowered:
.L_overlay_start_2:
0x249: {  	(tag) =	ssettag $0x2  }
0x24a: {  	s0 =	rddreg [dreg:$0x0];
	s2 =	stileid.u32  }
0x24b: {  	s1 =	rddreg [dreg:$0x1];
	p0 =	sne.s32 s2, $0x0  }
0x24c: {  	s3 =	rddreg [dreg:$0x2];
	[bflag:$0x3] =	sbarrier.arrive $0xFFFF;
	s2 =	simm.s32 @!p0 $0x1C03  }
0x24d: {  	[timem:s3], [sflag:s2] =	dma.local @!p0 [hbm:s0], s1  }
0x24e: {  	s0 =	simm.s32 @!p0 $0x3  }
0x24f: {  	_ =	swait.ge @!p0 [sflag:s0], s1  }
0x250: {  	s1 =	ssub.s32 @!p0 $0x0, s1;
	[sflag:s0] =	ssyncset.done @!p0 $0x0  }
0x251: {  	[sflag:s0] =	ssyncadd.s32 @!p0 s1  }
0x252: {  	[bflag:$0x3] =	sbarrier.arrive $0xFFFF  }
0x253: {  	_ =	shalt  }

</sc_bundles>
